<compile_context>
chip_gen: v7x
topology: tpu7x:2x2x1
jax: 0.10.2.dev20260603
libtpu: 0.0.44.dev20260713+nightly
codegen_flags: <defaults>
</compile_context>

<pallas_src>
import functools

import jax
import jax.numpy as jnp
from jax import lax
from jax.experimental import pallas as pl
from jax.experimental.pallas import tpu as pltpu
from jax.experimental.pallas import tpu_sc as plsc

N = 10000
M = 16
F = 128
NF = 16
G2 = 2 * F
MGL = 512
B = 8
APC = 1250
U = 1024
A_T = 400
E_T = A_T * M
GRID = N // A_T
NE = N * M
NW = 32
CH = 40
NCH = NE // (NW * CH)


def _sc_gather(table, idx3, nch, ch):
    nw, nrows, chp = idx3.shape
    rows_per_w = nch * ch
    mesh = plsc.VectorSubcoreMesh(core_axis_name="c", subcore_axis_name="s")

    @functools.partial(
        pl.kernel,
        out_type=jax.ShapeDtypeStruct((nw * rows_per_w, F), jnp.float32),
        mesh=mesh,
        scratch_types=[
            pltpu.VMEM((nrows, chp), jnp.int32),
            pltpu.VMEM((4, ch, F), jnp.float32),
            pltpu.SemaphoreType.DMA((4,)),
            pltpu.SemaphoreType.DMA((4,)),
        ],
    )
    def k(table_hbm, idx_hbm, out_hbm, idx_v, buf, sem_g, sem_o):
        wid = lax.axis_index("s") * 2 + lax.axis_index("c")
        base = wid * rows_per_w
        pltpu.sync_copy(idx_hbm.at[wid], idx_v)
        pltpu.async_copy(table_hbm.at[idx_v.at[0, pl.ds(0, ch)]], buf.at[0],
                         sem_g.at[0])
        if nch > 1:
            pltpu.async_copy(table_hbm.at[idx_v.at[1, pl.ds(0, ch)]],
                             buf.at[1], sem_g.at[1])

        def step(j, carry):
            slot = lax.rem(j, 4)
            pltpu.make_async_copy(
                table_hbm.at[idx_v.at[j, pl.ds(0, ch)]], buf.at[slot],
                sem_g.at[slot]).wait()
            pltpu.async_copy(buf.at[slot],
                             out_hbm.at[pl.ds(base + j * ch, ch)],
                             sem_o.at[slot])

            @pl.when(j >= 2)
            def _():
                oslot = lax.rem(j - 2, 4)
                pltpu.make_async_copy(
                    buf.at[oslot],
                    out_hbm.at[pl.ds(base + (j - 2) * ch, ch)],
                    sem_o.at[oslot]).wait()

            @pl.when(j + 2 < nch)
            def _():
                nslot = lax.rem(j + 2, 4)
                pltpu.async_copy(
                    table_hbm.at[idx_v.at[j + 2, pl.ds(0, ch)]],
                    buf.at[nslot], sem_g.at[nslot])

            return carry

        lax.fori_loop(0, nch, step, 0)
        for jt in range(max(nch - 2, 0), nch):
            pltpu.make_async_copy(
                buf.at[jt % 4],
                out_hbm.at[pl.ds(base + jt * ch, ch)],
                sem_o.at[jt % 4]).wait()

    return k(table, idx3)


def _ka0_body(ids_ref, emb_ref, w_ref, b_ref, af_ref, s_ref):
    ids = ids_ref[...]
    t = lax.broadcasted_iota(jnp.int32, (A_T, F), 1)
    oh = (ids == t).astype(jnp.float32)
    af = jnp.dot(oh, emb_ref[...], preferred_element_type=jnp.float32,
                 precision=lax.Precision.HIGHEST)
    af_ref[...] = af
    s_ref[...] = jnp.dot(af, w_ref[...],
                         preferred_element_type=jnp.float32,
                 precision=lax.Precision.DEFAULT) + b_ref[...]


def _ka_body(af_ref, ns_ref, sums2_ref, g2_ref, b2_ref, w_ref, b_ref,
             afo_ref, s_ref):
    mu = sums2_ref[0:1, :] / N
    var = sums2_ref[1:2, :] / N - mu * mu
    a = g2_ref[...] * lax.rsqrt(var + 1e-5)
    c = b2_ref[...] - mu * a
    af = jax.nn.softplus(af_ref[...] + ns_ref[...] * a + c)
    afo_ref[...] = af
    s_ref[...] = jnp.dot(af, w_ref[...],
                         preferred_element_type=jnp.float32,
                 precision=lax.Precision.DEFAULT) + b_ref[...]


def _kf_body(af_ref, ns_ref, sums2_ref, g2_ref, b2_ref, w_ref, b_ref,
             out_ref):
    mu = sums2_ref[0:1, :] / N
    var = sums2_ref[1:2, :] / N - mu * mu
    a = g2_ref[...] * lax.rsqrt(var + 1e-5)
    c = b2_ref[...] - mu * a
    af = jax.nn.softplus(af_ref[...] + ns_ref[...] * a + c)
    out_ref[...] = jnp.dot(af, w_ref[...],
                           preferred_element_type=jnp.float32,
                 precision=lax.Precision.DEFAULT) + b_ref[...]


def _xe(g_ref, nbrf_ref, wn, we):
    x = jnp.dot(g_ref[...], wn, preferred_element_type=jnp.float32)
    e = jnp.dot(nbrf_ref[...].reshape(E_T, NF), we,
                preferred_element_type=jnp.float32)
    return x + e


def _kc_body(g_ref, s_ref, nbrf_ref, wn_ref, we_ref, sums_ref, acc_ref):
    step = pl.program_id(0)

    @pl.when(step == 0)
    def _():
        acc_ref[...] = jnp.zeros_like(acc_ref)

    xe = _xe(g_ref, nbrf_ref, wn_ref[...], we_ref[...])
    sblk = s_ref[...]
    t = jnp.sum(xe.reshape(A_T, M, G2), axis=1)
    s1 = (jnp.sum(xe, axis=0, keepdims=True)
          + M * jnp.sum(sblk, axis=0, keepdims=True))
    s2 = (jnp.sum(xe * xe, axis=0, keepdims=True)
          + 2.0 * jnp.sum(sblk * t, axis=0, keepdims=True)
          + M * jnp.sum(sblk * sblk, axis=0, keepdims=True))
    acc_ref[...] += jnp.concatenate([s1, s2], axis=0)

    @pl.when(step == GRID - 1)
    def _():
        sums_ref[...] = acc_ref[...]


def _kd_body(g_ref, s_ref, nbrf_ref, wn_ref, we_ref, sums1_ref, g1_ref,
             b1_ref, ns_ref, sums2_ref, acc_ref):
    step = pl.program_id(0)

    @pl.when(step == 0)
    def _():
        acc_ref[...] = jnp.zeros_like(acc_ref)

    mu = sums1_ref[0:1, :] / NE
    var = sums1_ref[1:2, :] / NE - mu * mu
    a = g1_ref[...] * lax.rsqrt(var + 1e-5)
    c = b1_ref[...] - mu * a
    xe = _xe(g_ref, nbrf_ref, wn_ref[...] * a, we_ref[...] * a)
    sp = s_ref[...] * a + c
    norm = (xe.reshape(A_T, M, G2)
            + sp.reshape(A_T, 1, G2)).reshape(E_T, G2)
    contrib = jax.nn.sigmoid(norm[:, :F]) * jax.nn.softplus(norm[:, F:])
    ns = jnp.sum(contrib.reshape(A_T, M, F), axis=1)
    ns_ref[...] = ns
    s1 = jnp.sum(ns, axis=0, keepdims=True)
    s2 = jnp.sum(ns * ns, axis=0, keepdims=True)
    acc_ref[...] += jnp.concatenate([s1, s2], axis=0)

    @pl.when(step == GRID - 1)
    def _():
        sums2_ref[...] = acc_ref[...]


def _kr_body(cnt_ref, cntT_ref, uniT_ref, cai_ref, out_ref):
    cnt = cnt_ref[...].reshape(1, U)
    cntT = cntT_ref[...].reshape(U, 1)
    uniT = uniT_ref[...].reshape(U, 1)
    cai = cai_ref[...].reshape(1, 1280)
    jl = lax.broadcasted_iota(jnp.int32, (1, U), 1)
    key_lane = cnt * U + (U - 1) - jl
    il = lax.broadcasted_iota(jnp.int32, (U, 1), 0)
    key_sub = cntT * U + (U - 1) - il
    rank = jnp.sum((key_lane > key_sub).astype(jnp.int32),
                   axis=1, keepdims=True)
    tt = lax.broadcasted_iota(jnp.int32, (U, 1280), 1)
    match = jnp.where(tt == uniT, cai, 0.0)
    comp = jnp.sum(match, axis=1, keepdims=True)
    pp = lax.broadcasted_iota(jnp.int32, (U, MGL), 1)
    frow = jnp.sum(jnp.where(rank == pp, comp, 0.0),
                   axis=0, keepdims=True)
    out_ref[...] = frow.astype(jnp.int32).reshape(1, 1, MGL)


def _kmask_body(rows_ref, mask_ref):
    s = jnp.sum(rows_ref[...], axis=1, keepdims=True)
    mask_ref[...] = (s != 0.0).astype(jnp.float32)


_SEQ = pltpu.CompilerParams(dimension_semantics=("arbitrary",))


def _full(shape):
    return pl.BlockSpec(shape, lambda i: tuple(0 for _ in shape))


def _ka0(ids2, emb_pad, w_self, bias):
    return pl.pallas_call(
        _ka0_body,
        grid=(GRID,),
        in_specs=[pl.BlockSpec((A_T, 1), lambda i: (i, 0)),
                  _full((F, F)), _full((F, G2)), _full((1, G2))],
        out_specs=[pl.BlockSpec((A_T, F), lambda i: (i, 0)),
                   pl.BlockSpec((A_T, G2), lambda i: (i, 0))],
        out_shape=[jax.ShapeDtypeStruct((N, F), jnp.float32),
                   jax.ShapeDtypeStruct((N, G2), jnp.float32)],
        compiler_params=_SEQ,
    )(ids2, emb_pad, w_self, bias)


def _ka(af, ns, sums2, g2, b2, w_self, bias):
    return pl.pallas_call(
        _ka_body,
        grid=(GRID,),
        in_specs=[pl.BlockSpec((A_T, F), lambda i: (i, 0)),
                  pl.BlockSpec((A_T, F), lambda i: (i, 0)),
                  _full((2, F)), _full((1, F)), _full((1, F)),
                  _full((F, G2)), _full((1, G2))],
        out_specs=[pl.BlockSpec((A_T, F), lambda i: (i, 0)),
                   pl.BlockSpec((A_T, G2), lambda i: (i, 0))],
        out_shape=[jax.ShapeDtypeStruct((N, F), jnp.float32),
                   jax.ShapeDtypeStruct((N, G2), jnp.float32)],
        compiler_params=_SEQ,
    )(af, ns, sums2, g2, b2, w_self, bias)


def _kf(af, ns, sums2, g2, b2, out_w, out_b):
    return pl.pallas_call(
        _kf_body,
        grid=(GRID,),
        in_specs=[pl.BlockSpec((A_T, F), lambda i: (i, 0)),
                  pl.BlockSpec((A_T, F), lambda i: (i, 0)),
                  _full((2, F)), _full((1, F)), _full((1, F)),
                  _full((F, F)), _full((1, F))],
        out_specs=pl.BlockSpec((A_T, F), lambda i: (i, 0)),
        out_shape=jax.ShapeDtypeStruct((N, F), jnp.float32),
        compiler_params=_SEQ,
    )(af, ns, sums2, g2, b2, out_w, out_b)


def _kc(g, s, nbrf, w_nbr, w_e):
    return pl.pallas_call(
        _kc_body,
        grid=(GRID,),
        in_specs=[pl.BlockSpec((E_T, F), lambda i: (i, 0)),
                  pl.BlockSpec((A_T, G2), lambda i: (i, 0)),
                  pl.BlockSpec((A_T, M, NF), lambda i: (i, 0, 0)),
                  _full((F, G2)), _full((NF, G2))],
        out_specs=_full((2, G2)),
        out_shape=jax.ShapeDtypeStruct((2, G2), jnp.float32),
        scratch_shapes=[pltpu.VMEM((2, G2), jnp.float32)],
        compiler_params=_SEQ,
    )(g, s, nbrf, w_nbr, w_e)


def _kd(g, s, nbrf, w_nbr, w_e, sums1, g1, b1):
    return pl.pallas_call(
        _kd_body,
        grid=(GRID,),
        in_specs=[pl.BlockSpec((E_T, F), lambda i: (i, 0)),
                  pl.BlockSpec((A_T, G2), lambda i: (i, 0)),
                  pl.BlockSpec((A_T, M, NF), lambda i: (i, 0, 0)),
                  _full((F, G2)), _full((NF, G2)),
                  _full((2, G2)), _full((1, G2)), _full((1, G2))],
        out_specs=[pl.BlockSpec((A_T, F), lambda i: (i, 0)),
                   _full((2, F))],
        out_shape=[jax.ShapeDtypeStruct((N, F), jnp.float32),
                   jax.ShapeDtypeStruct((2, F), jnp.float32)],
        scratch_shapes=[pltpu.VMEM((2, F), jnp.float32)],
        compiler_params=_SEQ,
    )(g, s, nbrf, w_nbr, w_e, sums1, g1, b1)


def _kr(cnt3, cntT3, uni3, caiT3):
    return pl.pallas_call(
        _kr_body,
        grid=(B,),
        in_specs=[pl.BlockSpec((1, 1, U), lambda b: (b, 0, 0)),
                  pl.BlockSpec((1, U, 1), lambda b: (b, 0, 0)),
                  pl.BlockSpec((1, U, 1), lambda b: (b, 0, 0)),
                  pl.BlockSpec((1, 1, 1280), lambda b: (b, 0, 0))],
        out_specs=pl.BlockSpec((1, 1, MGL), lambda b: (b, 0, 0)),
        out_shape=jax.ShapeDtypeStruct((B, 1, MGL), jnp.int32),
        compiler_params=_SEQ,
    )(cnt3, cntT3, uni3, caiT3)


def _kmask(rows):
    return pl.pallas_call(
        _kmask_body,
        out_shape=jax.ShapeDtypeStruct((B * MGL, 1), jnp.float32),
    )(rows)


def kernel(atom_num, nbr_idx, nbr_fea, crystal_atom_idx, uni_idx, uni_count,
           emb, fc_w, fc_b, bn1_g, bn1_b, bn2_g, bn2_b, out_w, out_b):
    ids2 = atom_num.astype(jnp.int32).reshape(N, 1)
    emb_pad = jnp.pad(emb, ((0, F - emb.shape[0]), (0, 0)))
    idx3 = jnp.pad(nbr_idx.astype(jnp.int32).reshape(NW, NCH, CH),
                   ((0, 0), (0, 128 - NCH), (0, 128 - CH)))
    nbrf = nbr_fea

    af = None
    ns = None
    sums2 = None
    for i in range(3):
        w_self = fc_w[i, :F, :]
        w_nbr = fc_w[i, F:2 * F, :]
        w_e = fc_w[i, 2 * F:, :]
        bias = fc_b[i].reshape(1, G2)
        g1 = bn1_g[i].reshape(1, G2)
        b1 = bn1_b[i].reshape(1, G2)
        if i == 0:
            af, s = _ka0(ids2, emb_pad, w_self, bias)
        else:
            af, s = _ka(af, ns, sums2, bn2_g[i - 1].reshape(1, F),
                        bn2_b[i - 1].reshape(1, F), w_self, bias)
        g = _sc_gather(af, idx3, NCH, CH)
        sums1 = _kc(g, s, nbrf, w_nbr, w_e)
        ns, sums2 = _kd(g, s, nbrf, w_nbr, w_e, sums1, g1, b1)

    out_af = _kf(af, ns, sums2, bn2_g[2].reshape(1, F),
                 bn2_b[2].reshape(1, F), out_w, out_b.reshape(1, F))

    cnt = uni_count.astype(jnp.int32)
    cai3 = jnp.pad(crystal_atom_idx.astype(jnp.float32),
                   ((0, 0), (0, 1280 - APC))).reshape(B, 1, 1280)
    frow = _kr(cnt.reshape(B, 1, U), cnt.reshape(B, U, 1),
               uni_idx.astype(jnp.int32).reshape(B, U, 1), cai3)
    frow_pad = jnp.pad(frow.reshape(NW, 1, B * MGL // NW),
                       ((0, 0), (0, 7), (0, 0)))
    rows = _sc_gather(out_af, frow_pad, 1, B * MGL // NW)
    mask = _kmask(rows)
    return rows.reshape(B, MGL, F), mask.reshape(B, MGL)

# --- scband reference (transcript-rebuilt; emitter-appended) ---
"""Pipeline reference for scband-graph-embeddings-uni-index-66073776881703 (READ-ONLY COPY).

The authoritative reference and input builder live on the scoring server;
editing this copy changes nothing except your own understanding.
"""

import jax, jax.numpy as jnp
import numpy as np

ATOM_FEA = 128
NBR_FEA = 16
MAX_GRAPH_LEN = 512
HID = 128
N_CONV = 3
N = 10000
M = 16
B = 8
APC = 1250
U = 1024


def setup_inputs(seed: int = 0) -> dict:
    key = jax.random.key(seed)
    ks = jax.random.split(key, 12)
    inp = {}
    inp["atom_num"] = jax.random.randint(ks[0], (N,), 0, 119)
    inp["nbr_idx"] = jax.random.randint(ks[1], (N, M), 0, N)
    inp["nbr_fea"] = jax.random.normal(ks[2], (N, M, NBR_FEA), dtype=jnp.float32)
    inp["crystal_atom_idx"] = jax.random.randint(ks[3], (B, APC), 0, N)
    inp["uni_idx"] = jax.random.randint(ks[4], (B, U), 0, APC)
    inp["uni_count"] = jax.random.randint(ks[5], (B, U), 0, 1000)
    inp["emb"] = jax.random.normal(ks[6], (119, ATOM_FEA), dtype=jnp.float32)
    inp["fc_w"] = jax.random.normal(ks[7], (N_CONV, 2 * ATOM_FEA + NBR_FEA, 2 * ATOM_FEA), dtype=jnp.float32) * 0.05
    inp["fc_b"] = jnp.zeros((N_CONV, 2 * ATOM_FEA), dtype=jnp.float32)
    inp["bn1_g"] = jnp.ones((N_CONV, 2 * ATOM_FEA), dtype=jnp.float32)
    inp["bn1_b"] = jnp.zeros((N_CONV, 2 * ATOM_FEA), dtype=jnp.float32)
    inp["bn2_g"] = jnp.ones((N_CONV, ATOM_FEA), dtype=jnp.float32)
    inp["bn2_b"] = jnp.zeros((N_CONV, ATOM_FEA), dtype=jnp.float32)
    inp["out_w"] = jax.random.normal(ks[8], (ATOM_FEA, HID), dtype=jnp.float32) * 0.05
    inp["out_b"] = jnp.zeros((HID,), dtype=jnp.float32)
    return inp


def _bn(x, g, b):
    # BatchNorm1d in training mode: batch mean / biased batch var
    mu = x.mean(axis=0)
    var = x.var(axis=0)
    return (x - mu) / jnp.sqrt(var + 1e-5) * g + b


def _conv(atom_fea, nbr_fea, nbr_idx, w, bias, g1, b1, g2, b2):
    n, m = nbr_idx.shape
    atom_nbr_fea = atom_fea[nbr_idx, :]  # gather [N, M, F]
    self_fea = jnp.broadcast_to(atom_fea[:, None, :], (n, m, ATOM_FEA))
    total = jnp.concatenate([self_fea, atom_nbr_fea, nbr_fea], axis=2)
    gated = total @ w + bias  # [N, M, 2F]
    gated = _bn(gated.reshape(-1, 2 * ATOM_FEA), g1, b1).reshape(n, m, 2 * ATOM_FEA)
    nbr_filter, nbr_core = jnp.split(gated, 2, axis=2)
    nbr_filter = jax.nn.sigmoid(nbr_filter)
    nbr_core = jax.nn.softplus(nbr_core)
    nbr_sumed = jnp.sum(nbr_filter * nbr_core, axis=1)
    nbr_sumed = _bn(nbr_sumed, g2, b2)
    return jax.nn.softplus(atom_fea + nbr_sumed)


def reference(atom_num, nbr_idx, nbr_fea, crystal_atom_idx, uni_idx, uni_count,
              emb, fc_w, fc_b, bn1_g, bn1_b, bn2_g, bn2_b, out_w, out_b):
    atom_fea = emb[atom_num]  # embedding lookup [N, ATOM_FEA]
    for i in range(N_CONV):
        atom_fea = _conv(atom_fea, nbr_fea, nbr_idx, fc_w[i], fc_b[i],
                         bn1_g[i], bn1_b[i], bn2_g[i], bn2_b[i])
    atom_fea = atom_fea @ out_w + out_b  # [N, HID]
    outs = []
    for bi in range(B):
        order = jnp.argsort(-uni_count[bi])  # descending sort by count
        final_idx = uni_idx[bi][order][:MAX_GRAPH_LEN]
        outs.append(atom_fea[crystal_atom_idx[bi]][final_idx])
    new_atom_fea = jnp.stack(outs)  # [B, MAX_GRAPH_LEN, HID]
    mask = (new_atom_fea.sum(axis=-1) != 0).astype(jnp.float32)
    return (new_atom_fea, mask)

if __name__ == "__main__":
    import jax
    _d = setup_inputs()
    print(jax.jit(kernel)(*tuple(_d.values())))

</pallas_src>

<mosaic_0001>
#map = affine_map<(d0, d1) -> (0, 0)>
#map1 = affine_map<(d0, d1) -> (0, 0, 0)>
module attributes {stable_mosaic.version = 14 : i64} {
  func.func @k(%arg0: i32, %arg1: i32, %arg2: memref<10000x128xf32, #tpu.memory_space<hbm>>, %arg3: memref<32x128x128xi32, #tpu.memory_space<hbm>>, %arg4: memref<160000x128xf32, #tpu.memory_space<hbm>>, %arg5: memref<128x128xi32, #tpu.memory_space<vmem>>, %arg6: memref<4x40x128xf32, #tpu.memory_space<vmem>>, %arg7: memref<4x!tpu.dma_semaphore, #tpu.memory_space<semaphore_mem>>, %arg8: memref<4x!tpu.dma_semaphore, #tpu.memory_space<semaphore_mem>>) attributes {dimension_semantics = [#tpu.dimension_semantics<core_parallel>, #tpu.dimension_semantics<subcore_parallel>], iteration_bounds = array<i64: 2, 16>, scalar_prefetch = 0 : i64, scratch_operands = 4 : i64, tpu.core_type = #tpu.core_type<sc_vector_subcore>, window_params = [{transform_indices = #map}, {transform_indices = #map1}, {transform_indices = #map}]} {
    %mul3A = arith.constant 2 : i32
    %mul3A_0 = arith.muli %arg1, %mul3A : i32
    %add3A = arith.addi %mul3A_0, %arg0 : i32
    %mul3A_1 = arith.constant 5000 : i32
    %mul3A_2 = arith.muli %add3A, %mul3A_1 : i32
    "tpu.region"() ({
      %run_scoped3A = tpu.sem_alloc : memref<!tpu.dma_semaphore, #tpu.memory_space<semaphore_mem>>
      %dma_start3A_72 = arith.constant 0 : i32
      %dma_start3A_73 = arith.constant 0 : i32
      %dma_start3A_74 = tpu.memref_slice %arg3[%add3A, %dma_start3A_72, %dma_start3A_73] : memref<32x128x128xi32, #tpu.memory_space<hbm>> -> memref<1x128x128xi32, #tpu.memory_space<hbm>>
      %dma_start3A_75 = tpu.memref_squeeze %dma_start3A_74 : memref<1x128x128xi32, #tpu.memory_space<hbm>> -> memref<128x128xi32, #tpu.memory_space<hbm>>
      %dma_start3A_76 = arith.constant 0 : i32
      %dma_start3A_77 = arith.constant 0 : i32
      %dma_start3A_78 = tpu.memref_slice %arg3[%add3A, %dma_start3A_76, %dma_start3A_77] : memref<32x128x128xi32, #tpu.memory_space<hbm>> -> memref<1x128x128xi32, #tpu.memory_space<hbm>>
      %dma_start3A_79 = tpu.memref_squeeze %dma_start3A_78 : memref<1x128x128xi32, #tpu.memory_space<hbm>> -> memref<128x128xi32, #tpu.memory_space<hbm>>
      tpu.enqueue_dma source(%dma_start3A_79 : memref<128x128xi32, #tpu.memory_space<hbm>>) target(%arg5 : memref<128x128xi32, #tpu.memory_space<vmem>>) target_semaphore(%run_scoped3A : memref<!tpu.dma_semaphore, #tpu.memory_space<semaphore_mem>>)
      %dma_wait3A_80 = arith.constant 0 : i32
      %dma_wait3A_81 = arith.constant 0 : i32
      %dma_wait3A_82 = tpu.memref_slice %arg3[%add3A, %dma_wait3A_80, %dma_wait3A_81] : memref<32x128x128xi32, #tpu.memory_space<hbm>> -> memref<1x128x128xi32, #tpu.memory_space<hbm>>
      %dma_wait3A_83 = tpu.memref_squeeze %dma_wait3A_82 : memref<1x128x128xi32, #tpu.memory_space<hbm>> -> memref<128x128xi32, #tpu.memory_space<hbm>>
      %dma_wait3A_84 = arith.constant 0 : i32
      %dma_wait3A_85 = arith.constant 0 : i32
      %dma_wait3A_86 = tpu.memref_slice %arg3[%add3A, %dma_wait3A_84, %dma_wait3A_85] : memref<32x128x128xi32, #tpu.memory_space<hbm>> -> memref<1x128x128xi32, #tpu.memory_space<hbm>>
      %dma_wait3A_87 = tpu.memref_squeeze %dma_wait3A_86 : memref<1x128x128xi32, #tpu.memory_space<hbm>> -> memref<128x128xi32, #tpu.memory_space<hbm>>
      tpu.wait_dma2 semaphore(%run_scoped3A : memref<!tpu.dma_semaphore, #tpu.memory_space<semaphore_mem>>) src(%dma_wait3A_87 : memref<128x128xi32, #tpu.memory_space<hbm>>) dst(%arg5 : memref<128x128xi32, #tpu.memory_space<vmem>>)
      tpu.yield
    }) : () -> ()
    %dma_start3A = arith.constant 0 : i32
    %dma_start3A_3 = arith.constant 0 : i32
    %dma_start3A_4 = arith.constant 0 : i32
    %dma_start3A_5 = arith.constant 0 : i32
    %dma_start3A_6 = arith.constant 0 : i32
    %dma_start3A_7 = tpu.memref_slice %arg6[%dma_start3A_3, %dma_start3A_5, %dma_start3A_6] : memref<4x40x128xf32, #tpu.memory_space<vmem>> -> memref<1x40x128xf32, #tpu.memory_space<vmem>>
    %dma_start3A_8 = tpu.memref_squeeze %dma_start3A_7 : memref<1x40x128xf32, #tpu.memory_space<vmem>> -> memref<40x128xf32, #tpu.memory_space<vmem>>
    %dma_start3A_9 = arith.constant 0 : i32
    %dma_start3A_10 = tpu.memref_slice %arg5[%dma_start3A, %dma_start3A_9] : memref<128x128xi32, #tpu.memory_space<vmem>> -> memref<1x40xi32, #tpu.memory_space<vmem>>
    %dma_start3A_11 = tpu.memref_squeeze %dma_start3A_10 : memref<1x40xi32, #tpu.memory_space<vmem>> -> memref<40xi32, #tpu.memory_space<vmem>>
    %dma_start3A_12 = arith.constant 0 : i32
    %dma_start3A_13 = arith.constant 0 : i32
    %dma_start3A_14 = tpu.memref_slice %arg2[%dma_start3A_12, %dma_start3A_13] : memref<10000x128xf32, #tpu.memory_space<hbm>> -> memref<10000x128xf32, #tpu.memory_space<hbm>>
    %dma_start3A_15 = tpu.memref_slice %arg7[%dma_start3A_4] : memref<4x!tpu.dma_semaphore, #tpu.memory_space<semaphore_mem>> -> memref<1x!tpu.dma_semaphore, #tpu.memory_space<semaphore_mem>>
    %dma_start3A_16 = tpu.memref_squeeze %dma_start3A_15 : memref<1x!tpu.dma_semaphore, #tpu.memory_space<semaphore_mem>> -> memref<!tpu.dma_semaphore, #tpu.memory_space<semaphore_mem>>
    tpu.enqueue_indirect_dma source(%dma_start3A_14 : memref<10000x128xf32, #tpu.memory_space<hbm>>) target(%dma_start3A_8 : memref<40x128xf32, #tpu.memory_space<vmem>>) offsets(%dma_start3A_11 : memref<40xi32, #tpu.memory_space<vmem>>) semaphore(%dma_start3A_16 : memref<!tpu.dma_semaphore, #tpu.memory_space<semaphore_mem>>)
    %dma_start3A_17 = arith.constant 1 : i32
    %dma_start3A_18 = arith.constant 1 : i32
    %dma_start3A_19 = arith.constant 1 : i32
    %dma_start3A_20 = arith.constant 0 : i32
    %dma_start3A_21 = arith.constant 0 : i32
    %dma_start3A_22 = tpu.memref_slice %arg6[%dma_start3A_18, %dma_start3A_20, %dma_start3A_21] : memref<4x40x128xf32, #tpu.memory_space<vmem>> -> memref<1x40x128xf32, #tpu.memory_space<vmem>>
    %dma_start3A_23 = tpu.memref_squeeze %dma_start3A_22 : memref<1x40x128xf32, #tpu.memory_space<vmem>> -> memref<40x128xf32, #tpu.memory_space<vmem>>
    %dma_start3A_24 = arith.constant 0 : i32
    %dma_start3A_25 = tpu.memref_slice %arg5[%dma_start3A_17, %dma_start3A_24] : memref<128x128xi32, #tpu.memory_space<vmem>> -> memref<1x40xi32, #tpu.memory_space<vmem>>
    %dma_start3A_26 = tpu.memref_squeeze %dma_start3A_25 : memref<1x40xi32, #tpu.memory_space<vmem>> -> memref<40xi32, #tpu.memory_space<vmem>>
    %dma_start3A_27 = arith.constant 0 : i32
    %dma_start3A_28 = arith.constant 0 : i32
    %dma_start3A_29 = tpu.memref_slice %arg2[%dma_start3A_27, %dma_start3A_28] : memref<10000x128xf32, #tpu.memory_space<hbm>> -> memref<10000x128xf32, #tpu.memory_space<hbm>>
    %dma_start3A_30 = tpu.memref_slice %arg7[%dma_start3A_19] : memref<4x!tpu.dma_semaphore, #tpu.memory_space<semaphore_mem>> -> memref<1x!tpu.dma_semaphore, #tpu.memory_space<semaphore_mem>>
    %dma_start3A_31 = tpu.memref_squeeze %dma_start3A_30 : memref<1x!tpu.dma_semaphore, #tpu.memory_space<semaphore_mem>> -> memref<!tpu.dma_semaphore, #tpu.memory_space<semaphore_mem>>
    tpu.enqueue_indirect_dma source(%dma_start3A_29 : memref<10000x128xf32, #tpu.memory_space<hbm>>) target(%dma_start3A_23 : memref<40x128xf32, #tpu.memory_space<vmem>>) offsets(%dma_start3A_26 : memref<40xi32, #tpu.memory_space<vmem>>) semaphore(%dma_start3A_31 : memref<!tpu.dma_semaphore, #tpu.memory_space<semaphore_mem>>)
    %scan3A = arith.constant 0 : i32
    %scan3A_32 = arith.constant 0 : i32
    %scan3A_33 = arith.constant 125 : i32
    %scan3A_34 = arith.addi %scan3A_32, %scan3A_33 : i32
    %scan3A_35 = arith.constant 1 : i32
    scf.for %scan3A_72 = %scan3A_32 to %scan3A_34 step %scan3A_35  : i32 {
      %rem3A = arith.constant 4 : i32
      %rem3A_73 = arith.remsi %scan3A_72, %rem3A : i32
      %dma_wait3A_74 = arith.constant 0 : i32
      %dma_wait3A_75 = arith.constant 0 : i32
      %dma_wait3A_76 = tpu.memref_slice %arg6[%rem3A_73, %dma_wait3A_74, %dma_wait3A_75] : memref<4x40x128xf32, #tpu.memory_space<vmem>> -> memref<1x40x128xf32, #tpu.memory_space<vmem>>
      %dma_wait3A_77 = tpu.memref_squeeze %dma_wait3A_76 : memref<1x40x128xf32, #tpu.memory_space<vmem>> -> memref<40x128xf32, #tpu.memory_space<vmem>>
      %dma_wait3A_78 = arith.constant 0 : i32
      %dma_wait3A_79 = tpu.memref_slice %arg5[%scan3A_72, %dma_wait3A_78] : memref<128x128xi32, #tpu.memory_space<vmem>> -> memref<1x40xi32, #tpu.memory_space<vmem>>
      %dma_wait3A_80 = tpu.memref_squeeze %dma_wait3A_79 : memref<1x40xi32, #tpu.memory_space<vmem>> -> memref<40xi32, #tpu.memory_space<vmem>>
      %dma_wait3A_81 = arith.constant 0 : i32
      %dma_wait3A_82 = arith.constant 0 : i32
      %dma_wait3A_83 = tpu.memref_slice %arg2[%dma_wait3A_81, %dma_wait3A_82] : memref<10000x128xf32, #tpu.memory_space<hbm>> -> memref<10000x128xf32, #tpu.memory_space<hbm>>
      %dma_wait3A_84 = tpu.memref_slice %arg7[%rem3A_73] : memref<4x!tpu.dma_semaphore, #tpu.memory_space<semaphore_mem>> -> memref<1x!tpu.dma_semaphore, #tpu.memory_space<semaphore_mem>>
      %dma_wait3A_85 = tpu.memref_squeeze %dma_wait3A_84 : memref<1x!tpu.dma_semaphore, #tpu.memory_space<semaphore_mem>> -> memref<!tpu.dma_semaphore, #tpu.memory_space<semaphore_mem>>
      tpu.wait_indirect_dma semaphore(%dma_wait3A_85 : memref<!tpu.dma_semaphore, #tpu.memory_space<semaphore_mem>>) src(%dma_wait3A_83 : memref<10000x128xf32, #tpu.memory_space<hbm>>) dst(%dma_wait3A_77 : memref<40x128xf32, #tpu.memory_space<vmem>>)
      %mul3A_86 = arith.constant 40 : i32
      %mul3A_87 = arith.muli %scan3A_72, %mul3A_86 : i32
      %add3A_88 = arith.addi %mul3A_2, %mul3A_87 : i32
      %dma_start3A_89 = arith.constant 0 : i32
      %dma_start3A_90 = arith.constant 0 : i32
      %dma_start3A_91 = tpu.memref_slice %arg6[%rem3A_73, %dma_start3A_89, %dma_start3A_90] : memref<4x40x128xf32, #tpu.memory_space<vmem>> -> memref<1x40x128xf32, #tpu.memory_space<vmem>>
      %dma_start3A_92 = tpu.memref_squeeze %dma_start3A_91 : memref<1x40x128xf32, #tpu.memory_space<vmem>> -> memref<40x128xf32, #tpu.memory_space<vmem>>
      %dma_start3A_93 = arith.constant 0 : i32
      %dma_start3A_94 = tpu.memref_slice %arg4[%add3A_88, %dma_start3A_93] : memref<160000x128xf32, #tpu.memory_space<hbm>> -> memref<40x128xf32, #tpu.memory_space<hbm>>
      %dma_start3A_95 = tpu.memref_slice %arg8[%rem3A_73] : memref<4x!tpu.dma_semaphore, #tpu.memory_space<semaphore_mem>> -> memref<1x!tpu.dma_semaphore, #tpu.memory_space<semaphore_mem>>
      %dma_start3A_96 = tpu.memref_squeeze %dma_start3A_95 : memref<1x!tpu.dma_semaphore, #tpu.memory_space<semaphore_mem>> -> memref<!tpu.dma_semaphore, #tpu.memory_space<semaphore_mem>>
      %dma_start3A_97 = arith.constant 0 : i32
      %dma_start3A_98 = tpu.memref_slice %arg4[%add3A_88, %dma_start3A_97] : memref<160000x128xf32, #tpu.memory_space<hbm>> -> memref<40x128xf32, #tpu.memory_space<hbm>>
      %dma_start3A_99 = arith.constant 0 : i32
      %dma_start3A_100 = arith.constant 0 : i32
      %dma_start3A_101 = tpu.memref_slice %arg6[%rem3A_73, %dma_start3A_99, %dma_start3A_100] : memref<4x40x128xf32, #tpu.memory_space<vmem>> -> memref<1x40x128xf32, #tpu.memory_space<vmem>>
      %dma_start3A_102 = tpu.memref_squeeze %dma_start3A_101 : memref<1x40x128xf32, #tpu.memory_space<vmem>> -> memref<40x128xf32, #tpu.memory_space<vmem>>
      tpu.enqueue_dma source(%dma_start3A_102 : memref<40x128xf32, #tpu.memory_space<vmem>>) target(%dma_start3A_98 : memref<40x128xf32, #tpu.memory_space<hbm>>) target_semaphore(%dma_start3A_96 : memref<!tpu.dma_semaphore, #tpu.memory_space<semaphore_mem>>)
      %ge3A = arith.constant 2 : i32
      %ge3A_103 = arith.cmpi sge, %scan3A_72, %ge3A : i32
      %convert_element_type3A = arith.extui %ge3A_103 : i1 to i32
      %cond3A = arith.constant 0 : i32
      %cond3A_104 = arith.cmpi ne, %convert_element_type3A, %cond3A : i32
      scf.if %cond3A_104 {
        %sub3A = arith.constant 2 : i32
        %sub3A_111 = arith.subi %scan3A_72, %sub3A : i32
        %rem3A_112 = arith.constant 4 : i32
        %rem3A_113 = arith.remsi %sub3A_111, %rem3A_112 : i32
        %sub3A_114 = arith.constant 2 : i32
        %sub3A_115 = arith.subi %scan3A_72, %sub3A_114 : i32
        %mul3A_116 = arith.constant 40 : i32
        %mul3A_117 = arith.muli %sub3A_115, %mul3A_116 : i32
        %add3A_118 = arith.addi %mul3A_2, %mul3A_117 : i32
        %dma_wait3A_119 = arith.constant 0 : i32
        %dma_wait3A_120 = arith.constant 0 : i32
        %dma_wait3A_121 = tpu.memref_slice %arg6[%rem3A_113, %dma_wait3A_119, %dma_wait3A_120] : memref<4x40x128xf32, #tpu.memory_space<vmem>> -> memref<1x40x128xf32, #tpu.memory_space<vmem>>
        %dma_wait3A_122 = tpu.memref_squeeze %dma_wait3A_121 : memref<1x40x128xf32, #tpu.memory_space<vmem>> -> memref<40x128xf32, #tpu.memory_space<vmem>>
        %dma_wait3A_123 = arith.constant 0 : i32
        %dma_wait3A_124 = tpu.memref_slice %arg4[%add3A_118, %dma_wait3A_123] : memref<160000x128xf32, #tpu.memory_space<hbm>> -> memref<40x128xf32, #tpu.memory_space<hbm>>
        %dma_wait3A_125 = tpu.memref_slice %arg8[%rem3A_113] : memref<4x!tpu.dma_semaphore, #tpu.memory_space<semaphore_mem>> -> memref<1x!tpu.dma_semaphore, #tpu.memory_space<semaphore_mem>>
        %dma_wait3A_126 = tpu.memref_squeeze %dma_wait3A_125 : memref<1x!tpu.dma_semaphore, #tpu.memory_space<semaphore_mem>> -> memref<!tpu.dma_semaphore, #tpu.memory_space<semaphore_mem>>
        %dma_wait3A_127 = arith.constant 0 : i32
        %dma_wait3A_128 = tpu.memref_slice %arg4[%add3A_118, %dma_wait3A_127] : memref<160000x128xf32, #tpu.memory_space<hbm>> -> memref<40x128xf32, #tpu.memory_space<hbm>>
        %dma_wait3A_129 = arith.constant 0 : i32
        %dma_wait3A_130 = arith.constant 0 : i32
        %dma_wait3A_131 = tpu.memref_slice %arg6[%rem3A_113, %dma_wait3A_129, %dma_wait3A_130] : memref<4x40x128xf32, #tpu.memory_space<vmem>> -> memref<1x40x128xf32, #tpu.memory_space<vmem>>
        %dma_wait3A_132 = tpu.memref_squeeze %dma_wait3A_131 : memref<1x40x128xf32, #tpu.memory_space<vmem>> -> memref<40x128xf32, #tpu.memory_space<vmem>>
        tpu.wait_dma2 semaphore(%dma_wait3A_126 : memref<!tpu.dma_semaphore, #tpu.memory_space<semaphore_mem>>) src(%dma_wait3A_132 : memref<40x128xf32, #tpu.memory_space<vmem>>) dst(%dma_wait3A_128 : memref<40x128xf32, #tpu.memory_space<hbm>>)
      } else {
      }
      %add3A_105 = arith.constant 2 : i32
      %add3A_106 = arith.addi %scan3A_72, %add3A_105 : i32
      %lt3A = arith.constant 125 : i32
      %lt3A_107 = arith.cmpi slt, %add3A_106, %lt3A : i32
      %convert_element_type3A_108 = arith.extui %lt3A_107 : i1 to i32
      %cond3A_109 = arith.constant 0 : i32
      %cond3A_110 = arith.cmpi ne, %convert_element_type3A_108, %cond3A_109 : i32
      scf.if %cond3A_110 {
        %add3A_111 = arith.constant 2 : i32
        %add3A_112 = arith.addi %scan3A_72, %add3A_111 : i32
        %rem3A_113 = arith.constant 4 : i32
        %rem3A_114 = arith.remsi %add3A_112, %rem3A_113 : i32
        %add3A_115 = arith.constant 2 : i32
        %add3A_116 = arith.addi %scan3A_72, %add3A_115 : i32
        %dma_start3A_117 = arith.constant 0 : i32
        %dma_start3A_118 = arith.constant 0 : i32
        %dma_start3A_119 = tpu.memref_slice %arg6[%rem3A_114, %dma_start3A_117, %dma_start3A_118] : memref<4x40x128xf32, #tpu.memory_space<vmem>> -> memref<1x40x128xf32, #tpu.memory_space<vmem>>
        %dma_start3A_120 = tpu.memref_squeeze %dma_start3A_119 : memref<1x40x128xf32, #tpu.memory_space<vmem>> -> memref<40x128xf32, #tpu.memory_space<vmem>>
        %dma_start3A_121 = arith.constant 0 : i32
        %dma_start3A_122 = tpu.memref_slice %arg5[%add3A_116, %dma_start3A_121] : memref<128x128xi32, #tpu.memory_space<vmem>> -> memref<1x40xi32, #tpu.memory_space<vmem>>
        %dma_start3A_123 = tpu.memref_squeeze %dma_start3A_122 : memref<1x40xi32, #tpu.memory_space<vmem>> -> memref<40xi32, #tpu.memory_space<vmem>>
        %dma_start3A_124 = arith.constant 0 : i32
        %dma_start3A_125 = arith.constant 0 : i32
        %dma_start3A_126 = tpu.memref_slice %arg2[%dma_start3A_124, %dma_start3A_125] : memref<10000x128xf32, #tpu.memory_space<hbm>> -> memref<10000x128xf32, #tpu.memory_space<hbm>>
        %dma_start3A_127 = tpu.memref_slice %arg7[%rem3A_114] : memref<4x!tpu.dma_semaphore, #tpu.memory_space<semaphore_mem>> -> memref<1x!tpu.dma_semaphore, #tpu.memory_space<semaphore_mem>>
        %dma_start3A_128 = tpu.memref_squeeze %dma_start3A_127 : memref<1x!tpu.dma_semaphore, #tpu.memory_space<semaphore_mem>> -> memref<!tpu.dma_semaphore, #tpu.memory_space<semaphore_mem>>
        tpu.enqueue_indirect_dma source(%dma_start3A_126 : memref<10000x128xf32, #tpu.memory_space<hbm>>) target(%dma_start3A_120 : memref<40x128xf32, #tpu.memory_space<vmem>>) offsets(%dma_start3A_123 : memref<40xi32, #tpu.memory_space<vmem>>) semaphore(%dma_start3A_128 : memref<!tpu.dma_semaphore, #tpu.memory_space<semaphore_mem>>)
      } else {
      }
    }
    %scan3A_36 = arith.constant 125 : i32
    %add3A_37 = arith.constant 4920 : i32
    %add3A_38 = arith.addi %mul3A_2, %add3A_37 : i32
    %dma_wait3A = arith.constant 3 : i32
    %dma_wait3A_39 = arith.constant 3 : i32
    %dma_wait3A_40 = arith.constant 0 : i32
    %dma_wait3A_41 = arith.constant 0 : i32
    %dma_wait3A_42 = tpu.memref_slice %arg6[%dma_wait3A, %dma_wait3A_40, %dma_wait3A_41] : memref<4x40x128xf32, #tpu.memory_space<vmem>> -> memref<1x40x128xf32, #tpu.memory_space<vmem>>
    %dma_wait3A_43 = tpu.memref_squeeze %dma_wait3A_42 : memref<1x40x128xf32, #tpu.memory_space<vmem>> -> memref<40x128xf32, #tpu.memory_space<vmem>>
    %dma_wait3A_44 = arith.constant 0 : i32
    %dma_wait3A_45 = tpu.memref_slice %arg4[%add3A_38, %dma_wait3A_44] : memref<160000x128xf32, #tpu.memory_space<hbm>> -> memref<40x128xf32, #tpu.memory_space<hbm>>
    %dma_wait3A_46 = tpu.memref_slice %arg8[%dma_wait3A_39] : memref<4x!tpu.dma_semaphore, #tpu.memory_space<semaphore_mem>> -> memref<1x!tpu.dma_semaphore, #tpu.memory_space<semaphore_mem>>
    %dma_wait3A_47 = tpu.memref_squeeze %dma_wait3A_46 : memref<1x!tpu.dma_semaphore, #tpu.memory_space<semaphore_mem>> -> memref<!tpu.dma_semaphore, #tpu.memory_space<semaphore_mem>>
    %dma_wait3A_48 = arith.constant 0 : i32
    %dma_wait3A_49 = tpu.memref_slice %arg4[%add3A_38, %dma_wait3A_48] : memref<160000x128xf32, #tpu.memory_space<hbm>> -> memref<40x128xf32, #tpu.memory_space<hbm>>
    %dma_wait3A_50 = arith.constant 0 : i32
    %dma_wait3A_51 = arith.constant 0 : i32
    %dma_wait3A_52 = tpu.memref_slice %arg6[%dma_wait3A, %dma_wait3A_50, %dma_wait3A_51] : memref<4x40x128xf32, #tpu.memory_space<vmem>> -> memref<1x40x128xf32, #tpu.memory_space<vmem>>
    %dma_wait3A_53 = tpu.memref_squeeze %dma_wait3A_52 : memref<1x40x128xf32, #tpu.memory_space<vmem>> -> memref<40x128xf32, #tpu.memory_space<vmem>>
    tpu.wait_dma2 semaphore(%dma_wait3A_47 : memref<!tpu.dma_semaphore, #tpu.memory_space<semaphore_mem>>) src(%dma_wait3A_53 : memref<40x128xf32, #tpu.memory_space<vmem>>) dst(%dma_wait3A_49 : memref<40x128xf32, #tpu.memory_space<hbm>>)
    %add3A_54 = arith.constant 4960 : i32
    %add3A_55 = arith.addi %mul3A_2, %add3A_54 : i32
    %dma_wait3A_56 = arith.constant 0 : i32
    %dma_wait3A_57 = arith.constant 0 : i32
    %dma_wait3A_58 = arith.constant 0 : i32
    %dma_wait3A_59 = arith.constant 0 : i32
    %dma_wait3A_60 = tpu.memref_slice %arg6[%dma_wait3A_56, %dma_wait3A_58, %dma_wait3A_59] : memref<4x40x128xf32, #tpu.memory_space<vmem>> -> memref<1x40x128xf32, #tpu.memory_space<vmem>>
    %dma_wait3A_61 = tpu.memref_squeeze %dma_wait3A_60 : memref<1x40x128xf32, #tpu.memory_space<vmem>> -> memref<40x128xf32, #tpu.memory_space<vmem>>
    %dma_wait3A_62 = arith.constant 0 : i32
    %dma_wait3A_63 = tpu.memref_slice %arg4[%add3A_55, %dma_wait3A_62] : memref<160000x128xf32, #tpu.memory_space<hbm>> -> memref<40x128xf32, #tpu.memory_space<hbm>>
    %dma_wait3A_64 = tpu.memref_slice %arg8[%dma_wait3A_57] : memref<4x!tpu.dma_semaphore, #tpu.memory_space<semaphore_mem>> -> memref<1x!tpu.dma_semaphore, #tpu.memory_space<semaphore_mem>>
    %dma_wait3A_65 = tpu.memref_squeeze %dma_wait3A_64 : memref<1x!tpu.dma_semaphore, #tpu.memory_space<semaphore_mem>> -> memref<!tpu.dma_semaphore, #tpu.memory_space<semaphore_mem>>
    %dma_wait3A_66 = arith.constant 0 : i32
    %dma_wait3A_67 = tpu.memref_slice %arg4[%add3A_55, %dma_wait3A_66] : memref<160000x128xf32, #tpu.memory_space<hbm>> -> memref<40x128xf32, #tpu.memory_space<hbm>>
    %dma_wait3A_68 = arith.constant 0 : i32
    %dma_wait3A_69 = arith.constant 0 : i32
    %dma_wait3A_70 = tpu.memref_slice %arg6[%dma_wait3A_56, %dma_wait3A_68, %dma_wait3A_69] : memref<4x40x128xf32, #tpu.memory_space<vmem>> -> memref<1x40x128xf32, #tpu.memory_space<vmem>>
    %dma_wait3A_71 = tpu.memref_squeeze %dma_wait3A_70 : memref<1x40x128xf32, #tpu.memory_space<vmem>> -> memref<40x128xf32, #tpu.memory_space<vmem>>
    tpu.wait_dma2 semaphore(%dma_wait3A_65 : memref<!tpu.dma_semaphore, #tpu.memory_space<semaphore_mem>>) src(%dma_wait3A_71 : memref<40x128xf32, #tpu.memory_space<vmem>>) dst(%dma_wait3A_67 : memref<40x128xf32, #tpu.memory_space<hbm>>)
    return
  }
}

#map = affine_map<(d0, d1) -> (0, 0)>
#map1 = affine_map<(d0, d1) -> (0, 0, 0)>
module attributes {stable_mosaic.version = 14 : i64} {
  func.func @k(%arg0: i32, %arg1: i32, %arg2: memref<10000x128xf32, #tpu.memory_space<hbm>>, %arg3: memref<32x128x128xi32, #tpu.memory_space<hbm>>, %arg4: memref<160000x128xf32, #tpu.memory_space<hbm>>, %arg5: memref<128x128xi32, #tpu.memory_space<vmem>>, %arg6: memref<4x40x128xf32, #tpu.memory_space<vmem>>, %arg7: memref<4x!tpu.dma_semaphore, #tpu.memory_space<semaphore_mem>>, %arg8: memref<4x!tpu.dma_semaphore, #tpu.memory_space<semaphore_mem>>) attributes {dimension_semantics = [#tpu.dimension_semantics<core_parallel>, #tpu.dimension_semantics<subcore_parallel>], iteration_bounds = array<i64: 2, 16>, scalar_prefetch = 0 : i64, scratch_operands = 4 : i64, tpu.core_type = #tpu.core_type<sc_vector_subcore>, window_params = [{transform_indices = #map}, {transform_indices = #map1}, {transform_indices = #map}]} {
    %mul3A = arith.constant 2 : i32
    %mul3A_0 = arith.muli %arg1, %mul3A : i32
    %add3A = arith.addi %mul3A_0, %arg0 : i32
    %mul3A_1 = arith.constant 5000 : i32
    %mul3A_2 = arith.muli %add3A, %mul3A_1 : i32
    "tpu.region"() ({
      %run_scoped3A = tpu.sem_alloc : memref<!tpu.dma_semaphore, #tpu.memory_space<semaphore_mem>>
      %dma_start3A_72 = arith.constant 0 : i32
      %dma_start3A_73 = arith.constant 0 : i32
      %dma_start3A_74 = tpu.memref_slice %arg3[%add3A, %dma_start3A_72, %dma_start3A_73] : memref<32x128x128xi32, #tpu.memory_space<hbm>> -> memref<1x128x128xi32, #tpu.memory_space<hbm>>
      %dma_start3A_75 = tpu.memref_squeeze %dma_start3A_74 : memref<1x128x128xi32, #tpu.memory_space<hbm>> -> memref<128x128xi32, #tpu.memory_space<hbm>>
      %dma_start3A_76 = arith.constant 0 : i32
      %dma_start3A_77 = arith.constant 0 : i32
      %dma_start3A_78 = tpu.memref_slice %arg3[%add3A, %dma_start3A_76, %dma_start3A_77] : memref<32x128x128xi32, #tpu.memory_space<hbm>> -> memref<1x128x128xi32, #tpu.memory_space<hbm>>
      %dma_start3A_79 = tpu.memref_squeeze %dma_start3A_78 : memref<1x128x128xi32, #tpu.memory_space<hbm>> -> memref<128x128xi32, #tpu.memory_space<hbm>>
      tpu.enqueue_dma source(%dma_start3A_79 : memref<128x128xi32, #tpu.memory_space<hbm>>) target(%arg5 : memref<128x128xi32, #tpu.memory_space<vmem>>) target_semaphore(%run_scoped3A : memref<!tpu.dma_semaphore, #tpu.memory_space<semaphore_mem>>)
      %dma_wait3A_80 = arith.constant 0 : i32
      %dma_wait3A_81 = arith.constant 0 : i32
      %dma_wait3A_82 = tpu.memref_slice %arg3[%add3A, %dma_wait3A_80, %dma_wait3A_81] : memref<32x128x128xi32, #tpu.memory_space<hbm>> -> memref<1x128x128xi32, #tpu.memory_space<hbm>>
      %dma_wait3A_83 = tpu.memref_squeeze %dma_wait3A_82 : memref<1x128x128xi32, #tpu.memory_space<hbm>> -> memref<128x128xi32, #tpu.memory_space<hbm>>
      %dma_wait3A_84 = arith.constant 0 : i32
      %dma_wait3A_85 = arith.constant 0 : i32
      %dma_wait3A_86 = tpu.memref_slice %arg3[%add3A, %dma_wait3A_84, %dma_wait3A_85] : memref<32x128x128xi32, #tpu.memory_space<hbm>> -> memref<1x128x128xi32, #tpu.memory_space<hbm>>
      %dma_wait3A_87 = tpu.memref_squeeze %dma_wait3A_86 : memref<1x128x128xi32, #tpu.memory_space<hbm>> -> memref<128x128xi32, #tpu.memory_space<hbm>>
      tpu.wait_dma2 semaphore(%run_scoped3A : memref<!tpu.dma_semaphore, #tpu.memory_space<semaphore_mem>>) src(%dma_wait3A_87 : memref<128x128xi32, #tpu.memory_space<hbm>>) dst(%arg5 : memref<128x128xi32, #tpu.memory_space<vmem>>)
      tpu.yield
    }) : () -> ()
    %dma_start3A = arith.constant 0 : i32
    %dma_start3A_3 = arith.constant 0 : i32
    %dma_start3A_4 = arith.constant 0 : i32
    %dma_start3A_5 = arith.constant 0 : i32
    %dma_start3A_6 = arith.constant 0 : i32
    %dma_start3A_7 = tpu.memref_slice %arg6[%dma_start3A_3, %dma_start3A_5, %dma_start3A_6] : memref<4x40x128xf32, #tpu.memory_space<vmem>> -> memref<1x40x128xf32, #tpu.memory_space<vmem>>
    %dma_start3A_8 = tpu.memref_squeeze %dma_start3A_7 : memref<1x40x128xf32, #tpu.memory_space<vmem>> -> memref<40x128xf32, #tpu.memory_space<vmem>>
    %dma_start3A_9 = arith.constant 0 : i32
    %dma_start3A_10 = tpu.memref_slice %arg5[%dma_start3A, %dma_start3A_9] : memref<128x128xi32, #tpu.memory_space<vmem>> -> memref<1x40xi32, #tpu.memory_space<vmem>>
    %dma_start3A_11 = tpu.memref_squeeze %dma_start3A_10 : memref<1x40xi32, #tpu.memory_space<vmem>> -> memref<40xi32, #tpu.memory_space<vmem>>
    %dma_start3A_12 = arith.constant 0 : i32
    %dma_start3A_13 = arith.constant 0 : i32
    %dma_start3A_14 = tpu.memref_slice %arg2[%dma_start3A_12, %dma_start3A_13] : memref<10000x128xf32, #tpu.memory_space<hbm>> -> memref<10000x128xf32, #tpu.memory_space<hbm>>
    %dma_start3A_15 = tpu.memref_slice %arg7[%dma_start3A_4] : memref<4x!tpu.dma_semaphore, #tpu.memory_space<semaphore_mem>> -> memref<1x!tpu.dma_semaphore, #tpu.memory_space<semaphore_mem>>
    %dma_start3A_16 = tpu.memref_squeeze %dma_start3A_15 : memref<1x!tpu.dma_semaphore, #tpu.memory_space<semaphore_mem>> -> memref<!tpu.dma_semaphore, #tpu.memory_space<semaphore_mem>>
    tpu.enqueue_indirect_dma source(%dma_start3A_14 : memref<10000x128xf32, #tpu.memory_space<hbm>>) target(%dma_start3A_8 : memref<40x128xf32, #tpu.memory_space<vmem>>) offsets(%dma_start3A_11 : memref<40xi32, #tpu.memory_space<vmem>>) semaphore(%dma_start3A_16 : memref<!tpu.dma_semaphore, #tpu.memory_space<semaphore_mem>>)
    %dma_start3A_17 = arith.constant 1 : i32
    %dma_start3A_18 = arith.constant 1 : i32
    %dma_start3A_19 = arith.constant 1 : i32
    %dma_start3A_20 = arith.constant 0 : i32
    %dma_start3A_21 = arith.constant 0 : i32
    %dma_start3A_22 = tpu.memref_slice %arg6[%dma_start3A_18, %dma_start3A_20, %dma_start3A_21] : memref<4x40x128xf32, #tpu.memory_space<vmem>> -> memref<1x40x128xf32, #tpu.memory_space<vmem>>
    %dma_start3A_23 = tpu.memref_squeeze %dma_start3A_22 : memref<1x40x128xf32, #tpu.memory_space<vmem>> -> memref<40x128xf32, #tpu.memory_space<vmem>>
    %dma_start3A_24 = arith.constant 0 : i32
    %dma_start3A_25 = tpu.memref_slice %arg5[%dma_start3A_17, %dma_start3A_24] : memref<128x128xi32, #tpu.memory_space<vmem>> -> memref<1x40xi32, #tpu.memory_space<vmem>>
    %dma_start3A_26 = tpu.memref_squeeze %dma_start3A_25 : memref<1x40xi32, #tpu.memory_space<vmem>> -> memref<40xi32, #tpu.memory_space<vmem>>
    %dma_start3A_27 = arith.constant 0 : i32
    %dma_start3A_28 = arith.constant 0 : i32
    %dma_start3A_29 = tpu.memref_slice %arg2[%dma_start3A_27, %dma_start3A_28] : memref<10000x128xf32, #tpu.memory_space<hbm>> -> memref<10000x128xf32, #tpu.memory_space<hbm>>
    %dma_start3A_30 = tpu.memref_slice %arg7[%dma_start3A_19] : memref<4x!tpu.dma_semaphore, #tpu.memory_space<semaphore_mem>> -> memref<1x!tpu.dma_semaphore, #tpu.memory_space<semaphore_mem>>
    %dma_start3A_31 = tpu.memref_squeeze %dma_start3A_30 : memref<1x!tpu.dma_semaphore, #tpu.memory_space<semaphore_mem>> -> memref<!tpu.dma_semaphore, #tpu.memory_space<semaphore_mem>>
    tpu.enqueue_indirect_dma source(%dma_start3A_29 : memref<10000x128xf32, #tpu.memory_space<hbm>>) target(%dma_start3A_23 : memref<40x128xf32, #tpu.memory_space<vmem>>) offsets(%dma_start3A_26 : memref<40xi32, #tpu.memory_space<vmem>>) semaphore(%dma_start3A_31 : memref<!tpu.dma_semaphore, #tpu.memory_space<semaphore_mem>>)
    %scan3A = arith.constant 0 : i32
    %scan3A_32 = arith.constant 0 : i32
    %scan3A_33 = arith.constant 125 : i32
    %scan3A_34 = arith.addi %scan3A_32, %scan3A_33 : i32
    %scan3A_35 = arith.constant 1 : i32
    scf.for %scan3A_72 = %scan3A_32 to %scan3A_34 step %scan3A_35  : i32 {
      %rem3A = arith.constant 4 : i32
      %rem3A_73 = arith.remsi %scan3A_72, %rem3A : i32
      %dma_wait3A_74 = arith.constant 0 : i32
      %dma_wait3A_75 = arith.constant 0 : i32
      %dma_wait3A_76 = tpu.memref_slice %arg6[%rem3A_73, %dma_wait3A_74, %dma_wait3A_75] : memref<4x40x128xf32, #tpu.memory_space<vmem>> -> memref<1x40x128xf32, #tpu.memory_space<vmem>>
      %dma_wait3A_77 = tpu.memref_squeeze %dma_wait3A_76 : memref<1x40x128xf32, #tpu.memory_space<vmem>> -> memref<40x128xf32, #tpu.memory_space<vmem>>
      %dma_wait3A_78 = arith.constant 0 : i32
      %dma_wait3A_79 = tpu.memref_slice %arg5[%scan3A_72, %dma_wait3A_78] : memref<128x128xi32, #tpu.memory_space<vmem>> -> memref<1x40xi32, #tpu.memory_space<vmem>>
      %dma_wait3A_80 = tpu.memref_squeeze %dma_wait3A_79 : memref<1x40xi32, #tpu.memory_space<vmem>> -> memref<40xi32, #tpu.memory_space<vmem>>
      %dma_wait3A_81 = arith.constant 0 : i32
      %dma_wait3A_82 = arith.constant 0 : i32
      %dma_wait3A_83 = tpu.memref_slice %arg2[%dma_wait3A_81, %dma_wait3A_82] : memref<10000x128xf32, #tpu.memory_space<hbm>> -> memref<10000x128xf32, #tpu.memory_space<hbm>>
      %dma_wait3A_84 = tpu.memref_slice %arg7[%rem3A_73] : memref<4x!tpu.dma_semaphore, #tpu.memory_space<semaphore_mem>> -> memref<1x!tpu.dma_semaphore, #tpu.memory_space<semaphore_mem>>
      %dma_wait3A_85 = tpu.memref_squeeze %dma_wait3A_84 : memref<1x!tpu.dma_semaphore, #tpu.memory_space<semaphore_mem>> -> memref<!tpu.dma_semaphore, #tpu.memory_space<semaphore_mem>>
      tpu.wait_indirect_dma semaphore(%dma_wait3A_85 : memref<!tpu.dma_semaphore, #tpu.memory_space<semaphore_mem>>) src(%dma_wait3A_83 : memref<10000x128xf32, #tpu.memory_space<hbm>>) dst(%dma_wait3A_77 : memref<40x128xf32, #tpu.memory_space<vmem>>)
      %mul3A_86 = arith.constant 40 : i32
      %mul3A_87 = arith.muli %scan3A_72, %mul3A_86 : i32
      %add3A_88 = arith.addi %mul3A_2, %mul3A_87 : i32
      %dma_start3A_89 = arith.constant 0 : i32
      %dma_start3A_90 = arith.constant 0 : i32
      %dma_start3A_91 = tpu.memref_slice %arg6[%rem3A_73, %dma_start3A_89, %dma_start3A_90] : memref<4x40x128xf32, #tpu.memory_space<vmem>> -> memref<1x40x128xf32, #tpu.memory_space<vmem>>
      %dma_start3A_92 = tpu.memref_squeeze %dma_start3A_91 : memref<1x40x128xf32, #tpu.memory_space<vmem>> -> memref<40x128xf32, #tpu.memory_space<vmem>>
      %dma_start3A_93 = arith.constant 0 : i32
      %dma_start3A_94 = tpu.memref_slice %arg4[%add3A_88, %dma_start3A_93] : memref<160000x128xf32, #tpu.memory_space<hbm>> -> memref<40x128xf32, #tpu.memory_space<hbm>>
      %dma_start3A_95 = tpu.memref_slice %arg8[%rem3A_73] : memref<4x!tpu.dma_semaphore, #tpu.memory_space<semaphore_mem>> -> memref<1x!tpu.dma_semaphore, #tpu.memory_space<semaphore_mem>>
      %dma_start3A_96 = tpu.memref_squeeze %dma_start3A_95 : memref<1x!tpu.dma_semaphore, #tpu.memory_space<semaphore_mem>> -> memref<!tpu.dma_semaphore, #tpu.memory_space<semaphore_mem>>
      %dma_start3A_97 = arith.constant 0 : i32
      %dma_start3A_98 = tpu.memref_slice %arg4[%add3A_88, %dma_start3A_97] : memref<160000x128xf32, #tpu.memory_space<hbm>> -> memref<40x128xf32, #tpu.memory_space<hbm>>
      %dma_start3A_99 = arith.constant 0 : i32
      %dma_start3A_100 = arith.constant 0 : i32
      %dma_start3A_101 = tpu.memref_slice %arg6[%rem3A_73, %dma_start3A_99, %dma_start3A_100] : memref<4x40x128xf32, #tpu.memory_space<vmem>> -> memref<1x40x128xf32, #tpu.memory_space<vmem>>
      %dma_start3A_102 = tpu.memref_squeeze %dma_start3A_101 : memref<1x40x128xf32, #tpu.memory_space<vmem>> -> memref<40x128xf32, #tpu.memory_space<vmem>>
      tpu.enqueue_dma source(%dma_start3A_102 : memref<40x128xf32, #tpu.memory_space<vmem>>) target(%dma_start3A_98 : memref<40x128xf32, #tpu.memory_space<hbm>>) target_semaphore(%dma_start3A_96 : memref<!tpu.dma_semaphore, #tpu.memory_space<semaphore_mem>>)
      %ge3A = arith.constant 2 : i32
      %ge3A_103 = arith.cmpi sge, %scan3A_72, %ge3A : i32
      %convert_element_type3A = arith.extui %ge3A_103 : i1 to i32
      %cond3A = arith.constant 0 : i32
      %cond3A_104 = arith.cmpi ne, %convert_element_type3A, %cond3A : i32
      scf.if %cond3A_104 {
        %sub3A = arith.constant 2 : i32
        %sub3A_111 = arith.subi %scan3A_72, %sub3A : i32
        %rem3A_112 = arith.constant 4 : i32
        %rem3A_113 = arith.remsi %sub3A_111, %rem3A_112 : i32
        %sub3A_114 = arith.constant 2 : i32
        %sub3A_115 = arith.subi %scan3A_72, %sub3A_114 : i32
        %mul3A_116 = arith.constant 40 : i32
        %mul3A_117 = arith.muli %sub3A_115, %mul3A_116 : i32
        %add3A_118 = arith.addi %mul3A_2, %mul3A_117 : i32
        %dma_wait3A_119 = arith.constant 0 : i32
        %dma_wait3A_120 = arith.constant 0 : i32
        %dma_wait3A_121 = tpu.memref_slice %arg6[%rem3A_113, %dma_wait3A_119, %dma_wait3A_120] : memref<4x40x128xf32, #tpu.memory_space<vmem>> -> memref<1x40x128xf32, #tpu.memory_space<vmem>>
        %dma_wait3A_122 = tpu.memref_squeeze %dma_wait3A_121 : memref<1x40x128xf32, #tpu.memory_space<vmem>> -> memref<40x128xf32, #tpu.memory_space<vmem>>
        %dma_wait3A_123 = arith.constant 0 : i32
        %dma_wait3A_124 = tpu.memref_slice %arg4[%add3A_118, %dma_wait3A_123] : memref<160000x128xf32, #tpu.memory_space<hbm>> -> memref<40x128xf32, #tpu.memory_space<hbm>>
        %dma_wait3A_125 = tpu.memref_slice %arg8[%rem3A_113] : memref<4x!tpu.dma_semaphore, #tpu.memory_space<semaphore_mem>> -> memref<1x!tpu.dma_semaphore, #tpu.memory_space<semaphore_mem>>
        %dma_wait3A_126 = tpu.memref_squeeze %dma_wait3A_125 : memref<1x!tpu.dma_semaphore, #tpu.memory_space<semaphore_mem>> -> memref<!tpu.dma_semaphore, #tpu.memory_space<semaphore_mem>>
        %dma_wait3A_127 = arith.constant 0 : i32
        %dma_wait3A_128 = tpu.memref_slice %arg4[%add3A_118, %dma_wait3A_127] : memref<160000x128xf32, #tpu.memory_space<hbm>> -> memref<40x128xf32, #tpu.memory_space<hbm>>
        %dma_wait3A_129 = arith.constant 0 : i32
        %dma_wait3A_130 = arith.constant 0 : i32
        %dma_wait3A_131 = tpu.memref_slice %arg6[%rem3A_113, %dma_wait3A_129, %dma_wait3A_130] : memref<4x40x128xf32, #tpu.memory_space<vmem>> -> memref<1x40x128xf32, #tpu.memory_space<vmem>>
        %dma_wait3A_132 = tpu.memref_squeeze %dma_wait3A_131 : memref<1x40x128xf32, #tpu.memory_space<vmem>> -> memref<40x128xf32, #tpu.memory_space<vmem>>
        tpu.wait_dma2 semaphore(%dma_wait3A_126 : memref<!tpu.dma_semaphore, #tpu.memory_space<semaphore_mem>>) src(%dma_wait3A_132 : memref<40x128xf32, #tpu.memory_space<vmem>>) dst(%dma_wait3A_128 : memref<40x128xf32, #tpu.memory_space<hbm>>)
      } else {
      }
      %add3A_105 = arith.constant 2 : i32
      %add3A_106 = arith.addi %scan3A_72, %add3A_105 : i32
      %lt3A = arith.constant 125 : i32
      %lt3A_107 = arith.cmpi slt, %add3A_106, %lt3A : i32
      %convert_element_type3A_108 = arith.extui %lt3A_107 : i1 to i32
      %cond3A_109 = arith.constant 0 : i32
      %cond3A_110 = arith.cmpi ne, %convert_element_type3A_108, %cond3A_109 : i32
      scf.if %cond3A_110 {
        %add3A_111 = arith.constant 2 : i32
        %add3A_112 = arith.addi %scan3A_72, %add3A_111 : i32
        %rem3A_113 = arith.constant 4 : i32
        %rem3A_114 = arith.remsi %add3A_112, %rem3A_113 : i32
        %add3A_115 = arith.constant 2 : i32
        %add3A_116 = arith.addi %scan3A_72, %add3A_115 : i32
        %dma_start3A_117 = arith.constant 0 : i32
        %dma_start3A_118 = arith.constant 0 : i32
        %dma_start3A_119 = tpu.memref_slice %arg6[%rem3A_114, %dma_start3A_117, %dma_start3A_118] : memref<4x40x128xf32, #tpu.memory_space<vmem>> -> memref<1x40x128xf32, #tpu.memory_space<vmem>>
        %dma_start3A_120 = tpu.memref_squeeze %dma_start3A_119 : memref<1x40x128xf32, #tpu.memory_space<vmem>> -> memref<40x128xf32, #tpu.memory_space<vmem>>
        %dma_start3A_121 = arith.constant 0 : i32
        %dma_start3A_122 = tpu.memref_slice %arg5[%add3A_116, %dma_start3A_121] : memref<128x128xi32, #tpu.memory_space<vmem>> -> memref<1x40xi32, #tpu.memory_space<vmem>>
        %dma_start3A_123 = tpu.memref_squeeze %dma_start3A_122 : memref<1x40xi32, #tpu.memory_space<vmem>> -> memref<40xi32, #tpu.memory_space<vmem>>
        %dma_start3A_124 = arith.constant 0 : i32
        %dma_start3A_125 = arith.constant 0 : i32
        %dma_start3A_126 = tpu.memref_slice %arg2[%dma_start3A_124, %dma_start3A_125] : memref<10000x128xf32, #tpu.memory_space<hbm>> -> memref<10000x128xf32, #tpu.memory_space<hbm>>
        %dma_start3A_127 = tpu.memref_slice %arg7[%rem3A_114] : memref<4x!tpu.dma_semaphore, #tpu.memory_space<semaphore_mem>> -> memref<1x!tpu.dma_semaphore, #tpu.memory_space<semaphore_mem>>
        %dma_start3A_128 = tpu.memref_squeeze %dma_start3A_127 : memref<1x!tpu.dma_semaphore, #tpu.memory_space<semaphore_mem>> -> memref<!tpu.dma_semaphore, #tpu.memory_space<semaphore_mem>>
        tpu.enqueue_indirect_dma source(%dma_start3A_126 : memref<10000x128xf32, #tpu.memory_space<hbm>>) target(%dma_start3A_120 : memref<40x128xf32, #tpu.memory_space<vmem>>) offsets(%dma_start3A_123 : memref<40xi32, #tpu.memory_space<vmem>>) semaphore(%dma_start3A_128 : memref<!tpu.dma_semaphore, #tpu.memory_space<semaphore_mem>>)
      } else {
      }
    }
    %scan3A_36 = arith.constant 125 : i32
    %add3A_37 = arith.constant 4920 : i32
    %add3A_38 = arith.addi %mul3A_2, %add3A_37 : i32
    %dma_wait3A = arith.constant 3 : i32
    %dma_wait3A_39 = arith.constant 3 : i32
    %dma_wait3A_40 = arith.constant 0 : i32
    %dma_wait3A_41 = arith.constant 0 : i32
    %dma_wait3A_42 = tpu.memref_slice %arg6[%dma_wait3A, %dma_wait3A_40, %dma_wait3A_41] : memref<4x40x128xf32, #tpu.memory_space<vmem>> -> memref<1x40x128xf32, #tpu.memory_space<vmem>>
    %dma_wait3A_43 = tpu.memref_squeeze %dma_wait3A_42 : memref<1x40x128xf32, #tpu.memory_space<vmem>> -> memref<40x128xf32, #tpu.memory_space<vmem>>
    %dma_wait3A_44 = arith.constant 0 : i32
    %dma_wait3A_45 = tpu.memref_slice %arg4[%add3A_38, %dma_wait3A_44] : memref<160000x128xf32, #tpu.memory_space<hbm>> -> memref<40x128xf32, #tpu.memory_space<hbm>>
    %dma_wait3A_46 = tpu.memref_slice %arg8[%dma_wait3A_39] : memref<4x!tpu.dma_semaphore, #tpu.memory_space<semaphore_mem>> -> memref<1x!tpu.dma_semaphore, #tpu.memory_space<semaphore_mem>>
    %dma_wait3A_47 = tpu.memref_squeeze %dma_wait3A_46 : memref<1x!tpu.dma_semaphore, #tpu.memory_space<semaphore_mem>> -> memref<!tpu.dma_semaphore, #tpu.memory_space<semaphore_mem>>
    %dma_wait3A_48 = arith.constant 0 : i32
    %dma_wait3A_49 = tpu.memref_slice %arg4[%add3A_38, %dma_wait3A_48] : memref<160000x128xf32, #tpu.memory_space<hbm>> -> memref<40x128xf32, #tpu.memory_space<hbm>>
    %dma_wait3A_50 = arith.constant 0 : i32
    %dma_wait3A_51 = arith.constant 0 : i32
    %dma_wait3A_52 = tpu.memref_slice %arg6[%dma_wait3A, %dma_wait3A_50, %dma_wait3A_51] : memref<4x40x128xf32, #tpu.memory_space<vmem>> -> memref<1x40x128xf32, #tpu.memory_space<vmem>>
    %dma_wait3A_53 = tpu.memref_squeeze %dma_wait3A_52 : memref<1x40x128xf32, #tpu.memory_space<vmem>> -> memref<40x128xf32, #tpu.memory_space<vmem>>
    tpu.wait_dma2 semaphore(%dma_wait3A_47 : memref<!tpu.dma_semaphore, #tpu.memory_space<semaphore_mem>>) src(%dma_wait3A_53 : memref<40x128xf32, #tpu.memory_space<vmem>>) dst(%dma_wait3A_49 : memref<40x128xf32, #tpu.memory_space<hbm>>)
    %add3A_54 = arith.constant 4960 : i32
    %add3A_55 = arith.addi %mul3A_2, %add3A_54 : i32
    %dma_wait3A_56 = arith.constant 0 : i32
    %dma_wait3A_57 = arith.constant 0 : i32
    %dma_wait3A_58 = arith.constant 0 : i32
    %dma_wait3A_59 = arith.constant 0 : i32
    %dma_wait3A_60 = tpu.memref_slice %arg6[%dma_wait3A_56, %dma_wait3A_58, %dma_wait3A_59] : memref<4x40x128xf32, #tpu.memory_space<vmem>> -> memref<1x40x128xf32, #tpu.memory_space<vmem>>
    %dma_wait3A_61 = tpu.memref_squeeze %dma_wait3A_60 : memref<1x40x128xf32, #tpu.memory_space<vmem>> -> memref<40x128xf32, #tpu.memory_space<vmem>>
    %dma_wait3A_62 = arith.constant 0 : i32
    %dma_wait3A_63 = tpu.memref_slice %arg4[%add3A_55, %dma_wait3A_62] : memref<160000x128xf32, #tpu.memory_space<hbm>> -> memref<40x128xf32, #tpu.memory_space<hbm>>
    %dma_wait3A_64 = tpu.memref_slice %arg8[%dma_wait3A_57] : memref<4x!tpu.dma_semaphore, #tpu.memory_space<semaphore_mem>> -> memref<1x!tpu.dma_semaphore, #tpu.memory_space<semaphore_mem>>
    %dma_wait3A_65 = tpu.memref_squeeze %dma_wait3A_64 : memref<1x!tpu.dma_semaphore, #tpu.memory_space<semaphore_mem>> -> memref<!tpu.dma_semaphore, #tpu.memory_space<semaphore_mem>>
    %dma_wait3A_66 = arith.constant 0 : i32
    %dma_wait3A_67 = tpu.memref_slice %arg4[%add3A_55, %dma_wait3A_66] : memref<160000x128xf32, #tpu.memory_space<hbm>> -> memref<40x128xf32, #tpu.memory_space<hbm>>
    %dma_wait3A_68 = arith.constant 0 : i32
    %dma_wait3A_69 = arith.constant 0 : i32
    %dma_wait3A_70 = tpu.memref_slice %arg6[%dma_wait3A_56, %dma_wait3A_68, %dma_wait3A_69] : memref<4x40x128xf32, #tpu.memory_space<vmem>> -> memref<1x40x128xf32, #tpu.memory_space<vmem>>
    %dma_wait3A_71 = tpu.memref_squeeze %dma_wait3A_70 : memref<1x40x128xf32, #tpu.memory_space<vmem>> -> memref<40x128xf32, #tpu.memory_space<vmem>>
    tpu.wait_dma2 semaphore(%dma_wait3A_65 : memref<!tpu.dma_semaphore, #tpu.memory_space<semaphore_mem>>) src(%dma_wait3A_71 : memref<40x128xf32, #tpu.memory_space<vmem>>) dst(%dma_wait3A_67 : memref<40x128xf32, #tpu.memory_space<hbm>>)
    return
  }
}

#map = affine_map<(d0, d1) -> (0, 0)>
#map1 = affine_map<(d0, d1) -> (0, 0, 0)>
module attributes {stable_mosaic.version = 14 : i64} {
  func.func @k(%arg0: i32, %arg1: i32, %arg2: memref<10000x128xf32, #tpu.memory_space<hbm>>, %arg3: memref<32x128x128xi32, #tpu.memory_space<hbm>>, %arg4: memref<160000x128xf32, #tpu.memory_space<hbm>>, %arg5: memref<128x128xi32, #tpu.memory_space<vmem>>, %arg6: memref<4x40x128xf32, #tpu.memory_space<vmem>>, %arg7: memref<4x!tpu.dma_semaphore, #tpu.memory_space<semaphore_mem>>, %arg8: memref<4x!tpu.dma_semaphore, #tpu.memory_space<semaphore_mem>>) attributes {dimension_semantics = [#tpu.dimension_semantics<core_parallel>, #tpu.dimension_semantics<subcore_parallel>], iteration_bounds = array<i64: 2, 16>, scalar_prefetch = 0 : i64, scratch_operands = 4 : i64, tpu.core_type = #tpu.core_type<sc_vector_subcore>, window_params = [{transform_indices = #map}, {transform_indices = #map1}, {transform_indices = #map}]} {
    %mul3A = arith.constant 2 : i32
    %mul3A_0 = arith.muli %arg1, %mul3A : i32
    %add3A = arith.addi %mul3A_0, %arg0 : i32
    %mul3A_1 = arith.constant 5000 : i32
    %mul3A_2 = arith.muli %add3A, %mul3A_1 : i32
    "tpu.region"() ({
      %run_scoped3A = tpu.sem_alloc : memref<!tpu.dma_semaphore, #tpu.memory_space<semaphore_mem>>
      %dma_start3A_72 = arith.constant 0 : i32
      %dma_start3A_73 = arith.constant 0 : i32
      %dma_start3A_74 = tpu.memref_slice %arg3[%add3A, %dma_start3A_72, %dma_start3A_73] : memref<32x128x128xi32, #tpu.memory_space<hbm>> -> memref<1x128x128xi32, #tpu.memory_space<hbm>>
      %dma_start3A_75 = tpu.memref_squeeze %dma_start3A_74 : memref<1x128x128xi32, #tpu.memory_space<hbm>> -> memref<128x128xi32, #tpu.memory_space<hbm>>
      %dma_start3A_76 = arith.constant 0 : i32
      %dma_start3A_77 = arith.constant 0 : i32
      %dma_start3A_78 = tpu.memref_slice %arg3[%add3A, %dma_start3A_76, %dma_start3A_77] : memref<32x128x128xi32, #tpu.memory_space<hbm>> -> memref<1x128x128xi32, #tpu.memory_space<hbm>>
      %dma_start3A_79 = tpu.memref_squeeze %dma_start3A_78 : memref<1x128x128xi32, #tpu.memory_space<hbm>> -> memref<128x128xi32, #tpu.memory_space<hbm>>
      tpu.enqueue_dma source(%dma_start3A_79 : memref<128x128xi32, #tpu.memory_space<hbm>>) target(%arg5 : memref<128x128xi32, #tpu.memory_space<vmem>>) target_semaphore(%run_scoped3A : memref<!tpu.dma_semaphore, #tpu.memory_space<semaphore_mem>>)
      %dma_wait3A_80 = arith.constant 0 : i32
      %dma_wait3A_81 = arith.constant 0 : i32
      %dma_wait3A_82 = tpu.memref_slice %arg3[%add3A, %dma_wait3A_80, %dma_wait3A_81] : memref<32x128x128xi32, #tpu.memory_space<hbm>> -> memref<1x128x128xi32, #tpu.memory_space<hbm>>
      %dma_wait3A_83 = tpu.memref_squeeze %dma_wait3A_82 : memref<1x128x128xi32, #tpu.memory_space<hbm>> -> memref<128x128xi32, #tpu.memory_space<hbm>>
      %dma_wait3A_84 = arith.constant 0 : i32
      %dma_wait3A_85 = arith.constant 0 : i32
      %dma_wait3A_86 = tpu.memref_slice %arg3[%add3A, %dma_wait3A_84, %dma_wait3A_85] : memref<32x128x128xi32, #tpu.memory_space<hbm>> -> memref<1x128x128xi32, #tpu.memory_space<hbm>>
      %dma_wait3A_87 = tpu.memref_squeeze %dma_wait3A_86 : memref<1x128x128xi32, #tpu.memory_space<hbm>> -> memref<128x128xi32, #tpu.memory_space<hbm>>
      tpu.wait_dma2 semaphore(%run_scoped3A : memref<!tpu.dma_semaphore, #tpu.memory_space<semaphore_mem>>) src(%dma_wait3A_87 : memref<128x128xi32, #tpu.memory_space<hbm>>) dst(%arg5 : memref<128x128xi32, #tpu.memory_space<vmem>>)
      tpu.yield
    }) : () -> ()
    %dma_start3A = arith.constant 0 : i32
    %dma_start3A_3 = arith.constant 0 : i32
    %dma_start3A_4 = arith.constant 0 : i32
    %dma_start3A_5 = arith.constant 0 : i32
    %dma_start3A_6 = arith.constant 0 : i32
    %dma_start3A_7 = tpu.memref_slice %arg6[%dma_start3A_3, %dma_start3A_5, %dma_start3A_6] : memref<4x40x128xf32, #tpu.memory_space<vmem>> -> memref<1x40x128xf32, #tpu.memory_space<vmem>>
    %dma_start3A_8 = tpu.memref_squeeze %dma_start3A_7 : memref<1x40x128xf32, #tpu.memory_space<vmem>> -> memref<40x128xf32, #tpu.memory_space<vmem>>
    %dma_start3A_9 = arith.constant 0 : i32
    %dma_start3A_10 = tpu.memref_slice %arg5[%dma_start3A, %dma_start3A_9] : memref<128x128xi32, #tpu.memory_space<vmem>> -> memref<1x40xi32, #tpu.memory_space<vmem>>
    %dma_start3A_11 = tpu.memref_squeeze %dma_start3A_10 : memref<1x40xi32, #tpu.memory_space<vmem>> -> memref<40xi32, #tpu.memory_space<vmem>>
    %dma_start3A_12 = arith.constant 0 : i32
    %dma_start3A_13 = arith.constant 0 : i32
    %dma_start3A_14 = tpu.memref_slice %arg2[%dma_start3A_12, %dma_start3A_13] : memref<10000x128xf32, #tpu.memory_space<hbm>> -> memref<10000x128xf32, #tpu.memory_space<hbm>>
    %dma_start3A_15 = tpu.memref_slice %arg7[%dma_start3A_4] : memref<4x!tpu.dma_semaphore, #tpu.memory_space<semaphore_mem>> -> memref<1x!tpu.dma_semaphore, #tpu.memory_space<semaphore_mem>>
    %dma_start3A_16 = tpu.memref_squeeze %dma_start3A_15 : memref<1x!tpu.dma_semaphore, #tpu.memory_space<semaphore_mem>> -> memref<!tpu.dma_semaphore, #tpu.memory_space<semaphore_mem>>
    tpu.enqueue_indirect_dma source(%dma_start3A_14 : memref<10000x128xf32, #tpu.memory_space<hbm>>) target(%dma_start3A_8 : memref<40x128xf32, #tpu.memory_space<vmem>>) offsets(%dma_start3A_11 : memref<40xi32, #tpu.memory_space<vmem>>) semaphore(%dma_start3A_16 : memref<!tpu.dma_semaphore, #tpu.memory_space<semaphore_mem>>)
    %dma_start3A_17 = arith.constant 1 : i32
    %dma_start3A_18 = arith.constant 1 : i32
    %dma_start3A_19 = arith.constant 1 : i32
    %dma_start3A_20 = arith.constant 0 : i32
    %dma_start3A_21 = arith.constant 0 : i32
    %dma_start3A_22 = tpu.memref_slice %arg6[%dma_start3A_18, %dma_start3A_20, %dma_start3A_21] : memref<4x40x128xf32, #tpu.memory_space<vmem>> -> memref<1x40x128xf32, #tpu.memory_space<vmem>>
    %dma_start3A_23 = tpu.memref_squeeze %dma_start3A_22 : memref<1x40x128xf32, #tpu.memory_space<vmem>> -> memref<40x128xf32, #tpu.memory_space<vmem>>
    %dma_start3A_24 = arith.constant 0 : i32
    %dma_start3A_25 = tpu.memref_slice %arg5[%dma_start3A_17, %dma_start3A_24] : memref<128x128xi32, #tpu.memory_space<vmem>> -> memref<1x40xi32, #tpu.memory_space<vmem>>
    %dma_start3A_26 = tpu.memref_squeeze %dma_start3A_25 : memref<1x40xi32, #tpu.memory_space<vmem>> -> memref<40xi32, #tpu.memory_space<vmem>>
    %dma_start3A_27 = arith.constant 0 : i32
    %dma_start3A_28 = arith.constant 0 : i32
    %dma_start3A_29 = tpu.memref_slice %arg2[%dma_start3A_27, %dma_start3A_28] : memref<10000x128xf32, #tpu.memory_space<hbm>> -> memref<10000x128xf32, #tpu.memory_space<hbm>>
    %dma_start3A_30 = tpu.memref_slice %arg7[%dma_start3A_19] : memref<4x!tpu.dma_semaphore, #tpu.memory_space<semaphore_mem>> -> memref<1x!tpu.dma_semaphore, #tpu.memory_space<semaphore_mem>>
    %dma_start3A_31 = tpu.memref_squeeze %dma_start3A_30 : memref<1x!tpu.dma_semaphore, #tpu.memory_space<semaphore_mem>> -> memref<!tpu.dma_semaphore, #tpu.memory_space<semaphore_mem>>
    tpu.enqueue_indirect_dma source(%dma_start3A_29 : memref<10000x128xf32, #tpu.memory_space<hbm>>) target(%dma_start3A_23 : memref<40x128xf32, #tpu.memory_space<vmem>>) offsets(%dma_start3A_26 : memref<40xi32, #tpu.memory_space<vmem>>) semaphore(%dma_start3A_31 : memref<!tpu.dma_semaphore, #tpu.memory_space<semaphore_mem>>)
    %scan3A = arith.constant 0 : i32
    %scan3A_32 = arith.constant 0 : i32
    %scan3A_33 = arith.constant 125 : i32
    %scan3A_34 = arith.addi %scan3A_32, %scan3A_33 : i32
    %scan3A_35 = arith.constant 1 : i32
    scf.for %scan3A_72 = %scan3A_32 to %scan3A_34 step %scan3A_35  : i32 {
      %rem3A = arith.constant 4 : i32
      %rem3A_73 = arith.remsi %scan3A_72, %rem3A : i32
      %dma_wait3A_74 = arith.constant 0 : i32
      %dma_wait3A_75 = arith.constant 0 : i32
      %dma_wait3A_76 = tpu.memref_slice %arg6[%rem3A_73, %dma_wait3A_74, %dma_wait3A_75] : memref<4x40x128xf32, #tpu.memory_space<vmem>> -> memref<1x40x128xf32, #tpu.memory_space<vmem>>
      %dma_wait3A_77 = tpu.memref_squeeze %dma_wait3A_76 : memref<1x40x128xf32, #tpu.memory_space<vmem>> -> memref<40x128xf32, #tpu.memory_space<vmem>>
      %dma_wait3A_78 = arith.constant 0 : i32
      %dma_wait3A_79 = tpu.memref_slice %arg5[%scan3A_72, %dma_wait3A_78] : memref<128x128xi32, #tpu.memory_space<vmem>> -> memref<1x40xi32, #tpu.memory_space<vmem>>
      %dma_wait3A_80 = tpu.memref_squeeze %dma_wait3A_79 : memref<1x40xi32, #tpu.memory_space<vmem>> -> memref<40xi32, #tpu.memory_space<vmem>>
      %dma_wait3A_81 = arith.constant 0 : i32
      %dma_wait3A_82 = arith.constant 0 : i32
      %dma_wait3A_83 = tpu.memref_slice %arg2[%dma_wait3A_81, %dma_wait3A_82] : memref<10000x128xf32, #tpu.memory_space<hbm>> -> memref<10000x128xf32, #tpu.memory_space<hbm>>
      %dma_wait3A_84 = tpu.memref_slice %arg7[%rem3A_73] : memref<4x!tpu.dma_semaphore, #tpu.memory_space<semaphore_mem>> -> memref<1x!tpu.dma_semaphore, #tpu.memory_space<semaphore_mem>>
      %dma_wait3A_85 = tpu.memref_squeeze %dma_wait3A_84 : memref<1x!tpu.dma_semaphore, #tpu.memory_space<semaphore_mem>> -> memref<!tpu.dma_semaphore, #tpu.memory_space<semaphore_mem>>
      tpu.wait_indirect_dma semaphore(%dma_wait3A_85 : memref<!tpu.dma_semaphore, #tpu.memory_space<semaphore_mem>>) src(%dma_wait3A_83 : memref<10000x128xf32, #tpu.memory_space<hbm>>) dst(%dma_wait3A_77 : memref<40x128xf32, #tpu.memory_space<vmem>>)
      %mul3A_86 = arith.constant 40 : i32
      %mul3A_87 = arith.muli %scan3A_72, %mul3A_86 : i32
      %add3A_88 = arith.addi %mul3A_2, %mul3A_87 : i32
      %dma_start3A_89 = arith.constant 0 : i32
      %dma_start3A_90 = arith.constant 0 : i32
      %dma_start3A_91 = tpu.memref_slice %arg6[%rem3A_73, %dma_start3A_89, %dma_start3A_90] : memref<4x40x128xf32, #tpu.memory_space<vmem>> -> memref<1x40x128xf32, #tpu.memory_space<vmem>>
      %dma_start3A_92 = tpu.memref_squeeze %dma_start3A_91 : memref<1x40x128xf32, #tpu.memory_space<vmem>> -> memref<40x128xf32, #tpu.memory_space<vmem>>
      %dma_start3A_93 = arith.constant 0 : i32
      %dma_start3A_94 = tpu.memref_slice %arg4[%add3A_88, %dma_start3A_93] : memref<160000x128xf32, #tpu.memory_space<hbm>> -> memref<40x128xf32, #tpu.memory_space<hbm>>
      %dma_start3A_95 = tpu.memref_slice %arg8[%rem3A_73] : memref<4x!tpu.dma_semaphore, #tpu.memory_space<semaphore_mem>> -> memref<1x!tpu.dma_semaphore, #tpu.memory_space<semaphore_mem>>
      %dma_start3A_96 = tpu.memref_squeeze %dma_start3A_95 : memref<1x!tpu.dma_semaphore, #tpu.memory_space<semaphore_mem>> -> memref<!tpu.dma_semaphore, #tpu.memory_space<semaphore_mem>>
      %dma_start3A_97 = arith.constant 0 : i32
      %dma_start3A_98 = tpu.memref_slice %arg4[%add3A_88, %dma_start3A_97] : memref<160000x128xf32, #tpu.memory_space<hbm>> -> memref<40x128xf32, #tpu.memory_space<hbm>>
      %dma_start3A_99 = arith.constant 0 : i32
      %dma_start3A_100 = arith.constant 0 : i32
      %dma_start3A_101 = tpu.memref_slice %arg6[%rem3A_73, %dma_start3A_99, %dma_start3A_100] : memref<4x40x128xf32, #tpu.memory_space<vmem>> -> memref<1x40x128xf32, #tpu.memory_space<vmem>>
      %dma_start3A_102 = tpu.memref_squeeze %dma_start3A_101 : memref<1x40x128xf32, #tpu.memory_space<vmem>> -> memref<40x128xf32, #tpu.memory_space<vmem>>
      tpu.enqueue_dma source(%dma_start3A_102 : memref<40x128xf32, #tpu.memory_space<vmem>>) target(%dma_start3A_98 : memref<40x128xf32, #tpu.memory_space<hbm>>) target_semaphore(%dma_start3A_96 : memref<!tpu.dma_semaphore, #tpu.memory_space<semaphore_mem>>)
      %ge3A = arith.constant 2 : i32
      %ge3A_103 = arith.cmpi sge, %scan3A_72, %ge3A : i32
      %convert_element_type3A = arith.extui %ge3A_103 : i1 to i32
      %cond3A = arith.constant 0 : i32
      %cond3A_104 = arith.cmpi ne, %convert_element_type3A, %cond3A : i32
      scf.if %cond3A_104 {
        %sub3A = arith.constant 2 : i32
        %sub3A_111 = arith.subi %scan3A_72, %sub3A : i32
        %rem3A_112 = arith.constant 4 : i32
        %rem3A_113 = arith.remsi %sub3A_111, %rem3A_112 : i32
        %sub3A_114 = arith.constant 2 : i32
        %sub3A_115 = arith.subi %scan3A_72, %sub3A_114 : i32
        %mul3A_116 = arith.constant 40 : i32
        %mul3A_117 = arith.muli %sub3A_115, %mul3A_116 : i32
        %add3A_118 = arith.addi %mul3A_2, %mul3A_117 : i32
        %dma_wait3A_119 = arith.constant 0 : i32
        %dma_wait3A_120 = arith.constant 0 : i32
        %dma_wait3A_121 = tpu.memref_slice %arg6[%rem3A_113, %dma_wait3A_119, %dma_wait3A_120] : memref<4x40x128xf32, #tpu.memory_space<vmem>> -> memref<1x40x128xf32, #tpu.memory_space<vmem>>
        %dma_wait3A_122 = tpu.memref_squeeze %dma_wait3A_121 : memref<1x40x128xf32, #tpu.memory_space<vmem>> -> memref<40x128xf32, #tpu.memory_space<vmem>>
        %dma_wait3A_123 = arith.constant 0 : i32
        %dma_wait3A_124 = tpu.memref_slice %arg4[%add3A_118, %dma_wait3A_123] : memref<160000x128xf32, #tpu.memory_space<hbm>> -> memref<40x128xf32, #tpu.memory_space<hbm>>
        %dma_wait3A_125 = tpu.memref_slice %arg8[%rem3A_113] : memref<4x!tpu.dma_semaphore, #tpu.memory_space<semaphore_mem>> -> memref<1x!tpu.dma_semaphore, #tpu.memory_space<semaphore_mem>>
        %dma_wait3A_126 = tpu.memref_squeeze %dma_wait3A_125 : memref<1x!tpu.dma_semaphore, #tpu.memory_space<semaphore_mem>> -> memref<!tpu.dma_semaphore, #tpu.memory_space<semaphore_mem>>
        %dma_wait3A_127 = arith.constant 0 : i32
        %dma_wait3A_128 = tpu.memref_slice %arg4[%add3A_118, %dma_wait3A_127] : memref<160000x128xf32, #tpu.memory_space<hbm>> -> memref<40x128xf32, #tpu.memory_space<hbm>>
        %dma_wait3A_129 = arith.constant 0 : i32
        %dma_wait3A_130 = arith.constant 0 : i32
        %dma_wait3A_131 = tpu.memref_slice %arg6[%rem3A_113, %dma_wait3A_129, %dma_wait3A_130] : memref<4x40x128xf32, #tpu.memory_space<vmem>> -> memref<1x40x128xf32, #tpu.memory_space<vmem>>
        %dma_wait3A_132 = tpu.memref_squeeze %dma_wait3A_131 : memref<1x40x128xf32, #tpu.memory_space<vmem>> -> memref<40x128xf32, #tpu.memory_space<vmem>>
        tpu.wait_dma2 semaphore(%dma_wait3A_126 : memref<!tpu.dma_semaphore, #tpu.memory_space<semaphore_mem>>) src(%dma_wait3A_132 : memref<40x128xf32, #tpu.memory_space<vmem>>) dst(%dma_wait3A_128 : memref<40x128xf32, #tpu.memory_space<hbm>>)
      } else {
      }
      %add3A_105 = arith.constant 2 : i32
      %add3A_106 = arith.addi %scan3A_72, %add3A_105 : i32
      %lt3A = arith.constant 125 : i32
      %lt3A_107 = arith.cmpi slt, %add3A_106, %lt3A : i32
      %convert_element_type3A_108 = arith.extui %lt3A_107 : i1 to i32
      %cond3A_109 = arith.constant 0 : i32
      %cond3A_110 = arith.cmpi ne, %convert_element_type3A_108, %cond3A_109 : i32
      scf.if %cond3A_110 {
        %add3A_111 = arith.constant 2 : i32
        %add3A_112 = arith.addi %scan3A_72, %add3A_111 : i32
        %rem3A_113 = arith.constant 4 : i32
        %rem3A_114 = arith.remsi %add3A_112, %rem3A_113 : i32
        %add3A_115 = arith.constant 2 : i32
        %add3A_116 = arith.addi %scan3A_72, %add3A_115 : i32
        %dma_start3A_117 = arith.constant 0 : i32
        %dma_start3A_118 = arith.constant 0 : i32
        %dma_start3A_119 = tpu.memref_slice %arg6[%rem3A_114, %dma_start3A_117, %dma_start3A_118] : memref<4x40x128xf32, #tpu.memory_space<vmem>> -> memref<1x40x128xf32, #tpu.memory_space<vmem>>
        %dma_start3A_120 = tpu.memref_squeeze %dma_start3A_119 : memref<1x40x128xf32, #tpu.memory_space<vmem>> -> memref<40x128xf32, #tpu.memory_space<vmem>>
        %dma_start3A_121 = arith.constant 0 : i32
        %dma_start3A_122 = tpu.memref_slice %arg5[%add3A_116, %dma_start3A_121] : memref<128x128xi32, #tpu.memory_space<vmem>> -> memref<1x40xi32, #tpu.memory_space<vmem>>
        %dma_start3A_123 = tpu.memref_squeeze %dma_start3A_122 : memref<1x40xi32, #tpu.memory_space<vmem>> -> memref<40xi32, #tpu.memory_space<vmem>>
        %dma_start3A_124 = arith.constant 0 : i32
        %dma_start3A_125 = arith.constant 0 : i32
        %dma_start3A_126 = tpu.memref_slice %arg2[%dma_start3A_124, %dma_start3A_125] : memref<10000x128xf32, #tpu.memory_space<hbm>> -> memref<10000x128xf32, #tpu.memory_space<hbm>>
        %dma_start3A_127 = tpu.memref_slice %arg7[%rem3A_114] : memref<4x!tpu.dma_semaphore, #tpu.memory_space<semaphore_mem>> -> memref<1x!tpu.dma_semaphore, #tpu.memory_space<semaphore_mem>>
        %dma_start3A_128 = tpu.memref_squeeze %dma_start3A_127 : memref<1x!tpu.dma_semaphore, #tpu.memory_space<semaphore_mem>> -> memref<!tpu.dma_semaphore, #tpu.memory_space<semaphore_mem>>
        tpu.enqueue_indirect_dma source(%dma_start3A_126 : memref<10000x128xf32, #tpu.memory_space<hbm>>) target(%dma_start3A_120 : memref<40x128xf32, #tpu.memory_space<vmem>>) offsets(%dma_start3A_123 : memref<40xi32, #tpu.memory_space<vmem>>) semaphore(%dma_start3A_128 : memref<!tpu.dma_semaphore, #tpu.memory_space<semaphore_mem>>)
      } else {
      }
    }
    %scan3A_36 = arith.constant 125 : i32
    %add3A_37 = arith.constant 4920 : i32
    %add3A_38 = arith.addi %mul3A_2, %add3A_37 : i32
    %dma_wait3A = arith.constant 3 : i32
    %dma_wait3A_39 = arith.constant 3 : i32
    %dma_wait3A_40 = arith.constant 0 : i32
    %dma_wait3A_41 = arith.constant 0 : i32
    %dma_wait3A_42 = tpu.memref_slice %arg6[%dma_wait3A, %dma_wait3A_40, %dma_wait3A_41] : memref<4x40x128xf32, #tpu.memory_space<vmem>> -> memref<1x40x128xf32, #tpu.memory_space<vmem>>
    %dma_wait3A_43 = tpu.memref_squeeze %dma_wait3A_42 : memref<1x40x128xf32, #tpu.memory_space<vmem>> -> memref<40x128xf32, #tpu.memory_space<vmem>>
    %dma_wait3A_44 = arith.constant 0 : i32
    %dma_wait3A_45 = tpu.memref_slice %arg4[%add3A_38, %dma_wait3A_44] : memref<160000x128xf32, #tpu.memory_space<hbm>> -> memref<40x128xf32, #tpu.memory_space<hbm>>
    %dma_wait3A_46 = tpu.memref_slice %arg8[%dma_wait3A_39] : memref<4x!tpu.dma_semaphore, #tpu.memory_space<semaphore_mem>> -> memref<1x!tpu.dma_semaphore, #tpu.memory_space<semaphore_mem>>
    %dma_wait3A_47 = tpu.memref_squeeze %dma_wait3A_46 : memref<1x!tpu.dma_semaphore, #tpu.memory_space<semaphore_mem>> -> memref<!tpu.dma_semaphore, #tpu.memory_space<semaphore_mem>>
    %dma_wait3A_48 = arith.constant 0 : i32
    %dma_wait3A_49 = tpu.memref_slice %arg4[%add3A_38, %dma_wait3A_48] : memref<160000x128xf32, #tpu.memory_space<hbm>> -> memref<40x128xf32, #tpu.memory_space<hbm>>
    %dma_wait3A_50 = arith.constant 0 : i32
    %dma_wait3A_51 = arith.constant 0 : i32
    %dma_wait3A_52 = tpu.memref_slice %arg6[%dma_wait3A, %dma_wait3A_50, %dma_wait3A_51] : memref<4x40x128xf32, #tpu.memory_space<vmem>> -> memref<1x40x128xf32, #tpu.memory_space<vmem>>
    %dma_wait3A_53 = tpu.memref_squeeze %dma_wait3A_52 : memref<1x40x128xf32, #tpu.memory_space<vmem>> -> memref<40x128xf32, #tpu.memory_space<vmem>>
    tpu.wait_dma2 semaphore(%dma_wait3A_47 : memref<!tpu.dma_semaphore, #tpu.memory_space<semaphore_mem>>) src(%dma_wait3A_53 : memref<40x128xf32, #tpu.memory_space<vmem>>) dst(%dma_wait3A_49 : memref<40x128xf32, #tpu.memory_space<hbm>>)
    %add3A_54 = arith.constant 4960 : i32
    %add3A_55 = arith.addi %mul3A_2, %add3A_54 : i32
    %dma_wait3A_56 = arith.constant 0 : i32
    %dma_wait3A_57 = arith.constant 0 : i32
    %dma_wait3A_58 = arith.constant 0 : i32
    %dma_wait3A_59 = arith.constant 0 : i32
    %dma_wait3A_60 = tpu.memref_slice %arg6[%dma_wait3A_56, %dma_wait3A_58, %dma_wait3A_59] : memref<4x40x128xf32, #tpu.memory_space<vmem>> -> memref<1x40x128xf32, #tpu.memory_space<vmem>>
    %dma_wait3A_61 = tpu.memref_squeeze %dma_wait3A_60 : memref<1x40x128xf32, #tpu.memory_space<vmem>> -> memref<40x128xf32, #tpu.memory_space<vmem>>
    %dma_wait3A_62 = arith.constant 0 : i32
    %dma_wait3A_63 = tpu.memref_slice %arg4[%add3A_55, %dma_wait3A_62] : memref<160000x128xf32, #tpu.memory_space<hbm>> -> memref<40x128xf32, #tpu.memory_space<hbm>>
    %dma_wait3A_64 = tpu.memref_slice %arg8[%dma_wait3A_57] : memref<4x!tpu.dma_semaphore, #tpu.memory_space<semaphore_mem>> -> memref<1x!tpu.dma_semaphore, #tpu.memory_space<semaphore_mem>>
    %dma_wait3A_65 = tpu.memref_squeeze %dma_wait3A_64 : memref<1x!tpu.dma_semaphore, #tpu.memory_space<semaphore_mem>> -> memref<!tpu.dma_semaphore, #tpu.memory_space<semaphore_mem>>
    %dma_wait3A_66 = arith.constant 0 : i32
    %dma_wait3A_67 = tpu.memref_slice %arg4[%add3A_55, %dma_wait3A_66] : memref<160000x128xf32, #tpu.memory_space<hbm>> -> memref<40x128xf32, #tpu.memory_space<hbm>>
    %dma_wait3A_68 = arith.constant 0 : i32
    %dma_wait3A_69 = arith.constant 0 : i32
    %dma_wait3A_70 = tpu.memref_slice %arg6[%dma_wait3A_56, %dma_wait3A_68, %dma_wait3A_69] : memref<4x40x128xf32, #tpu.memory_space<vmem>> -> memref<1x40x128xf32, #tpu.memory_space<vmem>>
    %dma_wait3A_71 = tpu.memref_squeeze %dma_wait3A_70 : memref<1x40x128xf32, #tpu.memory_space<vmem>> -> memref<40x128xf32, #tpu.memory_space<vmem>>
    tpu.wait_dma2 semaphore(%dma_wait3A_65 : memref<!tpu.dma_semaphore, #tpu.memory_space<semaphore_mem>>) src(%dma_wait3A_71 : memref<40x128xf32, #tpu.memory_space<vmem>>) dst(%dma_wait3A_67 : memref<40x128xf32, #tpu.memory_space<hbm>>)
    return
  }
}

#map = affine_map<(d0, d1) -> (0, 0)>
#map1 = affine_map<(d0, d1) -> (0, 0, 0)>
module attributes {stable_mosaic.version = 14 : i64} {
  func.func @k(%arg0: i32, %arg1: i32, %arg2: memref<10000x128xf32, #tpu.memory_space<hbm>>, %arg3: memref<32x8x128xi32, #tpu.memory_space<hbm>>, %arg4: memref<4096x128xf32, #tpu.memory_space<hbm>>, %arg5: memref<8x128xi32, #tpu.memory_space<vmem>>, %arg6: memref<4x128x128xf32, #tpu.memory_space<vmem>>, %arg7: memref<4x!tpu.dma_semaphore, #tpu.memory_space<semaphore_mem>>, %arg8: memref<4x!tpu.dma_semaphore, #tpu.memory_space<semaphore_mem>>) attributes {dimension_semantics = [#tpu.dimension_semantics<core_parallel>, #tpu.dimension_semantics<subcore_parallel>], iteration_bounds = array<i64: 2, 16>, scalar_prefetch = 0 : i64, scratch_operands = 4 : i64, tpu.core_type = #tpu.core_type<sc_vector_subcore>, window_params = [{transform_indices = #map}, {transform_indices = #map1}, {transform_indices = #map}]} {
    %mul3A = arith.constant 2 : i32
    %mul3A_0 = arith.muli %arg1, %mul3A : i32
    %add3A = arith.addi %mul3A_0, %arg0 : i32
    %mul3A_1 = arith.constant 128 : i32
    %mul3A_2 = arith.muli %add3A, %mul3A_1 : i32
    "tpu.region"() ({
      %run_scoped3A = tpu.sem_alloc : memref<!tpu.dma_semaphore, #tpu.memory_space<semaphore_mem>>
      %dma_start3A_74 = arith.constant 0 : i32
      %dma_start3A_75 = arith.constant 0 : i32
      %dma_start3A_76 = tpu.memref_slice %arg3[%add3A, %dma_start3A_74, %dma_start3A_75] : memref<32x8x128xi32, #tpu.memory_space<hbm>> -> memref<1x8x128xi32, #tpu.memory_space<hbm>>
      %dma_start3A_77 = tpu.memref_squeeze %dma_start3A_76 : memref<1x8x128xi32, #tpu.memory_space<hbm>> -> memref<8x128xi32, #tpu.memory_space<hbm>>
      %dma_start3A_78 = arith.constant 0 : i32
      %dma_start3A_79 = arith.constant 0 : i32
      %dma_start3A_80 = tpu.memref_slice %arg3[%add3A, %dma_start3A_78, %dma_start3A_79] : memref<32x8x128xi32, #tpu.memory_space<hbm>> -> memref<1x8x128xi32, #tpu.memory_space<hbm>>
      %dma_start3A_81 = tpu.memref_squeeze %dma_start3A_80 : memref<1x8x128xi32, #tpu.memory_space<hbm>> -> memref<8x128xi32, #tpu.memory_space<hbm>>
      tpu.enqueue_dma source(%dma_start3A_81 : memref<8x128xi32, #tpu.memory_space<hbm>>) target(%arg5 : memref<8x128xi32, #tpu.memory_space<vmem>>) target_semaphore(%run_scoped3A : memref<!tpu.dma_semaphore, #tpu.memory_space<semaphore_mem>>)
      %dma_wait3A_82 = arith.constant 0 : i32
      %dma_wait3A_83 = arith.constant 0 : i32
      %dma_wait3A_84 = tpu.memref_slice %arg3[%add3A, %dma_wait3A_82, %dma_wait3A_83] : memref<32x8x128xi32, #tpu.memory_space<hbm>> -> memref<1x8x128xi32, #tpu.memory_space<hbm>>
      %dma_wait3A_85 = tpu.memref_squeeze %dma_wait3A_84 : memref<1x8x128xi32, #tpu.memory_space<hbm>> -> memref<8x128xi32, #tpu.memory_space<hbm>>
      %dma_wait3A_86 = arith.constant 0 : i32
      %dma_wait3A_87 = arith.constant 0 : i32
      %dma_wait3A_88 = tpu.memref_slice %arg3[%add3A, %dma_wait3A_86, %dma_wait3A_87] : memref<32x8x128xi32, #tpu.memory_space<hbm>> -> memref<1x8x128xi32, #tpu.memory_space<hbm>>
      %dma_wait3A_89 = tpu.memref_squeeze %dma_wait3A_88 : memref<1x8x128xi32, #tpu.memory_space<hbm>> -> memref<8x128xi32, #tpu.memory_space<hbm>>
      tpu.wait_dma2 semaphore(%run_scoped3A : memref<!tpu.dma_semaphore, #tpu.memory_space<semaphore_mem>>) src(%dma_wait3A_89 : memref<8x128xi32, #tpu.memory_space<hbm>>) dst(%arg5 : memref<8x128xi32, #tpu.memory_space<vmem>>)
      tpu.yield
    }) : () -> ()
    %dma_start3A = arith.constant 0 : i32
    %dma_start3A_3 = arith.constant 0 : i32
    %dma_start3A_4 = arith.constant 0 : i32
    %dma_start3A_5 = arith.constant 0 : i32
    %dma_start3A_6 = arith.constant 0 : i32
    %dma_start3A_7 = tpu.memref_slice %arg6[%dma_start3A_3, %dma_start3A_5, %dma_start3A_6] : memref<4x128x128xf32, #tpu.memory_space<vmem>> -> memref<1x128x128xf32, #tpu.memory_space<vmem>>
    %dma_start3A_8 = tpu.memref_squeeze %dma_start3A_7 : memref<1x128x128xf32, #tpu.memory_space<vmem>> -> memref<128x128xf32, #tpu.memory_space<vmem>>
    %dma_start3A_9 = arith.constant 0 : i32
    %dma_start3A_10 = tpu.memref_slice %arg5[%dma_start3A, %dma_start3A_9] : memref<8x128xi32, #tpu.memory_space<vmem>> -> memref<1x128xi32, #tpu.memory_space<vmem>>
    %dma_start3A_11 = tpu.memref_squeeze %dma_start3A_10 : memref<1x128xi32, #tpu.memory_space<vmem>> -> memref<128xi32, #tpu.memory_space<vmem>>
    %dma_start3A_12 = arith.constant 0 : i32
    %dma_start3A_13 = arith.constant 0 : i32
    %dma_start3A_14 = tpu.memref_slice %arg2[%dma_start3A_12, %dma_start3A_13] : memref<10000x128xf32, #tpu.memory_space<hbm>> -> memref<10000x128xf32, #tpu.memory_space<hbm>>
    %dma_start3A_15 = tpu.memref_slice %arg7[%dma_start3A_4] : memref<4x!tpu.dma_semaphore, #tpu.memory_space<semaphore_mem>> -> memref<1x!tpu.dma_semaphore, #tpu.memory_space<semaphore_mem>>
    %dma_start3A_16 = tpu.memref_squeeze %dma_start3A_15 : memref<1x!tpu.dma_semaphore, #tpu.memory_space<semaphore_mem>> -> memref<!tpu.dma_semaphore, #tpu.memory_space<semaphore_mem>>
    tpu.enqueue_indirect_dma source(%dma_start3A_14 : memref<10000x128xf32, #tpu.memory_space<hbm>>) target(%dma_start3A_8 : memref<128x128xf32, #tpu.memory_space<vmem>>) offsets(%dma_start3A_11 : memref<128xi32, #tpu.memory_space<vmem>>) semaphore(%dma_start3A_16 : memref<!tpu.dma_semaphore, #tpu.memory_space<semaphore_mem>>)
    %scan3A = arith.constant 0 : i32
    %scan3A_17 = arith.constant 0 : i32
    %rem3A = arith.constant 4 : i32
    %rem3A_18 = arith.remsi %scan3A_17, %rem3A : i32
    %dma_wait3A = arith.constant 0 : i32
    %dma_wait3A_19 = arith.constant 0 : i32
    %dma_wait3A_20 = tpu.memref_slice %arg6[%rem3A_18, %dma_wait3A, %dma_wait3A_19] : memref<4x128x128xf32, #tpu.memory_space<vmem>> -> memref<1x128x128xf32, #tpu.memory_space<vmem>>
    %dma_wait3A_21 = tpu.memref_squeeze %dma_wait3A_20 : memref<1x128x128xf32, #tpu.memory_space<vmem>> -> memref<128x128xf32, #tpu.memory_space<vmem>>
    %dma_wait3A_22 = arith.constant 0 : i32
    %dma_wait3A_23 = tpu.memref_slice %arg5[%scan3A_17, %dma_wait3A_22] : memref<8x128xi32, #tpu.memory_space<vmem>> -> memref<1x128xi32, #tpu.memory_space<vmem>>
    %dma_wait3A_24 = tpu.memref_squeeze %dma_wait3A_23 : memref<1x128xi32, #tpu.memory_space<vmem>> -> memref<128xi32, #tpu.memory_space<vmem>>
    %dma_wait3A_25 = arith.constant 0 : i32
    %dma_wait3A_26 = arith.constant 0 : i32
    %dma_wait3A_27 = tpu.memref_slice %arg2[%dma_wait3A_25, %dma_wait3A_26] : memref<10000x128xf32, #tpu.memory_space<hbm>> -> memref<10000x128xf32, #tpu.memory_space<hbm>>
    %dma_wait3A_28 = tpu.memref_slice %arg7[%rem3A_18] : memref<4x!tpu.dma_semaphore, #tpu.memory_space<semaphore_mem>> -> memref<1x!tpu.dma_semaphore, #tpu.memory_space<semaphore_mem>>
    %dma_wait3A_29 = tpu.memref_squeeze %dma_wait3A_28 : memref<1x!tpu.dma_semaphore, #tpu.memory_space<semaphore_mem>> -> memref<!tpu.dma_semaphore, #tpu.memory_space<semaphore_mem>>
    tpu.wait_indirect_dma semaphore(%dma_wait3A_29 : memref<!tpu.dma_semaphore, #tpu.memory_space<semaphore_mem>>) src(%dma_wait3A_27 : memref<10000x128xf32, #tpu.memory_space<hbm>>) dst(%dma_wait3A_21 : memref<128x128xf32, #tpu.memory_space<vmem>>)
    %mul3A_30 = arith.constant 128 : i32
    %mul3A_31 = arith.muli %scan3A_17, %mul3A_30 : i32
    %add3A_32 = arith.addi %mul3A_2, %mul3A_31 : i32
    %dma_start3A_33 = arith.constant 0 : i32
    %dma_start3A_34 = arith.constant 0 : i32
    %dma_start3A_35 = tpu.memref_slice %arg6[%rem3A_18, %dma_start3A_33, %dma_start3A_34] : memref<4x128x128xf32, #tpu.memory_space<vmem>> -> memref<1x128x128xf32, #tpu.memory_space<vmem>>
    %dma_start3A_36 = tpu.memref_squeeze %dma_start3A_35 : memref<1x128x128xf32, #tpu.memory_space<vmem>> -> memref<128x128xf32, #tpu.memory_space<vmem>>
    %dma_start3A_37 = arith.constant 0 : i32
    %dma_start3A_38 = tpu.memref_slice %arg4[%add3A_32, %dma_start3A_37] : memref<4096x128xf32, #tpu.memory_space<hbm>> -> memref<128x128xf32, #tpu.memory_space<hbm>>
    %dma_start3A_39 = tpu.memref_slice %arg8[%rem3A_18] : memref<4x!tpu.dma_semaphore, #tpu.memory_space<semaphore_mem>> -> memref<1x!tpu.dma_semaphore, #tpu.memory_space<semaphore_mem>>
    %dma_start3A_40 = tpu.memref_squeeze %dma_start3A_39 : memref<1x!tpu.dma_semaphore, #tpu.memory_space<semaphore_mem>> -> memref<!tpu.dma_semaphore, #tpu.memory_space<semaphore_mem>>
    %dma_start3A_41 = arith.constant 0 : i32
    %dma_start3A_42 = tpu.memref_slice %arg4[%add3A_32, %dma_start3A_41] : memref<4096x128xf32, #tpu.memory_space<hbm>> -> memref<128x128xf32, #tpu.memory_space<hbm>>
    %dma_start3A_43 = arith.constant 0 : i32
    %dma_start3A_44 = arith.constant 0 : i32
    %dma_start3A_45 = tpu.memref_slice %arg6[%rem3A_18, %dma_start3A_43, %dma_start3A_44] : memref<4x128x128xf32, #tpu.memory_space<vmem>> -> memref<1x128x128xf32, #tpu.memory_space<vmem>>
    %dma_start3A_46 = tpu.memref_squeeze %dma_start3A_45 : memref<1x128x128xf32, #tpu.memory_space<vmem>> -> memref<128x128xf32, #tpu.memory_space<vmem>>
    tpu.enqueue_dma source(%dma_start3A_46 : memref<128x128xf32, #tpu.memory_space<vmem>>) target(%dma_start3A_42 : memref<128x128xf32, #tpu.memory_space<hbm>>) target_semaphore(%dma_start3A_40 : memref<!tpu.dma_semaphore, #tpu.memory_space<semaphore_mem>>)
    %ge3A = arith.constant 2 : i32
    %ge3A_47 = arith.cmpi sge, %scan3A_17, %ge3A : i32
    %convert_element_type3A = arith.extui %ge3A_47 : i1 to i32
    %cond3A = arith.constant 0 : i32
    %cond3A_48 = arith.cmpi ne, %convert_element_type3A, %cond3A : i32
    scf.if %cond3A_48 {
      %sub3A = arith.constant 2 : i32
      %sub3A_74 = arith.subi %scan3A_17, %sub3A : i32
      %rem3A_75 = arith.constant 4 : i32
      %rem3A_76 = arith.remsi %sub3A_74, %rem3A_75 : i32
      %sub3A_77 = arith.constant 2 : i32
      %sub3A_78 = arith.subi %scan3A_17, %sub3A_77 : i32
      %mul3A_79 = arith.constant 128 : i32
      %mul3A_80 = arith.muli %sub3A_78, %mul3A_79 : i32
      %add3A_81 = arith.addi %mul3A_2, %mul3A_80 : i32
      %dma_wait3A_82 = arith.constant 0 : i32
      %dma_wait3A_83 = arith.constant 0 : i32
      %dma_wait3A_84 = tpu.memref_slice %arg6[%rem3A_76, %dma_wait3A_82, %dma_wait3A_83] : memref<4x128x128xf32, #tpu.memory_space<vmem>> -> memref<1x128x128xf32, #tpu.memory_space<vmem>>
      %dma_wait3A_85 = tpu.memref_squeeze %dma_wait3A_84 : memref<1x128x128xf32, #tpu.memory_space<vmem>> -> memref<128x128xf32, #tpu.memory_space<vmem>>
      %dma_wait3A_86 = arith.constant 0 : i32
      %dma_wait3A_87 = tpu.memref_slice %arg4[%add3A_81, %dma_wait3A_86] : memref<4096x128xf32, #tpu.memory_space<hbm>> -> memref<128x128xf32, #tpu.memory_space<hbm>>
      %dma_wait3A_88 = tpu.memref_slice %arg8[%rem3A_76] : memref<4x!tpu.dma_semaphore, #tpu.memory_space<semaphore_mem>> -> memref<1x!tpu.dma_semaphore, #tpu.memory_space<semaphore_mem>>
      %dma_wait3A_89 = tpu.memref_squeeze %dma_wait3A_88 : memref<1x!tpu.dma_semaphore, #tpu.memory_space<semaphore_mem>> -> memref<!tpu.dma_semaphore, #tpu.memory_space<semaphore_mem>>
      %dma_wait3A_90 = arith.constant 0 : i32
      %dma_wait3A_91 = tpu.memref_slice %arg4[%add3A_81, %dma_wait3A_90] : memref<4096x128xf32, #tpu.memory_space<hbm>> -> memref<128x128xf32, #tpu.memory_space<hbm>>
      %dma_wait3A_92 = arith.constant 0 : i32
      %dma_wait3A_93 = arith.constant 0 : i32
      %dma_wait3A_94 = tpu.memref_slice %arg6[%rem3A_76, %dma_wait3A_92, %dma_wait3A_93] : memref<4x128x128xf32, #tpu.memory_space<vmem>> -> memref<1x128x128xf32, #tpu.memory_space<vmem>>
      %dma_wait3A_95 = tpu.memref_squeeze %dma_wait3A_94 : memref<1x128x128xf32, #tpu.memory_space<vmem>> -> memref<128x128xf32, #tpu.memory_space<vmem>>
      tpu.wait_dma2 semaphore(%dma_wait3A_89 : memref<!tpu.dma_semaphore, #tpu.memory_space<semaphore_mem>>) src(%dma_wait3A_95 : memref<128x128xf32, #tpu.memory_space<vmem>>) dst(%dma_wait3A_91 : memref<128x128xf32, #tpu.memory_space<hbm>>)
    } else {
    }
    %add3A_49 = arith.constant 2 : i32
    %add3A_50 = arith.addi %scan3A_17, %add3A_49 : i32
    %lt3A = arith.constant 1 : i32
    %lt3A_51 = arith.cmpi slt, %add3A_50, %lt3A : i32
    %convert_element_type3A_52 = arith.extui %lt3A_51 : i1 to i32
    %cond3A_53 = arith.constant 0 : i32
    %cond3A_54 = arith.cmpi ne, %convert_element_type3A_52, %cond3A_53 : i32
    scf.if %cond3A_54 {
      %add3A_74 = arith.constant 2 : i32
      %add3A_75 = arith.addi %scan3A_17, %add3A_74 : i32
      %rem3A_76 = arith.constant 4 : i32
      %rem3A_77 = arith.remsi %add3A_75, %rem3A_76 : i32
      %add3A_78 = arith.constant 2 : i32
      %add3A_79 = arith.addi %scan3A_17, %add3A_78 : i32
      %dma_start3A_80 = arith.constant 0 : i32
      %dma_start3A_81 = arith.constant 0 : i32
      %dma_start3A_82 = tpu.memref_slice %arg6[%rem3A_77, %dma_start3A_80, %dma_start3A_81] : memref<4x128x128xf32, #tpu.memory_space<vmem>> -> memref<1x128x128xf32, #tpu.memory_space<vmem>>
      %dma_start3A_83 = tpu.memref_squeeze %dma_start3A_82 : memref<1x128x128xf32, #tpu.memory_space<vmem>> -> memref<128x128xf32, #tpu.memory_space<vmem>>
      %dma_start3A_84 = arith.constant 0 : i32
      %dma_start3A_85 = tpu.memref_slice %arg5[%add3A_79, %dma_start3A_84] : memref<8x128xi32, #tpu.memory_space<vmem>> -> memref<1x128xi32, #tpu.memory_space<vmem>>
      %dma_start3A_86 = tpu.memref_squeeze %dma_start3A_85 : memref<1x128xi32, #tpu.memory_space<vmem>> -> memref<128xi32, #tpu.memory_space<vmem>>
      %dma_start3A_87 = arith.constant 0 : i32
      %dma_start3A_88 = arith.constant 0 : i32
      %dma_start3A_89 = tpu.memref_slice %arg2[%dma_start3A_87, %dma_start3A_88] : memref<10000x128xf32, #tpu.memory_space<hbm>> -> memref<10000x128xf32, #tpu.memory_space<hbm>>
      %dma_start3A_90 = tpu.memref_slice %arg7[%rem3A_77] : memref<4x!tpu.dma_semaphore, #tpu.memory_space<semaphore_mem>> -> memref<1x!tpu.dma_semaphore, #tpu.memory_space<semaphore_mem>>
      %dma_start3A_91 = tpu.memref_squeeze %dma_start3A_90 : memref<1x!tpu.dma_semaphore, #tpu.memory_space<semaphore_mem>> -> memref<!tpu.dma_semaphore, #tpu.memory_space<semaphore_mem>>
      tpu.enqueue_indirect_dma source(%dma_start3A_89 : memref<10000x128xf32, #tpu.memory_space<hbm>>) target(%dma_start3A_83 : memref<128x128xf32, #tpu.memory_space<vmem>>) offsets(%dma_start3A_86 : memref<128xi32, #tpu.memory_space<vmem>>) semaphore(%dma_start3A_91 : memref<!tpu.dma_semaphore, #tpu.memory_space<semaphore_mem>>)
    } else {
    }
    %scan3A_55 = arith.constant 1 : i32
    %add3A_56 = arith.constant 0 : i32
    %add3A_57 = arith.addi %mul3A_2, %add3A_56 : i32
    %dma_wait3A_58 = arith.constant 0 : i32
    %dma_wait3A_59 = arith.constant 0 : i32
    %dma_wait3A_60 = arith.constant 0 : i32
    %dma_wait3A_61 = arith.constant 0 : i32
    %dma_wait3A_62 = tpu.memref_slice %arg6[%dma_wait3A_58, %dma_wait3A_60, %dma_wait3A_61] : memref<4x128x128xf32, #tpu.memory_space<vmem>> -> memref<1x128x128xf32, #tpu.memory_space<vmem>>
    %dma_wait3A_63 = tpu.memref_squeeze %dma_wait3A_62 : memref<1x128x128xf32, #tpu.memory_space<vmem>> -> memref<128x128xf32, #tpu.memory_space<vmem>>
    %dma_wait3A_64 = arith.constant 0 : i32
    %dma_wait3A_65 = tpu.memref_slice %arg4[%add3A_57, %dma_wait3A_64] : memref<4096x128xf32, #tpu.memory_space<hbm>> -> memref<128x128xf32, #tpu.memory_space<hbm>>
    %dma_wait3A_66 = tpu.memref_slice %arg8[%dma_wait3A_59] : memref<4x!tpu.dma_semaphore, #tpu.memory_space<semaphore_mem>> -> memref<1x!tpu.dma_semaphore, #tpu.memory_space<semaphore_mem>>
    %dma_wait3A_67 = tpu.memref_squeeze %dma_wait3A_66 : memref<1x!tpu.dma_semaphore, #tpu.memory_space<semaphore_mem>> -> memref<!tpu.dma_semaphore, #tpu.memory_space<semaphore_mem>>
    %dma_wait3A_68 = arith.constant 0 : i32
    %dma_wait3A_69 = tpu.memref_slice %arg4[%add3A_57, %dma_wait3A_68] : memref<4096x128xf32, #tpu.memory_space<hbm>> -> memref<128x128xf32, #tpu.memory_space<hbm>>
    %dma_wait3A_70 = arith.constant 0 : i32
    %dma_wait3A_71 = arith.constant 0 : i32
    %dma_wait3A_72 = tpu.memref_slice %arg6[%dma_wait3A_58, %dma_wait3A_70, %dma_wait3A_71] : memref<4x128x128xf32, #tpu.memory_space<vmem>> -> memref<1x128x128xf32, #tpu.memory_space<vmem>>
    %dma_wait3A_73 = tpu.memref_squeeze %dma_wait3A_72 : memref<1x128x128xf32, #tpu.memory_space<vmem>> -> memref<128x128xf32, #tpu.memory_space<vmem>>
    tpu.wait_dma2 semaphore(%dma_wait3A_67 : memref<!tpu.dma_semaphore, #tpu.memory_space<semaphore_mem>>) src(%dma_wait3A_73 : memref<128x128xf32, #tpu.memory_space<vmem>>) dst(%dma_wait3A_69 : memref<128x128xf32, #tpu.memory_space<hbm>>)
    return
  }
}

module attributes {stable_mosaic.version = 14 : i64} {
  func.func @_ka0_body(%arg0: i32, %arg1: memref<400x1xi32, #tpu.memory_space<vmem>>, %arg2: memref<128x128xf32, #tpu.memory_space<vmem>>, %arg3: memref<128x256xf32, #tpu.memory_space<vmem>>, %arg4: memref<1x256xf32, #tpu.memory_space<vmem>>, %arg5: memref<400x128xf32, #tpu.memory_space<vmem>>, %arg6: memref<400x256xf32, #tpu.memory_space<vmem>>) attributes {dimension_semantics = [#tpu.dimension_semantics<arbitrary>], iteration_bounds = array<i64: 25>, scalar_prefetch = 0 : i64, scratch_operands = 0 : i64, tpu.core_type = #tpu.core_type<tc>, window_params = [{transform_indices = @transform_0, window_bounds = array<i64: 400, 1>}, {pipeline_mode = #tpu.pipeline_mode<synchronous>, transform_indices = @transform_1, window_bounds = array<i64: 128, 128>}, {pipeline_mode = #tpu.pipeline_mode<synchronous>, transform_indices = @transform_2, window_bounds = array<i64: 128, 256>}, {pipeline_mode = #tpu.pipeline_mode<synchronous>, transform_indices = @transform_3, window_bounds = array<i64: 1, 256>}, {transform_indices = @transform_4, window_bounds = array<i64: 400, 128>}, {transform_indices = @transform_5, window_bounds = array<i64: 400, 256>}]} {
    %get3A = arith.constant 0 : index
    %get3A_0 = arith.constant 0 : index
    %get3A_1 = vector.load %arg1[%get3A, %get3A_0] : memref<400x1xi32, #tpu.memory_space<vmem>>, vector<400x1xi32>
    %iota3A = tpu.iota {dimensions = array<i32: 1>} : vector<400x128xi32>
    %eq3A = vector.broadcast %get3A_1 : vector<400x1xi32> to vector<400x128xi32>
    %eq3A_2 = arith.cmpi eq, %eq3A, %iota3A : vector<400x128xi32>
    %convert_element_type3A = arith.extui %eq3A_2 : vector<400x128xi1> to vector<400x128xi32>
    %convert_element_type3A_3 = arith.sitofp %convert_element_type3A : vector<400x128xi32> to vector<400x128xf32>
    %get3A_4 = arith.constant 0 : index
    %get3A_5 = arith.constant 0 : index
    %get3A_6 = vector.load %arg2[%get3A_4, %get3A_5] : memref<128x128xf32, #tpu.memory_space<vmem>>, vector<128x128xf32>
    %dot_general3A = arith.constant dense<0.000000e+00> : vector<400x128xf32>
    %dot_general3A_7 = tpu.matmul %convert_element_type3A_3, %get3A_6, %dot_general3A {dimension_numbers = #tpu.dot_dimension_numbers<[1], [0], [0], [1], [0, 0, 1, 1], [], []>, precision = #tpu.contract_precision<fp32>, transpose_lhs_hint = false} : vector<400x128xf32>, vector<128x128xf32>, vector<400x128xf32> -> vector<400x128xf32>
    %swap3A = arith.constant 0 : index
    %swap3A_8 = arith.constant 0 : index
    %swap3A_9 = vector.load %arg5[%swap3A, %swap3A_8] : memref<400x128xf32, #tpu.memory_space<vmem>>, vector<400x128xf32>
    tpu.vector_store %arg5[%swap3A, %swap3A_8], %dot_general3A_7 {strides = array<i32>} : memref<400x128xf32, #tpu.memory_space<vmem>>, vector<400x128xf32>,
    %get3A_10 = arith.constant 0 : index
    %get3A_11 = arith.constant 0 : index
    %get3A_12 = vector.load %arg3[%get3A_10, %get3A_11] : memref<128x256xf32, #tpu.memory_space<vmem>>, vector<128x256xf32>
    %dot_general3A_13 = arith.constant dense<0.000000e+00> : vector<400x256xf32>
    %dot_general3A_14 = tpu.matmul %dot_general3A_7, %get3A_12, %dot_general3A_13 {dimension_numbers = #tpu.dot_dimension_numbers<[1], [0], [0], [1], [0, 0, 1, 1], [], []>, transpose_lhs_hint = false} : vector<400x128xf32>, vector<128x256xf32>, vector<400x256xf32> -> vector<400x256xf32>
    %get3A_15 = arith.constant 0 : index
    %get3A_16 = arith.constant 0 : index
    %get3A_17 = vector.load %arg4[%get3A_15, %get3A_16] : memref<1x256xf32, #tpu.memory_space<vmem>>, vector<1x256xf32>
    %add3A = vector.broadcast %get3A_17 : vector<1x256xf32> to vector<400x256xf32>
    %add3A_18 = arith.addf %dot_general3A_14, %add3A : vector<400x256xf32>
    %swap3A_19 = arith.constant 0 : index
    %swap3A_20 = arith.constant 0 : index
    %swap3A_21 = vector.load %arg6[%swap3A_19, %swap3A_20] : memref<400x256xf32, #tpu.memory_space<vmem>>, vector<400x256xf32>
    tpu.vector_store %arg6[%swap3A_19, %swap3A_20], %add3A_18 {strides = array<i32>} : memref<400x256xf32, #tpu.memory_space<vmem>>, vector<400x256xf32>,
    return
  }
  func.func @transform_0(%arg0: i32) -> (i32, i32) {
    %c0_i32 = arith.constant 0 : i32
    %c0_i32_0 = arith.constant 0 : i32
    return %arg0, %c0_i32 : i32, i32
  }
  func.func @transform_1(%arg0: i32) -> (i32, i32) {
    %c0_i32 = arith.constant 0 : i32
    %c0_i32_0 = arith.constant 0 : i32
    %c0_i32_1 = arith.constant 0 : i32
    return %c0_i32, %c0_i32_0 : i32, i32
  }
  func.func @transform_2(%arg0: i32) -> (i32, i32) {
    %c0_i32 = arith.constant 0 : i32
    %c0_i32_0 = arith.constant 0 : i32
    %c0_i32_1 = arith.constant 0 : i32
    return %c0_i32, %c0_i32_0 : i32, i32
  }
  func.func @transform_3(%arg0: i32) -> (i32, i32) {
    %c0_i32 = arith.constant 0 : i32
    %c0_i32_0 = arith.constant 0 : i32
    %c0_i32_1 = arith.constant 0 : i32
    return %c0_i32, %c0_i32_0 : i32, i32
  }
  func.func @transform_4(%arg0: i32) -> (i32, i32) {
    %c0_i32 = arith.constant 0 : i32
    %c0_i32_0 = arith.constant 0 : i32
    return %arg0, %c0_i32 : i32, i32
  }
  func.func @transform_5(%arg0: i32) -> (i32, i32) {
    %c0_i32 = arith.constant 0 : i32
    %c0_i32_0 = arith.constant 0 : i32
    return %arg0, %c0_i32 : i32, i32
  }
}

module attributes {stable_mosaic.version = 14 : i64} {
  func.func @_kc_body(%arg0: i32, %arg1: memref<6400x128xf32, #tpu.memory_space<vmem>>, %arg2: memref<400x256xf32, #tpu.memory_space<vmem>>, %arg3: memref<400x16x16xf32, #tpu.memory_space<vmem>>, %arg4: memref<128x256xf32, #tpu.memory_space<vmem>>, %arg5: memref<16x256xf32, #tpu.memory_space<vmem>>, %arg6: memref<2x256xf32, #tpu.memory_space<vmem>>, %arg7: memref<2x256xf32, #tpu.memory_space<vmem>>) attributes {dimension_semantics = [#tpu.dimension_semantics<arbitrary>], iteration_bounds = array<i64: 25>, scalar_prefetch = 0 : i64, scratch_operands = 1 : i64, tpu.core_type = #tpu.core_type<tc>, window_params = [{transform_indices = @transform_0, window_bounds = array<i64: 6400, 128>}, {transform_indices = @transform_1, window_bounds = array<i64: 400, 256>}, {transform_indices = @transform_2, window_bounds = array<i64: 400, 16, 16>}, {pipeline_mode = #tpu.pipeline_mode<synchronous>, transform_indices = @transform_3, window_bounds = array<i64: 128, 256>}, {pipeline_mode = #tpu.pipeline_mode<synchronous>, transform_indices = @transform_4, window_bounds = array<i64: 16, 256>}, {pipeline_mode = #tpu.pipeline_mode<synchronous>, transform_indices = @transform_5, window_bounds = array<i64: 2, 256>}]} {
    %eq3A = arith.constant 0 : i32
    %eq3A_0 = arith.cmpi eq, %arg0, %eq3A : i32
    %convert_element_type3A = arith.extui %eq3A_0 : i1 to i32
    %cond3A = arith.constant 0 : i32
    %cond3A_1 = arith.cmpi ne, %convert_element_type3A, %cond3A : i32
    scf.if %cond3A_1 {
      %broadcast_in_dim3A_61 = arith.constant 0.000000e+00 : f32
      %broadcast_in_dim3A_62 = vector.broadcast %broadcast_in_dim3A_61 : f32 to vector<2x256xf32>
      %swap3A_63 = arith.constant 0 : index
      %swap3A_64 = arith.constant 0 : index
      %swap3A_65 = vector.load %arg7[%swap3A_63, %swap3A_64] : memref<2x256xf32, #tpu.memory_space<vmem>>, vector<2x256xf32>
      tpu.vector_store %arg7[%swap3A_63, %swap3A_64], %broadcast_in_dim3A_62 {strides = array<i32>} : memref<2x256xf32, #tpu.memory_space<vmem>>, vector<2x256xf32>,
    } else {
    }
    %get3A = arith.constant 0 : index
    %get3A_2 = arith.constant 0 : index
    %get3A_3 = vector.load %arg4[%get3A, %get3A_2] : memref<128x256xf32, #tpu.memory_space<vmem>>, vector<128x256xf32>
    %get3A_4 = arith.constant 0 : index
    %get3A_5 = arith.constant 0 : index
    %get3A_6 = vector.load %arg5[%get3A_4, %get3A_5] : memref<16x256xf32, #tpu.memory_space<vmem>>, vector<16x256xf32>
    %get3A_7 = arith.constant 0 : index
    %get3A_8 = arith.constant 0 : index
    %get3A_9 = vector.load %arg1[%get3A_7, %get3A_8] : memref<6400x128xf32, #tpu.memory_space<vmem>>, vector<6400x128xf32>
    %dot_general3A = arith.constant dense<0.000000e+00> : vector<6400x256xf32>
    %dot_general3A_10 = tpu.matmul %get3A_9, %get3A_3, %dot_general3A {dimension_numbers = #tpu.dot_dimension_numbers<[1], [0], [0], [1], [0, 0, 1, 1], [], []>, transpose_lhs_hint = false} : vector<6400x128xf32>, vector<128x256xf32>, vector<6400x256xf32> -> vector<6400x256xf32>
    %get3A_11 = arith.constant 0 : index
    %get3A_12 = arith.constant 0 : index
    %get3A_13 = arith.constant 0 : index
    %get3A_14 = vector.load %arg3[%get3A_11, %get3A_12, %get3A_13] : memref<400x16x16xf32, #tpu.memory_space<vmem>>, vector<400x16x16xf32>
    %reshape3A = vector.shape_cast %get3A_14 : vector<400x16x16xf32> to vector<6400x16xf32>
    %dot_general3A_15 = arith.constant dense<0.000000e+00> : vector<6400x256xf32>
    %dot_general3A_16 = tpu.matmul %reshape3A, %get3A_6, %dot_general3A_15 {dimension_numbers = #tpu.dot_dimension_numbers<[1], [0], [0], [1], [0, 0, 1, 1], [], []>, transpose_lhs_hint = false} : vector<6400x16xf32>, vector<16x256xf32>, vector<6400x256xf32> -> vector<6400x256xf32>
    %add3A = arith.addf %dot_general3A_10, %dot_general3A_16 : vector<6400x256xf32>
    %get3A_17 = arith.constant 0 : index
    %get3A_18 = arith.constant 0 : index
    %get3A_19 = vector.load %arg2[%get3A_17, %get3A_18] : memref<400x256xf32, #tpu.memory_space<vmem>>, vector<400x256xf32>
    %reshape3A_20 = vector.shape_cast %add3A : vector<6400x256xf32> to vector<400x16x256xf32>
    %reduce_sum3A = arith.constant dense<0.000000e+00> : vector<400x256xf32>
    %reduce_sum3A_21 = vector.multi_reduction <add>, %reshape3A_20, %reduce_sum3A [1] : vector<400x16x256xf32> to vector<400x256xf32>
    %reduce_sum3A_22 = arith.constant dense<0.000000e+00> : vector<256xf32>
    %reduce_sum3A_23 = vector.multi_reduction <add>, %add3A, %reduce_sum3A_22 [0] : vector<6400x256xf32> to vector<256xf32>
    %broadcast_in_dim3A = vector.shape_cast %reduce_sum3A_23 : vector<256xf32> to vector<1x256xf32>
    %reduce_sum3A_24 = arith.constant dense<0.000000e+00> : vector<256xf32>
    %reduce_sum3A_25 = vector.multi_reduction <add>, %get3A_19, %reduce_sum3A_24 [0] : vector<400x256xf32> to vector<256xf32>
    %broadcast_in_dim3A_26 = vector.shape_cast %reduce_sum3A_25 : vector<256xf32> to vector<1x256xf32>
    %mul3A = arith.constant 1.600000e+01 : f32
    %mul3A_27 = vector.broadcast %mul3A : f32 to vector<1x256xf32>
    %mul3A_28 = arith.mulf %mul3A_27, %broadcast_in_dim3A_26 : vector<1x256xf32>
    %add3A_29 = arith.addf %broadcast_in_dim3A, %mul3A_28 : vector<1x256xf32>
    %mul3A_30 = arith.mulf %add3A, %add3A : vector<6400x256xf32>
    %reduce_sum3A_31 = arith.constant dense<0.000000e+00> : vector<256xf32>
    %reduce_sum3A_32 = vector.multi_reduction <add>, %mul3A_30, %reduce_sum3A_31 [0] : vector<6400x256xf32> to vector<256xf32>
    %broadcast_in_dim3A_33 = vector.shape_cast %reduce_sum3A_32 : vector<256xf32> to vector<1x256xf32>
    %mul3A_34 = arith.mulf %get3A_19, %reduce_sum3A_21 : vector<400x256xf32>
    %reduce_sum3A_35 = arith.constant dense<0.000000e+00> : vector<256xf32>
    %reduce_sum3A_36 = vector.multi_reduction <add>, %mul3A_34, %reduce_sum3A_35 [0] : vector<400x256xf32> to vector<256xf32>
    %broadcast_in_dim3A_37 = vector.shape_cast %reduce_sum3A_36 : vector<256xf32> to vector<1x256xf32>
    %mul3A_38 = arith.constant 2.000000e+00 : f32
    %mul3A_39 = vector.broadcast %mul3A_38 : f32 to vector<1x256xf32>
    %mul3A_40 = arith.mulf %mul3A_39, %broadcast_in_dim3A_37 : vector<1x256xf32>
    %add3A_41 = arith.addf %broadcast_in_dim3A_33, %mul3A_40 : vector<1x256xf32>
    %mul3A_42 = arith.mulf %get3A_19, %get3A_19 : vector<400x256xf32>
    %reduce_sum3A_43 = arith.constant dense<0.000000e+00> : vector<256xf32>
    %reduce_sum3A_44 = vector.multi_reduction <add>, %mul3A_42, %reduce_sum3A_43 [0] : vector<400x256xf32> to vector<256xf32>
    %broadcast_in_dim3A_45 = vector.shape_cast %reduce_sum3A_44 : vector<256xf32> to vector<1x256xf32>
    %mul3A_46 = arith.constant 1.600000e+01 : f32
    %mul3A_47 = vector.broadcast %mul3A_46 : f32 to vector<1x256xf32>
    %mul3A_48 = arith.mulf %mul3A_47, %broadcast_in_dim3A_45 : vector<1x256xf32>
    %add3A_49 = arith.addf %add3A_41, %mul3A_48 : vector<1x256xf32>
    %get3A_50 = arith.constant 0 : index
    %get3A_51 = arith.constant 0 : index
    %get3A_52 = vector.load %arg7[%get3A_50, %get3A_51] : memref<2x256xf32, #tpu.memory_space<vmem>>, vector<2x256xf32>
    %concatenate3A = tpu.concatenate %add3A_29, %add3A_49 in 0 : vector<1x256xf32>, vector<1x256xf32> -> vector<2x256xf32>
    %add3A_53 = arith.addf %get3A_52, %concatenate3A : vector<2x256xf32>
    %swap3A = arith.constant 0 : index
    %swap3A_54 = arith.constant 0 : index
    %swap3A_55 = vector.load %arg7[%swap3A, %swap3A_54] : memref<2x256xf32, #tpu.memory_space<vmem>>, vector<2x256xf32>
    tpu.vector_store %arg7[%swap3A, %swap3A_54], %add3A_53 {strides = array<i32>} : memref<2x256xf32, #tpu.memory_space<vmem>>, vector<2x256xf32>,
    %eq3A_56 = arith.constant 24 : i32
    %eq3A_57 = arith.cmpi eq, %arg0, %eq3A_56 : i32
    %convert_element_type3A_58 = arith.extui %eq3A_57 : i1 to i32
    %cond3A_59 = arith.constant 0 : i32
    %cond3A_60 = arith.cmpi ne, %convert_element_type3A_58, %cond3A_59 : i32
    scf.if %cond3A_60 {
      %get3A_61 = arith.constant 0 : index
      %get3A_62 = arith.constant 0 : index
      %get3A_63 = vector.load %arg7[%get3A_61, %get3A_62] : memref<2x256xf32, #tpu.memory_space<vmem>>, vector<2x256xf32>
      %swap3A_64 = arith.constant 0 : index
      %swap3A_65 = arith.constant 0 : index
      %swap3A_66 = vector.load %arg6[%swap3A_64, %swap3A_65] : memref<2x256xf32, #tpu.memory_space<vmem>>, vector<2x256xf32>
      tpu.vector_store %arg6[%swap3A_64, %swap3A_65], %get3A_63 {strides = array<i32>} : memref<2x256xf32, #tpu.memory_space<vmem>>, vector<2x256xf32>,
    } else {
    }
    return
  }
  func.func @transform_0(%arg0: i32) -> (i32, i32) {
    %c0_i32 = arith.constant 0 : i32
    %c0_i32_0 = arith.constant 0 : i32
    return %arg0, %c0_i32 : i32, i32
  }
  func.func @transform_1(%arg0: i32) -> (i32, i32) {
    %c0_i32 = arith.constant 0 : i32
    %c0_i32_0 = arith.constant 0 : i32
    return %arg0, %c0_i32 : i32, i32
  }
  func.func @transform_2(%arg0: i32) -> (i32, i32, i32) {
    %c0_i32 = arith.constant 0 : i32
    %c0_i32_0 = arith.constant 0 : i32
    %c0_i32_1 = arith.constant 0 : i32
    return %arg0, %c0_i32, %c0_i32_0 : i32, i32, i32
  }
  func.func @transform_3(%arg0: i32) -> (i32, i32) {
    %c0_i32 = arith.constant 0 : i32
    %c0_i32_0 = arith.constant 0 : i32
    %c0_i32_1 = arith.constant 0 : i32
    return %c0_i32, %c0_i32_0 : i32, i32
  }
  func.func @transform_4(%arg0: i32) -> (i32, i32) {
    %c0_i32 = arith.constant 0 : i32
    %c0_i32_0 = arith.constant 0 : i32
    %c0_i32_1 = arith.constant 0 : i32
    return %c0_i32, %c0_i32_0 : i32, i32
  }
  func.func @transform_5(%arg0: i32) -> (i32, i32) {
    %c0_i32 = arith.constant 0 : i32
    %c0_i32_0 = arith.constant 0 : i32
    %c0_i32_1 = arith.constant 0 : i32
    return %c0_i32, %c0_i32_0 : i32, i32
  }
}

module attributes {stable_mosaic.version = 14 : i64} {
  func.func @_kd_body(%arg0: i32, %arg1: memref<6400x128xf32, #tpu.memory_space<vmem>>, %arg2: memref<400x256xf32, #tpu.memory_space<vmem>>, %arg3: memref<400x16x16xf32, #tpu.memory_space<vmem>>, %arg4: memref<128x256xf32, #tpu.memory_space<vmem>>, %arg5: memref<16x256xf32, #tpu.memory_space<vmem>>, %arg6: memref<2x256xf32, #tpu.memory_space<vmem>>, %arg7: memref<1x256xf32, #tpu.memory_space<vmem>>, %arg8: memref<1x256xf32, #tpu.memory_space<vmem>>, %arg9: memref<400x128xf32, #tpu.memory_space<vmem>>, %arg10: memref<2x128xf32, #tpu.memory_space<vmem>>, %arg11: memref<2x128xf32, #tpu.memory_space<vmem>>) attributes {dimension_semantics = [#tpu.dimension_semantics<arbitrary>], iteration_bounds = array<i64: 25>, scalar_prefetch = 0 : i64, scratch_operands = 1 : i64, tpu.core_type = #tpu.core_type<tc>, window_params = [{transform_indices = @transform_0, window_bounds = array<i64: 6400, 128>}, {transform_indices = @transform_1, window_bounds = array<i64: 400, 256>}, {transform_indices = @transform_2, window_bounds = array<i64: 400, 16, 16>}, {pipeline_mode = #tpu.pipeline_mode<synchronous>, transform_indices = @transform_3, window_bounds = array<i64: 128, 256>}, {pipeline_mode = #tpu.pipeline_mode<synchronous>, transform_indices = @transform_4, window_bounds = array<i64: 16, 256>}, {pipeline_mode = #tpu.pipeline_mode<synchronous>, transform_indices = @transform_5, window_bounds = array<i64: 2, 256>}, {pipeline_mode = #tpu.pipeline_mode<synchronous>, transform_indices = @transform_6, window_bounds = array<i64: 1, 256>}, {pipeline_mode = #tpu.pipeline_mode<synchronous>, transform_indices = @transform_7, window_bounds = array<i64: 1, 256>}, {transform_indices = @transform_8, window_bounds = array<i64: 400, 128>}, {pipeline_mode = #tpu.pipeline_mode<synchronous>, transform_indices = @transform_9, window_bounds = array<i64: 2, 128>}]} {
    %eq3A = arith.constant 0 : i32
    %eq3A_0 = arith.cmpi eq, %arg0, %eq3A : i32
    %convert_element_type3A = arith.extui %eq3A_0 : i1 to i32
    %cond3A = arith.constant 0 : i32
    %cond3A_1 = arith.cmpi ne, %convert_element_type3A, %cond3A : i32
    scf.if %cond3A_1 {
      %broadcast_in_dim3A_93 = arith.constant 0.000000e+00 : f32
      %broadcast_in_dim3A_94 = vector.broadcast %broadcast_in_dim3A_93 : f32 to vector<2x128xf32>
      %swap3A_95 = arith.constant 0 : index
      %swap3A_96 = arith.constant 0 : index
      %swap3A_97 = vector.load %arg11[%swap3A_95, %swap3A_96] : memref<2x128xf32, #tpu.memory_space<vmem>>, vector<2x128xf32>
      tpu.vector_store %arg11[%swap3A_95, %swap3A_96], %broadcast_in_dim3A_94 {strides = array<i32>} : memref<2x128xf32, #tpu.memory_space<vmem>>, vector<2x128xf32>,
    } else {
    }
    %get3A = arith.constant 0 : index
    %get3A_2 = arith.constant 0 : index
    %get3A_3 = vector.load %arg6[%get3A, %get3A_2] : memref<2x256xf32, #tpu.memory_space<vmem>>, vector<1x256xf32>
    %div3A = arith.constant 1.600000e+05 : f32
    %div3A_4 = vector.broadcast %div3A : f32 to vector<1x256xf32>
    %div3A_5 = arith.divf %get3A_3, %div3A_4 : vector<1x256xf32>
    %get3A_6 = arith.constant 1 : index
    %get3A_7 = arith.constant 0 : index
    %get3A_8 = vector.load %arg6[%get3A_6, %get3A_7] : memref<2x256xf32, #tpu.memory_space<vmem>>, vector<1x256xf32>
    %div3A_9 = arith.constant 1.600000e+05 : f32
    %div3A_10 = vector.broadcast %div3A_9 : f32 to vector<1x256xf32>
    %div3A_11 = arith.divf %get3A_8, %div3A_10 : vector<1x256xf32>
    %mul3A = arith.mulf %div3A_5, %div3A_5 : vector<1x256xf32>
    %sub3A = arith.subf %div3A_11, %mul3A : vector<1x256xf32>
    %get3A_12 = arith.constant 0 : index
    %get3A_13 = arith.constant 0 : index
    %get3A_14 = vector.load %arg7[%get3A_12, %get3A_13] : memref<1x256xf32, #tpu.memory_space<vmem>>, vector<1x256xf32>
    %add3A = arith.constant 9.99999974E-6 : f32
    %add3A_15 = vector.broadcast %add3A : f32 to vector<1x256xf32>
    %add3A_16 = arith.addf %sub3A, %add3A_15 : vector<1x256xf32>
    %rsqrt3A = math.rsqrt %add3A_16 : vector<1x256xf32>
    %mul3A_17 = arith.mulf %get3A_14, %rsqrt3A : vector<1x256xf32>
    %get3A_18 = arith.constant 0 : index
    %get3A_19 = arith.constant 0 : index
    %get3A_20 = vector.load %arg8[%get3A_18, %get3A_19] : memref<1x256xf32, #tpu.memory_space<vmem>>, vector<1x256xf32>
    %mul3A_21 = arith.mulf %div3A_5, %mul3A_17 : vector<1x256xf32>
    %sub3A_22 = arith.subf %get3A_20, %mul3A_21 : vector<1x256xf32>
    %get3A_23 = arith.constant 0 : index
    %get3A_24 = arith.constant 0 : index
    %get3A_25 = vector.load %arg4[%get3A_23, %get3A_24] : memref<128x256xf32, #tpu.memory_space<vmem>>, vector<128x256xf32>
    %mul3A_26 = vector.broadcast %mul3A_17 : vector<1x256xf32> to vector<128x256xf32>
    %mul3A_27 = arith.mulf %get3A_25, %mul3A_26 : vector<128x256xf32>
    %get3A_28 = arith.constant 0 : index
    %get3A_29 = arith.constant 0 : index
    %get3A_30 = vector.load %arg5[%get3A_28, %get3A_29] : memref<16x256xf32, #tpu.memory_space<vmem>>, vector<16x256xf32>
    %mul3A_31 = vector.broadcast %mul3A_17 : vector<1x256xf32> to vector<16x256xf32>
    %mul3A_32 = arith.mulf %get3A_30, %mul3A_31 : vector<16x256xf32>
    %get3A_33 = arith.constant 0 : index
    %get3A_34 = arith.constant 0 : index
    %get3A_35 = vector.load %arg1[%get3A_33, %get3A_34] : memref<6400x128xf32, #tpu.memory_space<vmem>>, vector<6400x128xf32>
    %dot_general3A = arith.constant dense<0.000000e+00> : vector<6400x256xf32>
    %dot_general3A_36 = tpu.matmul %get3A_35, %mul3A_27, %dot_general3A {dimension_numbers = #tpu.dot_dimension_numbers<[1], [0], [0], [1], [0, 0, 1, 1], [], []>, transpose_lhs_hint = false} : vector<6400x128xf32>, vector<128x256xf32>, vector<6400x256xf32> -> vector<6400x256xf32>
    %get3A_37 = arith.constant 0 : index
    %get3A_38 = arith.constant 0 : index
    %get3A_39 = arith.constant 0 : index
    %get3A_40 = vector.load %arg3[%get3A_37, %get3A_38, %get3A_39] : memref<400x16x16xf32, #tpu.memory_space<vmem>>, vector<400x16x16xf32>
    %reshape3A = vector.shape_cast %get3A_40 : vector<400x16x16xf32> to vector<6400x16xf32>
    %dot_general3A_41 = arith.constant dense<0.000000e+00> : vector<6400x256xf32>
    %dot_general3A_42 = tpu.matmul %reshape3A, %mul3A_32, %dot_general3A_41 {dimension_numbers = #tpu.dot_dimension_numbers<[1], [0], [0], [1], [0, 0, 1, 1], [], []>, transpose_lhs_hint = false} : vector<6400x16xf32>, vector<16x256xf32>, vector<6400x256xf32> -> vector<6400x256xf32>
    %add3A_43 = arith.addf %dot_general3A_36, %dot_general3A_42 : vector<6400x256xf32>
    %get3A_44 = arith.constant 0 : index
    %get3A_45 = arith.constant 0 : index
    %get3A_46 = vector.load %arg2[%get3A_44, %get3A_45] : memref<400x256xf32, #tpu.memory_space<vmem>>, vector<400x256xf32>
    %mul3A_47 = vector.broadcast %mul3A_17 : vector<1x256xf32> to vector<400x256xf32>
    %mul3A_48 = arith.mulf %get3A_46, %mul3A_47 : vector<400x256xf32>
    %add3A_49 = vector.broadcast %sub3A_22 : vector<1x256xf32> to vector<400x256xf32>
    %add3A_50 = arith.addf %mul3A_48, %add3A_49 : vector<400x256xf32>
    %reshape3A_51 = vector.shape_cast %add3A_43 : vector<6400x256xf32> to vector<400x16x256xf32>
    %reshape3A_52 = vector.shape_cast %add3A_50 : vector<400x256xf32> to vector<400x1x256xf32>
    %add3A_53 = vector.broadcast %reshape3A_52 : vector<400x1x256xf32> to vector<400x16x256xf32>
    %add3A_54 = arith.addf %reshape3A_51, %add3A_53 : vector<400x16x256xf32>
    %reshape3A_55 = vector.shape_cast %add3A_54 : vector<400x16x256xf32> to vector<6400x256xf32>
    %slice3A = vector.extract_strided_slice %reshape3A_55 {offsets = [0, 0], sizes = [6400, 128], strides = [1, 1]} : vector<6400x256xf32> to vector<6400x128xf32>
    %logistic3A = arith.negf %slice3A : vector<6400x128xf32>
    %logistic3A_56 = math.exp %logistic3A : vector<6400x128xf32>
    %logistic3A_57 = arith.constant 1.000000e+00 : f32
    %logistic3A_58 = vector.broadcast %logistic3A_57 : f32 to vector<6400x128xf32>
    %logistic3A_59 = arith.addf %logistic3A_58, %logistic3A_56 : vector<6400x128xf32>
    %logistic3A_60 = arith.divf %logistic3A_58, %logistic3A_59 : vector<6400x128xf32>
    %slice3A_61 = vector.extract_strided_slice %reshape3A_55 {offsets = [0, 128], sizes = [6400, 128], strides = [1, 1]} : vector<6400x256xf32> to vector<6400x128xf32>
    %custom_jvp_call3A = arith.constant 0.000000e+00 : f32
    %max3A = vector.broadcast %custom_jvp_call3A : f32 to vector<6400x128xf32>
    %max3A_62 = arith.maximumf %slice3A_61, %max3A : vector<6400x128xf32>
    %sub3A_63 = vector.broadcast %custom_jvp_call3A : f32 to vector<6400x128xf32>
    %sub3A_64 = arith.subf %slice3A_61, %sub3A_63 : vector<6400x128xf32>
    %ne3A = arith.cmpf one, %sub3A_64, %sub3A_64 : vector<6400x128xf32>
    %add3A_65 = vector.broadcast %custom_jvp_call3A : f32 to vector<6400x128xf32>
    %add3A_66 = arith.addf %slice3A_61, %add3A_65 : vector<6400x128xf32>
    %abs3A = math.absf %sub3A_64 : vector<6400x128xf32>
    %neg3A = arith.constant 0.000000e+00 : f32
    %neg3A_67 = vector.broadcast %neg3A : f32 to vector<6400x128xf32>
    %neg3A_68 = arith.subf %neg3A_67, %abs3A : vector<6400x128xf32>
    %exp3A = math.exp %neg3A_68 : vector<6400x128xf32>
    %log1p3A = math.log1p %exp3A : vector<6400x128xf32>
    %add3A_69 = arith.addf %max3A_62, %log1p3A : vector<6400x128xf32>
    %select_n3A = arith.select %ne3A, %add3A_66, %add3A_69 : vector<6400x128xi1>, vector<6400x128xf32>
    %mul3A_70 = arith.mulf %logistic3A_60, %select_n3A : vector<6400x128xf32>
    %reshape3A_71 = vector.shape_cast %mul3A_70 : vector<6400x128xf32> to vector<400x16x128xf32>
    %reduce_sum3A = arith.constant dense<0.000000e+00> : vector<400x128xf32>
    %reduce_sum3A_72 = vector.multi_reduction <add>, %reshape3A_71, %reduce_sum3A [1] : vector<400x16x128xf32> to vector<400x128xf32>
    %swap3A = arith.constant 0 : index
    %swap3A_73 = arith.constant 0 : index
    %swap3A_74 = vector.load %arg9[%swap3A, %swap3A_73] : memref<400x128xf32, #tpu.memory_space<vmem>>, vector<400x128xf32>
    tpu.vector_store %arg9[%swap3A, %swap3A_73], %reduce_sum3A_72 {strides = array<i32>} : memref<400x128xf32, #tpu.memory_space<vmem>>, vector<400x128xf32>,
    %reduce_sum3A_75 = arith.constant dense<0.000000e+00> : vector<128xf32>
    %reduce_sum3A_76 = vector.multi_reduction <add>, %reduce_sum3A_72, %reduce_sum3A_75 [0] : vector<400x128xf32> to vector<128xf32>
    %broadcast_in_dim3A = vector.shape_cast %reduce_sum3A_76 : vector<128xf32> to vector<1x128xf32>
    %mul3A_77 = arith.mulf %reduce_sum3A_72, %reduce_sum3A_72 : vector<400x128xf32>
    %reduce_sum3A_78 = arith.constant dense<0.000000e+00> : vector<128xf32>
    %reduce_sum3A_79 = vector.multi_reduction <add>, %mul3A_77, %reduce_sum3A_78 [0] : vector<400x128xf32> to vector<128xf32>
    %broadcast_in_dim3A_80 = vector.shape_cast %reduce_sum3A_79 : vector<128xf32> to vector<1x128xf32>
    %get3A_81 = arith.constant 0 : index
    %get3A_82 = arith.constant 0 : index
    %get3A_83 = vector.load %arg11[%get3A_81, %get3A_82] : memref<2x128xf32, #tpu.memory_space<vmem>>, vector<2x128xf32>
    %concatenate3A = tpu.concatenate %broadcast_in_dim3A, %broadcast_in_dim3A_80 in 0 : vector<1x128xf32>, vector<1x128xf32> -> vector<2x128xf32>
    %add3A_84 = arith.addf %get3A_83, %concatenate3A : vector<2x128xf32>
    %swap3A_85 = arith.constant 0 : index
    %swap3A_86 = arith.constant 0 : index
    %swap3A_87 = vector.load %arg11[%swap3A_85, %swap3A_86] : memref<2x128xf32, #tpu.memory_space<vmem>>, vector<2x128xf32>
    tpu.vector_store %arg11[%swap3A_85, %swap3A_86], %add3A_84 {strides = array<i32>} : memref<2x128xf32, #tpu.memory_space<vmem>>, vector<2x128xf32>,
    %eq3A_88 = arith.constant 24 : i32
    %eq3A_89 = arith.cmpi eq, %arg0, %eq3A_88 : i32
    %convert_element_type3A_90 = arith.extui %eq3A_89 : i1 to i32
    %cond3A_91 = arith.constant 0 : i32
    %cond3A_92 = arith.cmpi ne, %convert_element_type3A_90, %cond3A_91 : i32
    scf.if %cond3A_92 {
      %get3A_93 = arith.constant 0 : index
      %get3A_94 = arith.constant 0 : index
      %get3A_95 = vector.load %arg11[%get3A_93, %get3A_94] : memref<2x128xf32, #tpu.memory_space<vmem>>, vector<2x128xf32>
      %swap3A_96 = arith.constant 0 : index
      %swap3A_97 = arith.constant 0 : index
      %swap3A_98 = vector.load %arg10[%swap3A_96, %swap3A_97] : memref<2x128xf32, #tpu.memory_space<vmem>>, vector<2x128xf32>
      tpu.vector_store %arg10[%swap3A_96, %swap3A_97], %get3A_95 {strides = array<i32>} : memref<2x128xf32, #tpu.memory_space<vmem>>, vector<2x128xf32>,
    } else {
    }
    return
  }
  func.func @transform_0(%arg0: i32) -> (i32, i32) {
    %c0_i32 = arith.constant 0 : i32
    %c0_i32_0 = arith.constant 0 : i32
    return %arg0, %c0_i32 : i32, i32
  }
  func.func @transform_1(%arg0: i32) -> (i32, i32) {
    %c0_i32 = arith.constant 0 : i32
    %c0_i32_0 = arith.constant 0 : i32
    return %arg0, %c0_i32 : i32, i32
  }
  func.func @transform_2(%arg0: i32) -> (i32, i32, i32) {
    %c0_i32 = arith.constant 0 : i32
    %c0_i32_0 = arith.constant 0 : i32
    %c0_i32_1 = arith.constant 0 : i32
    return %arg0, %c0_i32, %c0_i32_0 : i32, i32, i32
  }
  func.func @transform_3(%arg0: i32) -> (i32, i32) {
    %c0_i32 = arith.constant 0 : i32
    %c0_i32_0 = arith.constant 0 : i32
    %c0_i32_1 = arith.constant 0 : i32
    return %c0_i32, %c0_i32_0 : i32, i32
  }
  func.func @transform_4(%arg0: i32) -> (i32, i32) {
    %c0_i32 = arith.constant 0 : i32
    %c0_i32_0 = arith.constant 0 : i32
    %c0_i32_1 = arith.constant 0 : i32
    return %c0_i32, %c0_i32_0 : i32, i32
  }
  func.func @transform_5(%arg0: i32) -> (i32, i32) {
    %c0_i32 = arith.constant 0 : i32
    %c0_i32_0 = arith.constant 0 : i32
    %c0_i32_1 = arith.constant 0 : i32
    return %c0_i32, %c0_i32_0 : i32, i32
  }
  func.func @transform_6(%arg0: i32) -> (i32, i32) {
    %c0_i32 = arith.constant 0 : i32
    %c0_i32_0 = arith.constant 0 : i32
    %c0_i32_1 = arith.constant 0 : i32
    return %c0_i32, %c0_i32_0 : i32, i32
  }
  func.func @transform_7(%arg0: i32) -> (i32, i32) {
    %c0_i32 = arith.constant 0 : i32
    %c0_i32_0 = arith.constant 0 : i32
    %c0_i32_1 = arith.constant 0 : i32
    return %c0_i32, %c0_i32_0 : i32, i32
  }
  func.func @transform_8(%arg0: i32) -> (i32, i32) {
    %c0_i32 = arith.constant 0 : i32
    %c0_i32_0 = arith.constant 0 : i32
    return %arg0, %c0_i32 : i32, i32
  }
  func.func @transform_9(%arg0: i32) -> (i32, i32) {
    %c0_i32 = arith.constant 0 : i32
    %c0_i32_0 = arith.constant 0 : i32
    %c0_i32_1 = arith.constant 0 : i32
    return %c0_i32, %c0_i32_0 : i32, i32
  }
}

module attributes {stable_mosaic.version = 14 : i64} {
  func.func @_ka_body(%arg0: i32, %arg1: memref<400x128xf32, #tpu.memory_space<vmem>>, %arg2: memref<400x128xf32, #tpu.memory_space<vmem>>, %arg3: memref<2x128xf32, #tpu.memory_space<vmem>>, %arg4: memref<1x128xf32, #tpu.memory_space<vmem>>, %arg5: memref<1x128xf32, #tpu.memory_space<vmem>>, %arg6: memref<128x256xf32, #tpu.memory_space<vmem>>, %arg7: memref<1x256xf32, #tpu.memory_space<vmem>>, %arg8: memref<400x128xf32, #tpu.memory_space<vmem>>, %arg9: memref<400x256xf32, #tpu.memory_space<vmem>>) attributes {dimension_semantics = [#tpu.dimension_semantics<arbitrary>], iteration_bounds = array<i64: 25>, scalar_prefetch = 0 : i64, scratch_operands = 0 : i64, tpu.core_type = #tpu.core_type<tc>, window_params = [{transform_indices = @transform_0, window_bounds = array<i64: 400, 128>}, {transform_indices = @transform_1, window_bounds = array<i64: 400, 128>}, {pipeline_mode = #tpu.pipeline_mode<synchronous>, transform_indices = @transform_2, window_bounds = array<i64: 2, 128>}, {pipeline_mode = #tpu.pipeline_mode<synchronous>, transform_indices = @transform_3, window_bounds = array<i64: 1, 128>}, {pipeline_mode = #tpu.pipeline_mode<synchronous>, transform_indices = @transform_4, window_bounds = array<i64: 1, 128>}, {pipeline_mode = #tpu.pipeline_mode<synchronous>, transform_indices = @transform_5, window_bounds = array<i64: 128, 256>}, {pipeline_mode = #tpu.pipeline_mode<synchronous>, transform_indices = @transform_6, window_bounds = array<i64: 1, 256>}, {transform_indices = @transform_7, window_bounds = array<i64: 400, 128>}, {transform_indices = @transform_8, window_bounds = array<i64: 400, 256>}]} {
    %get3A = arith.constant 0 : index
    %get3A_0 = arith.constant 0 : index
    %get3A_1 = vector.load %arg3[%get3A, %get3A_0] : memref<2x128xf32, #tpu.memory_space<vmem>>, vector<1x128xf32>
    %div3A = arith.constant 1.000000e+04 : f32
    %div3A_2 = vector.broadcast %div3A : f32 to vector<1x128xf32>
    %div3A_3 = arith.divf %get3A_1, %div3A_2 : vector<1x128xf32>
    %get3A_4 = arith.constant 1 : index
    %get3A_5 = arith.constant 0 : index
    %get3A_6 = vector.load %arg3[%get3A_4, %get3A_5] : memref<2x128xf32, #tpu.memory_space<vmem>>, vector<1x128xf32>
    %div3A_7 = arith.constant 1.000000e+04 : f32
    %div3A_8 = vector.broadcast %div3A_7 : f32 to vector<1x128xf32>
    %div3A_9 = arith.divf %get3A_6, %div3A_8 : vector<1x128xf32>
    %mul3A = arith.mulf %div3A_3, %div3A_3 : vector<1x128xf32>
    %sub3A = arith.subf %div3A_9, %mul3A : vector<1x128xf32>
    %get3A_10 = arith.constant 0 : index
    %get3A_11 = arith.constant 0 : index
    %get3A_12 = vector.load %arg4[%get3A_10, %get3A_11] : memref<1x128xf32, #tpu.memory_space<vmem>>, vector<1x128xf32>
    %add3A = arith.constant 9.99999974E-6 : f32
    %add3A_13 = vector.broadcast %add3A : f32 to vector<1x128xf32>
    %add3A_14 = arith.addf %sub3A, %add3A_13 : vector<1x128xf32>
    %rsqrt3A = math.rsqrt %add3A_14 : vector<1x128xf32>
    %mul3A_15 = arith.mulf %get3A_12, %rsqrt3A : vector<1x128xf32>
    %get3A_16 = arith.constant 0 : index
    %get3A_17 = arith.constant 0 : index
    %get3A_18 = vector.load %arg5[%get3A_16, %get3A_17] : memref<1x128xf32, #tpu.memory_space<vmem>>, vector<1x128xf32>
    %mul3A_19 = arith.mulf %div3A_3, %mul3A_15 : vector<1x128xf32>
    %sub3A_20 = arith.subf %get3A_18, %mul3A_19 : vector<1x128xf32>
    %get3A_21 = arith.constant 0 : index
    %get3A_22 = arith.constant 0 : index
    %get3A_23 = vector.load %arg1[%get3A_21, %get3A_22] : memref<400x128xf32, #tpu.memory_space<vmem>>, vector<400x128xf32>
    %get3A_24 = arith.constant 0 : index
    %get3A_25 = arith.constant 0 : index
    %get3A_26 = vector.load %arg2[%get3A_24, %get3A_25] : memref<400x128xf32, #tpu.memory_space<vmem>>, vector<400x128xf32>
    %mul3A_27 = vector.broadcast %mul3A_15 : vector<1x128xf32> to vector<400x128xf32>
    %mul3A_28 = arith.mulf %get3A_26, %mul3A_27 : vector<400x128xf32>
    %add3A_29 = arith.addf %get3A_23, %mul3A_28 : vector<400x128xf32>
    %add3A_30 = vector.broadcast %sub3A_20 : vector<1x128xf32> to vector<400x128xf32>
    %add3A_31 = arith.addf %add3A_29, %add3A_30 : vector<400x128xf32>
    %custom_jvp_call3A = arith.constant 0.000000e+00 : f32
    %max3A = vector.broadcast %custom_jvp_call3A : f32 to vector<400x128xf32>
    %max3A_32 = arith.maximumf %add3A_31, %max3A : vector<400x128xf32>
    %sub3A_33 = vector.broadcast %custom_jvp_call3A : f32 to vector<400x128xf32>
    %sub3A_34 = arith.subf %add3A_31, %sub3A_33 : vector<400x128xf32>
    %ne3A = arith.cmpf one, %sub3A_34, %sub3A_34 : vector<400x128xf32>
    %add3A_35 = vector.broadcast %custom_jvp_call3A : f32 to vector<400x128xf32>
    %add3A_36 = arith.addf %add3A_31, %add3A_35 : vector<400x128xf32>
    %abs3A = math.absf %sub3A_34 : vector<400x128xf32>
    %neg3A = arith.constant 0.000000e+00 : f32
    %neg3A_37 = vector.broadcast %neg3A : f32 to vector<400x128xf32>
    %neg3A_38 = arith.subf %neg3A_37, %abs3A : vector<400x128xf32>
    %exp3A = math.exp %neg3A_38 : vector<400x128xf32>
    %log1p3A = math.log1p %exp3A : vector<400x128xf32>
    %add3A_39 = arith.addf %max3A_32, %log1p3A : vector<400x128xf32>
    %select_n3A = arith.select %ne3A, %add3A_36, %add3A_39 : vector<400x128xi1>, vector<400x128xf32>
    %swap3A = arith.constant 0 : index
    %swap3A_40 = arith.constant 0 : index
    %swap3A_41 = vector.load %arg8[%swap3A, %swap3A_40] : memref<400x128xf32, #tpu.memory_space<vmem>>, vector<400x128xf32>
    tpu.vector_store %arg8[%swap3A, %swap3A_40], %select_n3A {strides = array<i32>} : memref<400x128xf32, #tpu.memory_space<vmem>>, vector<400x128xf32>,
    %get3A_42 = arith.constant 0 : index
    %get3A_43 = arith.constant 0 : index
    %get3A_44 = vector.load %arg6[%get3A_42, %get3A_43] : memref<128x256xf32, #tpu.memory_space<vmem>>, vector<128x256xf32>
    %dot_general3A = arith.constant dense<0.000000e+00> : vector<400x256xf32>
    %dot_general3A_45 = tpu.matmul %select_n3A, %get3A_44, %dot_general3A {dimension_numbers = #tpu.dot_dimension_numbers<[1], [0], [0], [1], [0, 0, 1, 1], [], []>, transpose_lhs_hint = false} : vector<400x128xf32>, vector<128x256xf32>, vector<400x256xf32> -> vector<400x256xf32>
    %get3A_46 = arith.constant 0 : index
    %get3A_47 = arith.constant 0 : index
    %get3A_48 = vector.load %arg7[%get3A_46, %get3A_47] : memref<1x256xf32, #tpu.memory_space<vmem>>, vector<1x256xf32>
    %add3A_49 = vector.broadcast %get3A_48 : vector<1x256xf32> to vector<400x256xf32>
    %add3A_50 = arith.addf %dot_general3A_45, %add3A_49 : vector<400x256xf32>
    %swap3A_51 = arith.constant 0 : index
    %swap3A_52 = arith.constant 0 : index
    %swap3A_53 = vector.load %arg9[%swap3A_51, %swap3A_52] : memref<400x256xf32, #tpu.memory_space<vmem>>, vector<400x256xf32>
    tpu.vector_store %arg9[%swap3A_51, %swap3A_52], %add3A_50 {strides = array<i32>} : memref<400x256xf32, #tpu.memory_space<vmem>>, vector<400x256xf32>,
    return
  }
  func.func @transform_0(%arg0: i32) -> (i32, i32) {
    %c0_i32 = arith.constant 0 : i32
    %c0_i32_0 = arith.constant 0 : i32
    return %arg0, %c0_i32 : i32, i32
  }
  func.func @transform_1(%arg0: i32) -> (i32, i32) {
    %c0_i32 = arith.constant 0 : i32
    %c0_i32_0 = arith.constant 0 : i32
    return %arg0, %c0_i32 : i32, i32
  }
  func.func @transform_2(%arg0: i32) -> (i32, i32) {
    %c0_i32 = arith.constant 0 : i32
    %c0_i32_0 = arith.constant 0 : i32
    %c0_i32_1 = arith.constant 0 : i32
    return %c0_i32, %c0_i32_0 : i32, i32
  }
  func.func @transform_3(%arg0: i32) -> (i32, i32) {
    %c0_i32 = arith.constant 0 : i32
    %c0_i32_0 = arith.constant 0 : i32
    %c0_i32_1 = arith.constant 0 : i32
    return %c0_i32, %c0_i32_0 : i32, i32
  }
  func.func @transform_4(%arg0: i32) -> (i32, i32) {
    %c0_i32 = arith.constant 0 : i32
    %c0_i32_0 = arith.constant 0 : i32
    %c0_i32_1 = arith.constant 0 : i32
    return %c0_i32, %c0_i32_0 : i32, i32
  }
  func.func @transform_5(%arg0: i32) -> (i32, i32) {
    %c0_i32 = arith.constant 0 : i32
    %c0_i32_0 = arith.constant 0 : i32
    %c0_i32_1 = arith.constant 0 : i32
    return %c0_i32, %c0_i32_0 : i32, i32
  }
  func.func @transform_6(%arg0: i32) -> (i32, i32) {
    %c0_i32 = arith.constant 0 : i32
    %c0_i32_0 = arith.constant 0 : i32
    %c0_i32_1 = arith.constant 0 : i32
    return %c0_i32, %c0_i32_0 : i32, i32
  }
  func.func @transform_7(%arg0: i32) -> (i32, i32) {
    %c0_i32 = arith.constant 0 : i32
    %c0_i32_0 = arith.constant 0 : i32
    return %arg0, %c0_i32 : i32, i32
  }
  func.func @transform_8(%arg0: i32) -> (i32, i32) {
    %c0_i32 = arith.constant 0 : i32
    %c0_i32_0 = arith.constant 0 : i32
    return %arg0, %c0_i32 : i32, i32
  }
}

module attributes {stable_mosaic.version = 14 : i64} {
  func.func @_kr_body(%arg0: i32, %arg1: memref<1x1x1024xi32, #tpu.memory_space<vmem>>, %arg2: memref<1x1024x1xi32, #tpu.memory_space<vmem>>, %arg3: memref<1x1024x1xi32, #tpu.memory_space<vmem>>, %arg4: memref<1x1x1280xf32, #tpu.memory_space<vmem>>, %arg5: memref<1x1x512xi32, #tpu.memory_space<vmem>>) attributes {dimension_semantics = [#tpu.dimension_semantics<arbitrary>], iteration_bounds = array<i64: 8>, scalar_prefetch = 0 : i64, scratch_operands = 0 : i64, tpu.core_type = #tpu.core_type<tc>, window_params = [{transform_indices = @transform_0, window_bounds = array<i64: 1, 1, 1024>}, {transform_indices = @transform_1, window_bounds = array<i64: 1, 1024, 1>}, {transform_indices = @transform_2, window_bounds = array<i64: 1, 1024, 1>}, {transform_indices = @transform_3, window_bounds = array<i64: 1, 1, 1280>}, {transform_indices = @transform_4, window_bounds = array<i64: 1, 1, 512>}]} {
    %get3A = arith.constant 0 : index
    %get3A_0 = arith.constant 0 : index
    %get3A_1 = arith.constant 0 : index
    %get3A_2 = vector.load %arg1[%get3A, %get3A_0, %get3A_1] : memref<1x1x1024xi32, #tpu.memory_space<vmem>>, vector<1x1x1024xi32>
    %reshape3A = vector.shape_cast %get3A_2 : vector<1x1x1024xi32> to vector<1x1024xi32>
    %get3A_3 = arith.constant 0 : index
    %get3A_4 = arith.constant 0 : index
    %get3A_5 = arith.constant 0 : index
    %get3A_6 = vector.load %arg2[%get3A_3, %get3A_4, %get3A_5] : memref<1x1024x1xi32, #tpu.memory_space<vmem>>, vector<1x1024x1xi32>
    %reshape3A_7 = vector.shape_cast %get3A_6 : vector<1x1024x1xi32> to vector<1024x1xi32>
    %get3A_8 = arith.constant 0 : index
    %get3A_9 = arith.constant 0 : index
    %get3A_10 = arith.constant 0 : index
    %get3A_11 = vector.load %arg3[%get3A_8, %get3A_9, %get3A_10] : memref<1x1024x1xi32, #tpu.memory_space<vmem>>, vector<1x1024x1xi32>
    %reshape3A_12 = vector.shape_cast %get3A_11 : vector<1x1024x1xi32> to vector<1024x1xi32>
    %get3A_13 = arith.constant 0 : index
    %get3A_14 = arith.constant 0 : index
    %get3A_15 = arith.constant 0 : index
    %get3A_16 = vector.load %arg4[%get3A_13, %get3A_14, %get3A_15] : memref<1x1x1280xf32, #tpu.memory_space<vmem>>, vector<1x1x1280xf32>
    %reshape3A_17 = vector.shape_cast %get3A_16 : vector<1x1x1280xf32> to vector<1x1280xf32>
    %iota3A = tpu.iota {dimensions = array<i32: 1>} : vector<1x1024xi32>
    %mul3A = arith.constant 1024 : i32
    %mul3A_18 = vector.broadcast %mul3A : i32 to vector<1x1024xi32>
    %mul3A_19 = arith.muli %reshape3A, %mul3A_18 : vector<1x1024xi32>
    %add3A = arith.constant 1023 : i32
    %add3A_20 = vector.broadcast %add3A : i32 to vector<1x1024xi32>
    %add3A_21 = arith.addi %mul3A_19, %add3A_20 : vector<1x1024xi32>
    %sub3A = arith.subi %add3A_21, %iota3A : vector<1x1024xi32>
    %iota3A_22 = tpu.iota {dimensions = array<i32: 0>} : vector<1024x1xi32>
    %mul3A_23 = arith.constant 1024 : i32
    %mul3A_24 = vector.broadcast %mul3A_23 : i32 to vector<1024x1xi32>
    %mul3A_25 = arith.muli %reshape3A_7, %mul3A_24 : vector<1024x1xi32>
    %add3A_26 = arith.constant 1023 : i32
    %add3A_27 = vector.broadcast %add3A_26 : i32 to vector<1024x1xi32>
    %add3A_28 = arith.addi %mul3A_25, %add3A_27 : vector<1024x1xi32>
    %sub3A_29 = arith.subi %add3A_28, %iota3A_22 : vector<1024x1xi32>
    %gt3A = vector.broadcast %sub3A : vector<1x1024xi32> to vector<1024x1024xi32>
    %gt3A_30 = vector.broadcast %sub3A_29 : vector<1024x1xi32> to vector<1024x1024xi32>
    %gt3A_31 = arith.cmpi sgt, %gt3A, %gt3A_30 : vector<1024x1024xi32>
    %convert_element_type3A = arith.extui %gt3A_31 : vector<1024x1024xi1> to vector<1024x1024xi32>
    %reduce_sum3A = arith.constant dense<0> : vector<1024xi32>
    %reduce_sum3A_32 = vector.multi_reduction <add>, %convert_element_type3A, %reduce_sum3A [1] : vector<1024x1024xi32> to vector<1024xi32>
    %broadcast_in_dim3A = vector.shape_cast %reduce_sum3A_32 : vector<1024xi32> to vector<1024x1xi32>
    %iota3A_33 = tpu.iota {dimensions = array<i32: 1>} : vector<1024x1280xi32>
    %eq3A = vector.broadcast %reshape3A_12 : vector<1024x1xi32> to vector<1024x1280xi32>
    %eq3A_34 = arith.cmpi eq, %iota3A_33, %eq3A : vector<1024x1280xi32>
    %jit3A = arith.constant 0.000000e+00 : f32
    %broadcast_in_dim3A_35 = vector.shape_cast %reshape3A_17 : vector<1x1280xf32> to vector<1x1280xf32>
    %broadcast_in_dim3A_36 = vector.broadcast %broadcast_in_dim3A_35 : vector<1x1280xf32> to vector<1024x1280xf32>
    %broadcast_in_dim3A_37 = vector.broadcast %jit3A : f32 to vector<1024x1280xf32>
    %select_n3A = arith.select %eq3A_34, %broadcast_in_dim3A_36, %broadcast_in_dim3A_37 : vector<1024x1280xi1>, vector<1024x1280xf32>
    %reduce_sum3A_38 = arith.constant dense<0.000000e+00> : vector<1024xf32>
    %reduce_sum3A_39 = vector.multi_reduction <add>, %select_n3A, %reduce_sum3A_38 [1] : vector<1024x1280xf32> to vector<1024xf32>
    %broadcast_in_dim3A_40 = vector.shape_cast %reduce_sum3A_39 : vector<1024xf32> to vector<1024x1xf32>
    %iota3A_41 = tpu.iota {dimensions = array<i32: 1>} : vector<1024x512xi32>
    %eq3A_42 = vector.broadcast %broadcast_in_dim3A : vector<1024x1xi32> to vector<1024x512xi32>
    %eq3A_43 = arith.cmpi eq, %eq3A_42, %iota3A_41 : vector<1024x512xi32>
    %jit3A_44 = arith.constant 0.000000e+00 : f32
    %broadcast_in_dim3A_45 = vector.shape_cast %broadcast_in_dim3A_40 : vector<1024x1xf32> to vector<1024x1xf32>
    %broadcast_in_dim3A_46 = vector.broadcast %broadcast_in_dim3A_45 : vector<1024x1xf32> to vector<1024x512xf32>
    %broadcast_in_dim3A_47 = vector.broadcast %jit3A_44 : f32 to vector<1024x512xf32>
    %select_n3A_48 = arith.select %eq3A_43, %broadcast_in_dim3A_46, %broadcast_in_dim3A_47 : vector<1024x512xi1>, vector<1024x512xf32>
    %reduce_sum3A_49 = arith.constant dense<0.000000e+00> : vector<512xf32>
    %reduce_sum3A_50 = vector.multi_reduction <add>, %select_n3A_48, %reduce_sum3A_49 [0] : vector<1024x512xf32> to vector<512xf32>
    %broadcast_in_dim3A_51 = vector.shape_cast %reduce_sum3A_50 : vector<512xf32> to vector<1x512xf32>
    %convert_element_type3A_52 = arith.fptosi %broadcast_in_dim3A_51 : vector<1x512xf32> to vector<1x512xi32>
    %reshape3A_53 = vector.shape_cast %convert_element_type3A_52 : vector<1x512xi32> to vector<1x1x512xi32>
    %swap3A = arith.constant 0 : index
    %swap3A_54 = arith.constant 0 : index
    %swap3A_55 = arith.constant 0 : index
    %swap3A_56 = vector.load %arg5[%swap3A, %swap3A_54, %swap3A_55] : memref<1x1x512xi32, #tpu.memory_space<vmem>>, vector<1x1x512xi32>
    tpu.vector_store %arg5[%swap3A, %swap3A_54, %swap3A_55], %reshape3A_53 {strides = array<i32>} : memref<1x1x512xi32, #tpu.memory_space<vmem>>, vector<1x1x512xi32>,
    return
  }
  func.func @transform_0(%arg0: i32) -> (i32, i32, i32) {
    %c0_i32 = arith.constant 0 : i32
    %c0_i32_0 = arith.constant 0 : i32
    %c0_i32_1 = arith.constant 0 : i32
    return %arg0, %c0_i32, %c0_i32_0 : i32, i32, i32
  }
  func.func @transform_1(%arg0: i32) -> (i32, i32, i32) {
    %c0_i32 = arith.constant 0 : i32
    %c0_i32_0 = arith.constant 0 : i32
    %c0_i32_1 = arith.constant 0 : i32
    return %arg0, %c0_i32, %c0_i32_0 : i32, i32, i32
  }
  func.func @transform_2(%arg0: i32) -> (i32, i32, i32) {
    %c0_i32 = arith.constant 0 : i32
    %c0_i32_0 = arith.constant 0 : i32
    %c0_i32_1 = arith.constant 0 : i32
    return %arg0, %c0_i32, %c0_i32_0 : i32, i32, i32
  }
  func.func @transform_3(%arg0: i32) -> (i32, i32, i32) {
    %c0_i32 = arith.constant 0 : i32
    %c0_i32_0 = arith.constant 0 : i32
    %c0_i32_1 = arith.constant 0 : i32
    return %arg0, %c0_i32, %c0_i32_0 : i32, i32, i32
  }
  func.func @transform_4(%arg0: i32) -> (i32, i32, i32) {
    %c0_i32 = arith.constant 0 : i32
    %c0_i32_0 = arith.constant 0 : i32
    %c0_i32_1 = arith.constant 0 : i32
    return %arg0, %c0_i32, %c0_i32_0 : i32, i32, i32
  }
}

module attributes {stable_mosaic.version = 14 : i64} {
  func.func @_kf_body(%arg0: i32, %arg1: memref<400x128xf32, #tpu.memory_space<vmem>>, %arg2: memref<400x128xf32, #tpu.memory_space<vmem>>, %arg3: memref<2x128xf32, #tpu.memory_space<vmem>>, %arg4: memref<1x128xf32, #tpu.memory_space<vmem>>, %arg5: memref<1x128xf32, #tpu.memory_space<vmem>>, %arg6: memref<128x128xf32, #tpu.memory_space<vmem>>, %arg7: memref<1x128xf32, #tpu.memory_space<vmem>>, %arg8: memref<400x128xf32, #tpu.memory_space<vmem>>) attributes {dimension_semantics = [#tpu.dimension_semantics<arbitrary>], iteration_bounds = array<i64: 25>, scalar_prefetch = 0 : i64, scratch_operands = 0 : i64, tpu.core_type = #tpu.core_type<tc>, window_params = [{transform_indices = @transform_0, window_bounds = array<i64: 400, 128>}, {transform_indices = @transform_1, window_bounds = array<i64: 400, 128>}, {pipeline_mode = #tpu.pipeline_mode<synchronous>, transform_indices = @transform_2, window_bounds = array<i64: 2, 128>}, {pipeline_mode = #tpu.pipeline_mode<synchronous>, transform_indices = @transform_3, window_bounds = array<i64: 1, 128>}, {pipeline_mode = #tpu.pipeline_mode<synchronous>, transform_indices = @transform_4, window_bounds = array<i64: 1, 128>}, {pipeline_mode = #tpu.pipeline_mode<synchronous>, transform_indices = @transform_5, window_bounds = array<i64: 128, 128>}, {pipeline_mode = #tpu.pipeline_mode<synchronous>, transform_indices = @transform_6, window_bounds = array<i64: 1, 128>}, {transform_indices = @transform_7, window_bounds = array<i64: 400, 128>}]} {
    %get3A = arith.constant 0 : index
    %get3A_0 = arith.constant 0 : index
    %get3A_1 = vector.load %arg3[%get3A, %get3A_0] : memref<2x128xf32, #tpu.memory_space<vmem>>, vector<1x128xf32>
    %div3A = arith.constant 1.000000e+04 : f32
    %div3A_2 = vector.broadcast %div3A : f32 to vector<1x128xf32>
    %div3A_3 = arith.divf %get3A_1, %div3A_2 : vector<1x128xf32>
    %get3A_4 = arith.constant 1 : index
    %get3A_5 = arith.constant 0 : index
    %get3A_6 = vector.load %arg3[%get3A_4, %get3A_5] : memref<2x128xf32, #tpu.memory_space<vmem>>, vector<1x128xf32>
    %div3A_7 = arith.constant 1.000000e+04 : f32
    %div3A_8 = vector.broadcast %div3A_7 : f32 to vector<1x128xf32>
    %div3A_9 = arith.divf %get3A_6, %div3A_8 : vector<1x128xf32>
    %mul3A = arith.mulf %div3A_3, %div3A_3 : vector<1x128xf32>
    %sub3A = arith.subf %div3A_9, %mul3A : vector<1x128xf32>
    %get3A_10 = arith.constant 0 : index
    %get3A_11 = arith.constant 0 : index
    %get3A_12 = vector.load %arg4[%get3A_10, %get3A_11] : memref<1x128xf32, #tpu.memory_space<vmem>>, vector<1x128xf32>
    %add3A = arith.constant 9.99999974E-6 : f32
    %add3A_13 = vector.broadcast %add3A : f32 to vector<1x128xf32>
    %add3A_14 = arith.addf %sub3A, %add3A_13 : vector<1x128xf32>
    %rsqrt3A = math.rsqrt %add3A_14 : vector<1x128xf32>
    %mul3A_15 = arith.mulf %get3A_12, %rsqrt3A : vector<1x128xf32>
    %get3A_16 = arith.constant 0 : index
    %get3A_17 = arith.constant 0 : index
    %get3A_18 = vector.load %arg5[%get3A_16, %get3A_17] : memref<1x128xf32, #tpu.memory_space<vmem>>, vector<1x128xf32>
    %mul3A_19 = arith.mulf %div3A_3, %mul3A_15 : vector<1x128xf32>
    %sub3A_20 = arith.subf %get3A_18, %mul3A_19 : vector<1x128xf32>
    %get3A_21 = arith.constant 0 : index
    %get3A_22 = arith.constant 0 : index
    %get3A_23 = vector.load %arg1[%get3A_21, %get3A_22] : memref<400x128xf32, #tpu.memory_space<vmem>>, vector<400x128xf32>
    %get3A_24 = arith.constant 0 : index
    %get3A_25 = arith.constant 0 : index
    %get3A_26 = vector.load %arg2[%get3A_24, %get3A_25] : memref<400x128xf32, #tpu.memory_space<vmem>>, vector<400x128xf32>
    %mul3A_27 = vector.broadcast %mul3A_15 : vector<1x128xf32> to vector<400x128xf32>
    %mul3A_28 = arith.mulf %get3A_26, %mul3A_27 : vector<400x128xf32>
    %add3A_29 = arith.addf %get3A_23, %mul3A_28 : vector<400x128xf32>
    %add3A_30 = vector.broadcast %sub3A_20 : vector<1x128xf32> to vector<400x128xf32>
    %add3A_31 = arith.addf %add3A_29, %add3A_30 : vector<400x128xf32>
    %custom_jvp_call3A = arith.constant 0.000000e+00 : f32
    %max3A = vector.broadcast %custom_jvp_call3A : f32 to vector<400x128xf32>
    %max3A_32 = arith.maximumf %add3A_31, %max3A : vector<400x128xf32>
    %sub3A_33 = vector.broadcast %custom_jvp_call3A : f32 to vector<400x128xf32>
    %sub3A_34 = arith.subf %add3A_31, %sub3A_33 : vector<400x128xf32>
    %ne3A = arith.cmpf one, %sub3A_34, %sub3A_34 : vector<400x128xf32>
    %add3A_35 = vector.broadcast %custom_jvp_call3A : f32 to vector<400x128xf32>
    %add3A_36 = arith.addf %add3A_31, %add3A_35 : vector<400x128xf32>
    %abs3A = math.absf %sub3A_34 : vector<400x128xf32>
    %neg3A = arith.constant 0.000000e+00 : f32
    %neg3A_37 = vector.broadcast %neg3A : f32 to vector<400x128xf32>
    %neg3A_38 = arith.subf %neg3A_37, %abs3A : vector<400x128xf32>
    %exp3A = math.exp %neg3A_38 : vector<400x128xf32>
    %log1p3A = math.log1p %exp3A : vector<400x128xf32>
    %add3A_39 = arith.addf %max3A_32, %log1p3A : vector<400x128xf32>
    %select_n3A = arith.select %ne3A, %add3A_36, %add3A_39 : vector<400x128xi1>, vector<400x128xf32>
    %get3A_40 = arith.constant 0 : index
    %get3A_41 = arith.constant 0 : index
    %get3A_42 = vector.load %arg6[%get3A_40, %get3A_41] : memref<128x128xf32, #tpu.memory_space<vmem>>, vector<128x128xf32>
    %dot_general3A = arith.constant dense<0.000000e+00> : vector<400x128xf32>
    %dot_general3A_43 = tpu.matmul %select_n3A, %get3A_42, %dot_general3A {dimension_numbers = #tpu.dot_dimension_numbers<[1], [0], [0], [1], [0, 0, 1, 1], [], []>, transpose_lhs_hint = false} : vector<400x128xf32>, vector<128x128xf32>, vector<400x128xf32> -> vector<400x128xf32>
    %get3A_44 = arith.constant 0 : index
    %get3A_45 = arith.constant 0 : index
    %get3A_46 = vector.load %arg7[%get3A_44, %get3A_45] : memref<1x128xf32, #tpu.memory_space<vmem>>, vector<1x128xf32>
    %add3A_47 = vector.broadcast %get3A_46 : vector<1x128xf32> to vector<400x128xf32>
    %add3A_48 = arith.addf %dot_general3A_43, %add3A_47 : vector<400x128xf32>
    %swap3A = arith.constant 0 : index
    %swap3A_49 = arith.constant 0 : index
    %swap3A_50 = vector.load %arg8[%swap3A, %swap3A_49] : memref<400x128xf32, #tpu.memory_space<vmem>>, vector<400x128xf32>
    tpu.vector_store %arg8[%swap3A, %swap3A_49], %add3A_48 {strides = array<i32>} : memref<400x128xf32, #tpu.memory_space<vmem>>, vector<400x128xf32>,
    return
  }
  func.func @transform_0(%arg0: i32) -> (i32, i32) {
    %c0_i32 = arith.constant 0 : i32
    %c0_i32_0 = arith.constant 0 : i32
    return %arg0, %c0_i32 : i32, i32
  }
  func.func @transform_1(%arg0: i32) -> (i32, i32) {
    %c0_i32 = arith.constant 0 : i32
    %c0_i32_0 = arith.constant 0 : i32
    return %arg0, %c0_i32 : i32, i32
  }
  func.func @transform_2(%arg0: i32) -> (i32, i32) {
    %c0_i32 = arith.constant 0 : i32
    %c0_i32_0 = arith.constant 0 : i32
    %c0_i32_1 = arith.constant 0 : i32
    return %c0_i32, %c0_i32_0 : i32, i32
  }
  func.func @transform_3(%arg0: i32) -> (i32, i32) {
    %c0_i32 = arith.constant 0 : i32
    %c0_i32_0 = arith.constant 0 : i32
    %c0_i32_1 = arith.constant 0 : i32
    return %c0_i32, %c0_i32_0 : i32, i32
  }
  func.func @transform_4(%arg0: i32) -> (i32, i32) {
    %c0_i32 = arith.constant 0 : i32
    %c0_i32_0 = arith.constant 0 : i32
    %c0_i32_1 = arith.constant 0 : i32
    return %c0_i32, %c0_i32_0 : i32, i32
  }
  func.func @transform_5(%arg0: i32) -> (i32, i32) {
    %c0_i32 = arith.constant 0 : i32
    %c0_i32_0 = arith.constant 0 : i32
    %c0_i32_1 = arith.constant 0 : i32
    return %c0_i32, %c0_i32_0 : i32, i32
  }
  func.func @transform_6(%arg0: i32) -> (i32, i32) {
    %c0_i32 = arith.constant 0 : i32
    %c0_i32_0 = arith.constant 0 : i32
    %c0_i32_1 = arith.constant 0 : i32
    return %c0_i32, %c0_i32_0 : i32, i32
  }
  func.func @transform_7(%arg0: i32) -> (i32, i32) {
    %c0_i32 = arith.constant 0 : i32
    %c0_i32_0 = arith.constant 0 : i32
    return %arg0, %c0_i32 : i32, i32
  }
}

module attributes {stable_mosaic.version = 14 : i64} {
  func.func @_kmask_body(%arg0: memref<4096x128xf32, #tpu.memory_space<vmem>>, %arg1: memref<4096x1xf32, #tpu.memory_space<vmem>>) attributes {dimension_semantics = [], scalar_prefetch = 0 : i64, scratch_operands = 0 : i64, tpu.core_type = #tpu.core_type<tc>} {
    %get3A = arith.constant 0 : index
    %get3A_0 = arith.constant 0 : index
    %get3A_1 = vector.load %arg0[%get3A, %get3A_0] : memref<4096x128xf32, #tpu.memory_space<vmem>>, vector<4096x128xf32>
    %reduce_sum3A = arith.constant dense<0.000000e+00> : vector<4096xf32>
    %reduce_sum3A_2 = vector.multi_reduction <add>, %get3A_1, %reduce_sum3A [1] : vector<4096x128xf32> to vector<4096xf32>
    %broadcast_in_dim3A = vector.shape_cast %reduce_sum3A_2 : vector<4096xf32> to vector<4096x1xf32>
    %ne3A = arith.constant 0.000000e+00 : f32
    %ne3A_3 = vector.broadcast %ne3A : f32 to vector<4096x1xf32>
    %ne3A_4 = arith.cmpf one, %broadcast_in_dim3A, %ne3A_3 : vector<4096x1xf32>
    %convert_element_type3A = arith.extui %ne3A_4 : vector<4096x1xi1> to vector<4096x1xi32>
    %convert_element_type3A_5 = arith.sitofp %convert_element_type3A : vector<4096x1xi32> to vector<4096x1xf32>
    %swap3A = arith.constant 0 : index
    %swap3A_6 = arith.constant 0 : index
    %swap3A_7 = vector.load %arg1[%swap3A, %swap3A_6] : memref<4096x1xf32, #tpu.memory_space<vmem>>, vector<4096x1xf32>
    tpu.vector_store %arg1[%swap3A, %swap3A_6], %convert_element_type3A_5 {strides = array<i32>} : memref<4096x1xf32, #tpu.memory_space<vmem>>, vector<4096x1xf32>,
    return
  }
}

</mosaic_0001>

<sc_bundles>
// kernel: kernel.18.cloned.1.call-start
scs
__scs_entry_jumppad:
0x0: {  	(pc) =	sbr.rel $0x88, $3  }
0x1: {  	(tag) =	ssettag $0x0;
	lr =	simm.s32 $0x1  }
0x2: {  	[smem:$0x3F92] =	sst lr;
	_ =	strace $0xD0000000  }
0x3: {  	_ = 	snop  }
0x4: {  	_ = 	snop  }
0x5: {  	_ = 	snop  }
0x6: {  	_ = 	snop  }
0x7: {  	_ = 	snop  }
__scs_overlays_trampoline_lowered:
0x8: {  	[smem:$0x3FA1] =	sst s0  }
0x9: {  	[smem:$0x3FA2] =	sst s1  }
0xa: {  	[smem:$0x3FA3] =	sst s2  }
0xb: {  	[smem:$0x3FA4] =	sst s3  }
0xc: {  	[smem:$0x3FA5] =	sst s4  }
0xd: {  	[smem:$0x3FA6] =	sst s5  }
0xe: {  	[smem:$0x3FA7] =	sst s6  }
0xf: {  	[smem:$0x3FA8] =	sst s7  }
0x10: {  	[smem:$0x3FA9] =	sst s8  }
0x11: {  	[smem:$0x3FAA] =	sst s9;
	s0 =	simm.s32 @!p0 $0x0  }
0x12: {  	s1 =	sld [smem:$0x3F90];
	s0 =	simm.s32 @p0 $0x1  }
0x13: {  	[smem:$0x3FAB] =	sst s0;
	s0 =	simm.s32 @!p1 $0x0  }
0x14: {  	s2 =	sld [smem:$0x3F8F];
	s0 =	simm.s32 @p1 $0x1  }
0x15: {  	[smem:$0x3FAC] =	sst s0;
	s0 =	simm.s32 @!p2 $0x0  }
0x16: {  	s3 =	sld [smem:$0x3FDB];
	s0 =	simm.s32 @p2 $0x1  }
0x17: {  	s4 =	simm.s32 $0x1BF5;
	[smem:$0x3FAE] =	sst s0  }
0x18: {  	s0 =	sld [smem:$0x3F91];
	_ =	swait.ge [sflag:s4], $0x0  }
0x19: {  	s7 =	sld [smem:$0x3F92]  }
0x1a: {  	s8 =	sadd.s32 $0xFFFFE003, lr  }
0x1b: {  	s9 =	sadd.s32 $0xFFFFFEF7, lr;
	s5 =	simm.s32 $0xFFFFFFFF;
	p2 =	slt.u32 s8, $0xFFFFF086  }
0x1c: {  	p1 =	slt.u32 s9, $0xF7A;
	s5 =	simm.s32 @!p2 $0x0  }
0x1d: {  	s5 =	simm.s32 @p1 $0x1;
	p0 =	seq.s32 s7, s2  }
0x1e: {  	s7 =	smul.u32 @!p0 $0xF7A, s2;
	p2 =	seq.s32 @!p0 s5, $0x0  }
0x1f: {  	s9 =	smul.u32 $0xF7A, s1;
	s8 =	simm.s32 @!p0 $0x1BF5;
	p2 =	por !p2, p0  }
0x20: {  	[sflag:s8] =	ssyncset.s32 @!p0 $0xFFFFF086;
	s6 =	sadd.s32 @!p0 s3, s7;
	s7 =	simm.s32 @!p0 $0x108  }
0x21: {  	s3 =	sadd.s32 s3, s9;
	s6 =	sadd.s32 @!p0 $0x88, s6;
	s7 =	simm.s32 @p2 $0x1082  }
0x22: {  	[simem:s7], [sflag:s8] =	dma.local @!p0 [hbm:s6], $0xF7A  }
0x23: {  	s9 =	sor.u32 $0xD0000000, s2;
	s6 =	simm.s32 $0x108;
	_ =	swait.ge @!p0 [sflag:s8], $0x0  }
0x24: {  	s3 =	sadd.s32 $0x88, s3;
	s6 =	simm.s32 @!p1 $0x1082;
	[sflag:s4] =	ssyncset.s32 $0xFFFFF086  }
0x25: {  	[simem:s6], [sflag:s4] =	dma.local [hbm:s3], $0xF7A  }
0x26: {  	[smem:$0x3F92] =	sst s1;
	(tag) =	ssettag s2;
	_ =	strace s9  }
0x27: {  	s1 =	sld [smem:$0x3FA2]  }
0x28: {  	s2 =	sld [smem:$0x3FA3]  }
0x29: {  	s4 =	sld [smem:$0x3FA5]  }
0x2a: {  	p0 =	seq.s32 s5, $0x0;
	s5 =	sld [smem:$0x3FA6]  }
0x2b: {  	s6 =	sld [smem:$0x3FA7]  }
0x2c: {  	s7 =	sld [smem:$0x3FA8]  }
0x2d: {  	s3 =	simm.s32 $0x108;
	s8 =	sld [smem:$0x3FA9]  }
0x2e: {  	s3 =	simm.s32 @!p0 $0x1082;
	s9 =	sld [smem:$0x3FAA]  }
0x2f: {  	lr =	sadd.s32 s0, s3;
	s0 =	sld [smem:$0x3FA1]  }
0x30: {  	s3 =	sld [smem:$0x3FA4]  }
0x31: {  	[smem:$0x3FAD] =	sst s10  }
0x32: {  	s10 =	sld [smem:$0x3FAB];
	_ =	sdelay $0x3  }
0x33: {  	p0 =	seq.s32 s10, $0x1;
	s10 =	sld [smem:$0x3FAD];
	_ =	sdelay $0x3  }
0x34: {  	[smem:$0x3FAD] =	sst s10  }
0x35: {  	s10 =	sld [smem:$0x3FAC];
	_ =	sdelay $0x3  }
0x36: {  	p1 =	seq.s32 s10, $0x1;
	s10 =	sld [smem:$0x3FAD];
	_ =	sdelay $0x3  }
0x37: {  	[smem:$0x3FAD] =	sst s10  }
0x38: {  	s10 =	sld [smem:$0x3FAE]  }
0x39: {  	_ = 	snop;
	(pc) =	sbr.ind lr, $3  }
0x3a: {  	_ = 	snop  }
0x3b: {  	_ = 	snop  }
0x3c: {  	p2 =	seq.s32 s10, $0x1;
	s10 =	sld [smem:$0x3FAD]  }
0x3d: {  	_ =	shalt  }
0x3e: {  	_ =	shalt  }
0x3f: {  	_ =	shalt  }
0x40: {  	_ =	shalt  }
0x41: {  	_ =	shalt  }
0x42: {  	_ =	shalt  }
0x43: {  	_ =	shalt  }
0x44: {  	_ =	shalt  }
0x45: {  	_ =	shalt  }
0x46: {  	_ =	shalt  }
0x47: {  	_ =	shalt  }
0x48: {  	_ =	shalt  }
0x49: {  	_ =	shalt  }
0x4a: {  	_ =	shalt  }
0x4b: {  	_ =	shalt  }
0x4c: {  	_ =	shalt  }
0x4d: {  	_ =	shalt  }
0x4e: {  	_ =	shalt  }
0x4f: {  	_ =	shalt  }
0x50: {  	_ =	shalt  }
0x51: {  	_ =	shalt  }
0x52: {  	_ =	shalt  }
0x53: {  	_ =	shalt  }
0x54: {  	_ =	shalt  }
0x55: {  	_ =	shalt  }
0x56: {  	_ =	shalt  }
0x57: {  	_ =	shalt  }
0x58: {  	_ =	shalt  }
0x59: {  	_ =	shalt  }
0x5a: {  	_ =	shalt  }
0x5b: {  	_ =	shalt  }
0x5c: {  	_ =	shalt  }
0x5d: {  	_ =	shalt  }
0x5e: {  	_ =	shalt  }
0x5f: {  	_ =	shalt  }
0x60: {  	_ =	shalt  }
0x61: {  	_ =	shalt  }
0x62: {  	_ =	shalt  }
0x63: {  	_ =	shalt  }
0x64: {  	_ =	shalt  }
0x65: {  	_ =	shalt  }
0x66: {  	_ =	shalt  }
0x67: {  	_ =	shalt  }
0x68: {  	_ =	shalt  }
0x69: {  	_ =	shalt  }
0x6a: {  	_ =	shalt  }
0x6b: {  	_ =	shalt  }
0x6c: {  	_ =	shalt  }
0x6d: {  	_ =	shalt  }
0x6e: {  	_ =	shalt  }
0x6f: {  	_ =	shalt  }
0x70: {  	_ =	shalt  }
0x71: {  	_ =	shalt  }
0x72: {  	_ =	shalt  }
0x73: {  	_ =	shalt  }
0x74: {  	_ =	shalt  }
0x75: {  	_ =	shalt  }
0x76: {  	_ =	shalt  }
0x77: {  	_ =	shalt  }
0x78: {  	_ =	shalt  }
0x79: {  	_ =	shalt  }
0x7a: {  	_ =	shalt  }
0x7b: {  	_ =	shalt  }
0x7c: {  	_ =	shalt  }
0x7d: {  	_ =	shalt  }
0x7e: {  	_ =	shalt  }
0x7f: {  	_ =	shalt  }
0x80: {  	_ =	shalt  }
0x81: {  	_ =	shalt  }
0x82: {  	_ =	shalt  }
0x83: {  	_ =	shalt  }
0x84: {  	_ =	shalt  }
0x85: {  	_ =	shalt  }
0x86: {  	_ =	shalt  }
0x87: {  	_ =	shalt  }
.Lfunc_end0:
.L_simem_size_0:
called_computation_lowered:
.L_overlay_start_0:
0x88: {  	s2 =	sld [smem:$0x3FD9]  }
0x89: {  	s3 =	sld [smem:$0x3FFE];
	_ =	sdelay $0x1  }
0x8a: {  	s1 =	srdreg.scid  }
0x8b: {  	s0 =	sand.u32 $0x1, s1  }
0x8c: {  	s14 =	sshll.u32 s0, $0xA;
	s2 =	sadd.s32 s3, s2  }
0x8d: {  	s2 =	sadd.s32 s2, s14  }
0x8e: {  	[smem:$0x3FB9] =	sst s2  }
0x8f: {  	_ = 	snop  }
0x90: {  	s2 =	sld [smem:$0x3FD0];
	_ =	sdelay $0x2  }
0x91: {  	s15 =	simm.s32 $0xA;
	s4 =	simm.s32 $0x10  }
0x92: {  	[smem:s4], [sflag:s15] =	dma.local [hbm:s2], $0x1  }
0x93: {  	_ =	swait.eq [sflag:s15], $0x1  }
0x94: {  	[sflag:s15] =	ssyncset.done $0x0  }
0x95: {  	[sflag:s15] =	ssyncadd.s32 $0xFFFFFFFF  }
0x96: {  	s16 =	sld [smem:$0x10];
	(tm) =	ssettm $0x1  }
0x97: {  	s17 =	sld [smem:$0x3FFB];
	_ =	sdelay $0x3  }
0x98: {  	_ =	strace s17  }
0x99: {  	s3 =	sld [smem:$0x3FFC];
	_ =	sdelay $0x3  }
0x9a: {  	_ =	strace s3  }
0x9b: {  	s3 =	sld [smem:$0x3FFD];
	_ =	sdelay $0x3  }
0x9c: {  	_ =	strace s3  }
0x9d: {  	_ =	strace $0x8FFFFFFF  }
0x9e: {  	s18 =	sld [smem:$0x3FDB];
	_ =	sdelay $0x1  }
0x9f: {  	s19 =	simm.s32 $_scs_section_size  }
0xa0: {  	s5 =	simm.s32 $_size__tile_overlayer_lowered;
	s6 =	simm.s32 $_tile_overlayer_lowered  }
0xa1: {  	s22 =	simm.s32 $0x1BFF;
	s21 =	sshll.u32 s6, $0x1;
	s3 =	sadd.s32 s19, s18  }
0xa2: {  	s7 =	simm.s32 $0x0;
	s20 =	sshll.u32 s5, $0x1;
	s5 =	sadd.s32 s21, s3  }
0xa3: {  	[timem:s7], [sflag:s22] =	dma.local [hbm:s5], s20  }
0xa4: {  	_ =	swait.ge [sflag:s22], s20  }
0xa5: {  	s4 =	ssub.s32 $0x0, s20;
	[sflag:s22] =	ssyncset.done $0x0  }
0xa6: {  	[sflag:s22] =	ssyncadd.s32 s4;
	_ =	sdelay $0x1  }
0xa7: {  	s23 =	simm.s32 $0x1B8B  }
0xa8: {  	_ =	swait.ge [sflag:s23], $0x1  }
0xa9: {  	[sflag:s23] =	ssyncset.done $0x0  }
0xaa: {  	s25 =	simm.s32 $0x1B8E;
	s24 =	sld [smem:$0x3FFE];
	[sflag:s23] =	ssyncadd.s32 $0xFFFFFFFF  }
0xab: {  	s26 =	simm.s32 $execute0_lowered;
	[smem:$0x3FD2] =	sst s25  }
0xac: {  	s5 =	sshll.u32 s26, $0x1;
	_ =	strace $0x80000046;
	[dreg:$0x1] =	wrdreg $0xFFFFFFFF  }
0xad: {  	s28 =	simm.s32 $_size_execute0_lowered;
	s3 =	sadd.s32 s3, s5;
	[dreg:$0x0] =	wrdreg $0x0  }
0xae: {  	s5 =	sshll.u32 s28, $0x1;
	[dreg:$0x2] =	wrdreg s3  }
0xaf: {  	[dreg:$0x3] =	wrdreg s5  }
0xb0: {  	[dreg:$0x4] =	wrdreg $0xC0  }
0xb1: {  	_ =	task [dreg:s7], $0x5FFFF  }
0xb2: {  	[dreg:$0x1] =	wrdreg $0xFFFFFFFF  }
0xb3: {  	[dreg:$0x0] =	wrdreg $0x60  }
0xb4: {  	[dreg:$0x2] =	wrdreg s24  }
0xb5: {  	[dreg:$0x3] =	wrdreg s16  }
0xb6: {  	[dreg:$0x4] =	wrdreg $0x9  }
0xb7: {  	_ =	task.clear_ibuf [dreg:s7], $0x5FFFF;
	_ =	strace $0x90000046  }
0xb8: {  	s29 =	simm.s32 $0x9;
	_ =	strace $0x80000048  }
0xb9: {  	_ =	swait.ge [sflag:s29], $0x1  }
0xba: {  	[sflag:s29] =	ssyncadd.s32 $0xFFFFFFFF  }
0xbb: {  	_ =	strace $0x90000048  }
0xbc: {  	_ =	sfence  }
0xbd: {  	s30 =	sld [smem:$0x0];
	_ =	sdelay $0x2  }
0xbe: {  	s31 =	sshll.u32 s1, $0xD;
	s1 =	sshrl.u32 s1, $0x2  }
0xbf: {  	s3 =	sand.u32 $0x4000, s31;
	s1 =	sadd.s32 s1, s30  }
0xc0: {  	s0 =	sor.u32 s3, s0;
	s1 =	sshll.u32 s1, $0x11  }
0xc1: {  	s0 =	sor.u32 s1, s0  }
0xc2: {  	s0 =	sadd.s32 $0x8F2B, s0  }
0xc3: {  	[sflag:s0] =	ssyncadd.remote.s32 $0x1  }
0xc4: {  	_ =	sfence.sel $0xFFFF  }
0xc5: {  	[dreg:$0x0] =	wrdreg $0xFFFFFFFF;
	(pc) =	sbr.abs _section_cstart, $3  }
0xc6: {  	[dreg:$0x1] =	wrdreg $0xFFFFFFFF  }
0xc7: {  	_ =	task.clear_ibuf [dreg:s7], $0x2FFFF;
	_ =	strace $0x9FFFFFFF  }
0xc8: {  	(tm) =	ssettm $0x7FFFFFFF  }
0xc9: {  	_ =	shalt  }
tec
execute0_lowered:
.L_overlay_start_1:
0x0: {  	(tag) =	ssettag $0x1  }
0x1: {  	s4 =	rddreg [dreg:$0x0]  }
0x2: {  	s5 =	rddreg [dreg:$0x1];
	s2 =	simm.s32 $0x0;
	s3 =	srdreg.scid  }
0x3: {  	s0 =	stileid.u32;
	s13 =	simm.s32 $0x5400;
	s14 =	simm.s32 $0x1  }
0x4: {  	s15 =	simm.s32 $0x100;
	s16 =	simm.s32 $0x6800;
	s17 =	simm.s32 $0x2  }
0x5: {  	s18 =	simm.s32 $0x180;
	s19 =	simm.s32 $0x7C00;
	s20 =	simm.s32 $0x8  }
0x6: {  	s21 =	simm.s32 $0x5;
	s22 =	simm.s32 $0x0;
	[smem:$0x7FF] =	sst s2  }
0x7: {  	s6 =	sand.u32 $0x1, s3;
	s26 =	sshll.u32 s0, $0x1;
	s3 =	sadd.s32 $0xE200, s4  }
0x8: {  	s10 =	sadd.s32 $0x35400, s4;
	s11 =	smul.u32 $0x27100, s0;
	_ =	strace $0x80000047  }
0x9: {  	s7 =	sor.u32 s6, s26;
	s8 =	ssub.s32 $0x2, s6;
	s12 =	smul.u32 $0x13880, s6  }
0xa: {  	s9 =	smul.u32 $0x13880, s7;
	s28 =	sshrl.u32 s8, $0x1;
	s29 =	sshll.u32 s7, $0xB  }
0xb: {  	s30 =	sadd.s32 s11, s10;
	s11 =	simm.s32 $0x4000;
	s8 =	ssub.s32 s8, s28  }
0xc: {  	s4 =	sadd.s32 s5, s29;
	s31 =	sadd.s32 s12, s30;
	s12 =	simm.s32 $0x80  }
0xd: {  	s5 =	sadd.s32 s10, s9;
	s6 =	smax.u32 s8, $0x1;
	s8 =	sadd.s32 $0x500, s31  }
0xe: {  	s9 =	simm.s32 $0x9;
	s10 =	simm.s32 $0x28;
	s7 =	sadd.s32 $0x280, s5  }
.LBB2_1:
0xf: {  	[tilespmem:s2], [sflag:$0x9] =	stream.linear.gather [hbm4b:s4+s2], $0x4000, $0x38;
	[tilespmem:$0x9000] =	vst v63  }
0x10: {  	_ =	swait.ge [sflag:s9], $0x4000  }
0x11: {  	[sflag:s9] =	ssyncset.done $0x0  }
0x12: {  	[sflag:s9] =	ssyncadd.s32 $0xFFFFC000  }
0x13: {  	[tilespmem:s11], [sflag:$0x1] =	stream.indirect.gather [hbm4b:s3+s10], $0x80, s2, s10, $0xb8;
	[tilespmem:$0x9000] =	vst v63  }
0x14: {  	_ = 	snop  }
0x15: {  	[tilespmem:s13], [sflag:$0x2] =	stream.indirect.gather [hbm4b:s3+s10], $0x80, s12, s10, $0xb8;
	[tilespmem:$0x9000] =	vst v63  }
0x16: {  	_ =	swait.ge [sflag:s14], $0x1400  }
0x17: {  	[sflag:s14] =	ssyncset.done $0x0  }
0x18: {  	[sflag:s14] =	ssyncadd.s32 $0xFFFFEC00  }
0x19: {  	[hbm4b:s5+s2] =	stream.linear.scatter [tilespmem:s11], [sflag:$0x5], $0x1400, $0x38;
	[tilespmem:$0x9000] =	vst v63  }
0x1a: {  	_ = 	snop  }
0x1b: {  	[tilespmem:s16], [sflag:$0x3] =	stream.indirect.gather [hbm4b:s3+s10], $0x80, s15, s10, $0xb8;
	[tilespmem:$0x9000] =	vst v63  }
0x1c: {  	_ =	swait.ge [sflag:s17], $0x1400  }
0x1d: {  	s23 =	simm.s32 $0x2;
	[sflag:s17] =	ssyncset.done $0x0  }
0x1e: {  	s23 =	sand.u32 $0x3, s23;
	[sflag:s17] =	ssyncadd.s32 $0xFFFFEC00  }
0x1f: {  	[hbm4b:s7+s2] =	stream.linear.scatter [tilespmem:s13], [sflag:$0x6], $0x1400, $0x38;
	[tilespmem:$0x9000] =	vst v63  }
0x20: {  	s24 =	simm.s32 $0x4;
	s25 =	sadd.s32 $0x1, s23;
	s26 =	smul.u32 $0x5000, s23  }
0x21: {  	[tilespmem:s19], [sflag:$0x4] =	stream.indirect.gather [hbm4b:s3+s10], $0x80, s18, s10, $0xb8;
	[tilespmem:$0x9000] =	vst v63  }
0x22: {  	p0 =	por $0x0, $0x0;
	s28 =	sxor.u32 $0x2, s23;
	_ =	swait.ge [sflag:s25], $0x1400  }
0x23: {  	s23 =	sadd.s32 $0x5, s23;
	s26 =	sshrl.u32 s26, $0x2;
	[sflag:s25] =	ssyncset.done $0x0  }
0x24: {  	s31 =	sor.u32 $0x4000, s26;
	[sflag:s25] =	ssyncadd.s32 $0xFFFFEC00;
	s25 =	sand.u32 @!p0 $0x3, s24  }
0x25: {  	[hbm4b:s8+s2] =	stream.linear.scatter [tilespmem:s31], [sflag:s23], $0x1400, $0x38;
	[tilespmem:$0x9000] =	vst v63  }
0x26: {  	s29 =	sadd.s32 $0x5, s28;
	s24 =	simm.s32 $0x5;
	s26 =	smul.u32 @!p0 $0x5000, s25  }
0x27: {  	s23 =	simm.s32 $0x200;
	s28 =	sadd.s32 @!p0 $0x1, s25;
	_ =	swait.ge [sflag:s29], $0x1400  }
0x28: {  	s25 =	sadd.s32 $0x280, s8;
	[sflag:s29] =	ssyncset.done $0x0;
	s30 =	sshrl.u32 @!p0 s26, $0x2  }
0x29: {  	s26 =	simm.s32 $0x200;
	[sflag:s29] =	ssyncadd.s32 $0xFFFFEC00;
	s29 =	simm.s32 @!p0 $0x28  }
.LBB2_2:
0x2a: {  	s30 =	sor.u32 @!p0 $0x4000, s30  }
0x2b: {  	s23 =	sadd.s32 $0x80, s23;
	s31 =	smov.u32 s24;
	s24 =	sadd.s32 $0x1, s24  }
0x2c: {  	[tilespmem:s30], [sflag:s28] =	stream.indirect.gather @!p0 [hbm4b:s3+s29], $0x80, s26, s29, $0xb8;
	[tilespmem:$0x9000] =	vst v63  }
0x2d: {  	s28 =	sadd.s32 $0xFFFFFFFE, s31;
	p1 =	sne.s32 s24, $0x7F;
	s26 =	smov.u32 s23  }
0x2e: {  	s29 =	sand.u32 $0x3, s28;
	p0 =	sgt.u32 s28, $0x7A  }
0x2f: {  	s30 =	sadd.s32 $0x1, s29;
	s0 =	smul.u32 $0x5000, s29;
	s1 =	sxor.u32 $0x2, s29  }
0x30: {  	s29 =	sadd.s32 $0x5, s29;
	s1 =	sadd.s32 $0x5, s1;
	_ =	swait.ge [sflag:s30], $0x1400  }
0x31: {  	s28 =	sand.u32 @!p0 $0x3, s31;
	s0 =	sshrl.u32 s0, $0x2;
	[sflag:s30] =	ssyncset.done $0x0  }
.Ltmp0:
0x32: {  	s0 =	sor.u32 $0x4000, s0;
	[sflag:s30] =	ssyncadd.s32 $0xFFFFEC00;
	(pc) =	sbr.rel @p1 .LBB2_2-.Ltmp0, $4  }
0x33: {  	[hbm4b:s25+s2] =	stream.linear.scatter [tilespmem:s0], [sflag:s29], $0x1400, $0x38;
	[tilespmem:$0x9000] =	vst v63  }
0x34: {  	s0 =	smul.u32 @!p0 $0x5000, s28;
	s28 =	sadd.s32 @!p0 $0x1, s28;
	_ =	swait.ge [sflag:s1], $0x1400  }
0x35: {  	s25 =	sadd.s32 $0x280, s25;
	[sflag:s1] =	ssyncset.done $0x0  }
0x36: {  	s29 =	simm.s32 @!p0 $0x28;
	s30 =	sshrl.u32 @!p0 s0, $0x2;
	[sflag:s1] =	ssyncadd.s32 $0xFFFFEC00  }
0x37: {  	s0 =	sor.u32 @!p0 $0x4000, s30;
	s22 =	sadd.s32 $0x1, s22  }
0x38: {  	[tilespmem:s0], [sflag:s28] =	stream.indirect.gather @!p0 [hbm4b:s3+s29], $0x80, s26, s29, $0xb8;
	[tilespmem:$0x9000] =	vst v63  }
0x39: {  	p0 =	sne.s32 s22, s6;
	_ =	swait.ge [sflag:s20], $0x1400  }
.Ltmp1:
0x3a: {  	[sflag:s20] =	ssyncset.done $0x0;
	(pc) =	sbr.rel @p0 .LBB2_1-.Ltmp1, $4  }
0x3b: {  	[sflag:s20] =	ssyncadd.s32 $0xFFFFEC00  }
0x3c: {  	_ =	swait.ge [sflag:s21], $0x1400  }
0x3d: {  	[sflag:s21] =	ssyncset.done $0x0  }
0x3e: {  	[sflag:s21] =	ssyncadd.s32 $0xFFFFEC00  }
0x3f: {  	_ =	sfence.sel $0x180000  }
0x40: {  	[bflag:$0x0] =	sbarrier.arrive $0xFFFF  }
0x41: {  	_ =	strace $0x90000047  }
0x42: {  	s0 =	stileid.u32;
	[bflag:$0x2] =	sbarrier.arrive $0xFFFF  }
0x43: {  	p0 =	sne.s32 s0, $0x0;
	s0 =	rddreg [dreg:$0x2]  }
0x44: {  	s0 =	sadd.s32 @!p0 $0x100000, s0  }
0x45: {  	[sflag:s0] =	ssyncadd.tile.s32 @!p0 $0x1;
	_ =	shalt  }
.Lfunc_end2:
_tile_overlayer_lowered:
.L_overlay_start_2:
0x46: {  	(tag) =	ssettag $0x2  }
0x47: {  	s0 =	rddreg [dreg:$0x0];
	s2 =	stileid.u32  }
0x48: {  	s1 =	rddreg [dreg:$0x1];
	p0 =	sne.s32 s2, $0x0  }
0x49: {  	s3 =	rddreg [dreg:$0x2];
	[bflag:$0x3] =	sbarrier.arrive $0xFFFF;
	s2 =	simm.s32 @!p0 $0x1C09  }
0x4a: {  	[timem:s3], [sflag:s2] =	dma.local @!p0 [hbm:s0], s1  }
0x4b: {  	s0 =	simm.s32 @!p0 $0x9  }
0x4c: {  	_ =	swait.ge @!p0 [sflag:s0], s1  }
0x4d: {  	s1 =	ssub.s32 @!p0 $0x0, s1;
	[sflag:s0] =	ssyncset.done @!p0 $0x0  }
0x4e: {  	[sflag:s0] =	ssyncadd.s32 @!p0 s1  }
0x4f: {  	[bflag:$0x3] =	sbarrier.arrive $0xFFFF  }
0x50: {  	_ =	shalt  }

// kernel: kernel.21.cloned.1.call-start
scs
__scs_entry_jumppad:
0x0: {  	(pc) =	sbr.rel $0x88, $3  }
0x1: {  	(tag) =	ssettag $0x0;
	lr =	simm.s32 $0x1  }
0x2: {  	[smem:$0x3F92] =	sst lr;
	_ =	strace $0xD0000000  }
0x3: {  	_ = 	snop  }
0x4: {  	_ = 	snop  }
0x5: {  	_ = 	snop  }
0x6: {  	_ = 	snop  }
0x7: {  	_ = 	snop  }
__scs_overlays_trampoline_lowered:
0x8: {  	[smem:$0x3FA1] =	sst s0  }
0x9: {  	[smem:$0x3FA2] =	sst s1  }
0xa: {  	[smem:$0x3FA3] =	sst s2  }
0xb: {  	[smem:$0x3FA4] =	sst s3  }
0xc: {  	[smem:$0x3FA5] =	sst s4  }
0xd: {  	[smem:$0x3FA6] =	sst s5  }
0xe: {  	[smem:$0x3FA7] =	sst s6  }
0xf: {  	[smem:$0x3FA8] =	sst s7  }
0x10: {  	[smem:$0x3FA9] =	sst s8  }
0x11: {  	[smem:$0x3FAA] =	sst s9;
	s0 =	simm.s32 @!p0 $0x0  }
0x12: {  	s1 =	sld [smem:$0x3F90];
	s0 =	simm.s32 @p0 $0x1  }
0x13: {  	[smem:$0x3FAB] =	sst s0;
	s0 =	simm.s32 @!p1 $0x0  }
0x14: {  	s2 =	sld [smem:$0x3F8F];
	s0 =	simm.s32 @p1 $0x1  }
0x15: {  	[smem:$0x3FAC] =	sst s0;
	s0 =	simm.s32 @!p2 $0x0  }
0x16: {  	s3 =	sld [smem:$0x3FDB];
	s0 =	simm.s32 @p2 $0x1  }
0x17: {  	s4 =	simm.s32 $0x1BF5;
	[smem:$0x3FAE] =	sst s0  }
0x18: {  	s0 =	sld [smem:$0x3F91];
	_ =	swait.ge [sflag:s4], $0x0  }
0x19: {  	s7 =	sld [smem:$0x3F92]  }
0x1a: {  	s8 =	sadd.s32 $0xFFFFE003, lr  }
0x1b: {  	s9 =	sadd.s32 $0xFFFFFEF7, lr;
	s5 =	simm.s32 $0xFFFFFFFF;
	p2 =	slt.u32 s8, $0xFFFFF086  }
0x1c: {  	p1 =	slt.u32 s9, $0xF7A;
	s5 =	simm.s32 @!p2 $0x0  }
0x1d: {  	s5 =	simm.s32 @p1 $0x1;
	p0 =	seq.s32 s7, s2  }
0x1e: {  	s7 =	smul.u32 @!p0 $0xF7A, s2;
	p2 =	seq.s32 @!p0 s5, $0x0  }
0x1f: {  	s9 =	smul.u32 $0xF7A, s1;
	s8 =	simm.s32 @!p0 $0x1BF5;
	p2 =	por !p2, p0  }
0x20: {  	[sflag:s8] =	ssyncset.s32 @!p0 $0xFFFFF086;
	s6 =	sadd.s32 @!p0 s3, s7;
	s7 =	simm.s32 @!p0 $0x108  }
0x21: {  	s3 =	sadd.s32 s3, s9;
	s6 =	sadd.s32 @!p0 $0x88, s6;
	s7 =	simm.s32 @p2 $0x1082  }
0x22: {  	[simem:s7], [sflag:s8] =	dma.local @!p0 [hbm:s6], $0xF7A  }
0x23: {  	s9 =	sor.u32 $0xD0000000, s2;
	s6 =	simm.s32 $0x108;
	_ =	swait.ge @!p0 [sflag:s8], $0x0  }
0x24: {  	s3 =	sadd.s32 $0x88, s3;
	s6 =	simm.s32 @!p1 $0x1082;
	[sflag:s4] =	ssyncset.s32 $0xFFFFF086  }
0x25: {  	[simem:s6], [sflag:s4] =	dma.local [hbm:s3], $0xF7A  }
0x26: {  	[smem:$0x3F92] =	sst s1;
	(tag) =	ssettag s2;
	_ =	strace s9  }
0x27: {  	s1 =	sld [smem:$0x3FA2]  }
0x28: {  	s2 =	sld [smem:$0x3FA3]  }
0x29: {  	s4 =	sld [smem:$0x3FA5]  }
0x2a: {  	p0 =	seq.s32 s5, $0x0;
	s5 =	sld [smem:$0x3FA6]  }
0x2b: {  	s6 =	sld [smem:$0x3FA7]  }
0x2c: {  	s7 =	sld [smem:$0x3FA8]  }
0x2d: {  	s3 =	simm.s32 $0x108;
	s8 =	sld [smem:$0x3FA9]  }
0x2e: {  	s3 =	simm.s32 @!p0 $0x1082;
	s9 =	sld [smem:$0x3FAA]  }
0x2f: {  	lr =	sadd.s32 s0, s3;
	s0 =	sld [smem:$0x3FA1]  }
0x30: {  	s3 =	sld [smem:$0x3FA4]  }
0x31: {  	[smem:$0x3FAD] =	sst s10  }
0x32: {  	s10 =	sld [smem:$0x3FAB];
	_ =	sdelay $0x3  }
0x33: {  	p0 =	seq.s32 s10, $0x1;
	s10 =	sld [smem:$0x3FAD];
	_ =	sdelay $0x3  }
0x34: {  	[smem:$0x3FAD] =	sst s10  }
0x35: {  	s10 =	sld [smem:$0x3FAC];
	_ =	sdelay $0x3  }
0x36: {  	p1 =	seq.s32 s10, $0x1;
	s10 =	sld [smem:$0x3FAD];
	_ =	sdelay $0x3  }
0x37: {  	[smem:$0x3FAD] =	sst s10  }
0x38: {  	s10 =	sld [smem:$0x3FAE]  }
0x39: {  	_ = 	snop;
	(pc) =	sbr.ind lr, $3  }
0x3a: {  	_ = 	snop  }
0x3b: {  	_ = 	snop  }
0x3c: {  	p2 =	seq.s32 s10, $0x1;
	s10 =	sld [smem:$0x3FAD]  }
0x3d: {  	_ =	shalt  }
0x3e: {  	_ =	shalt  }
0x3f: {  	_ =	shalt  }
0x40: {  	_ =	shalt  }
0x41: {  	_ =	shalt  }
0x42: {  	_ =	shalt  }
0x43: {  	_ =	shalt  }
0x44: {  	_ =	shalt  }
0x45: {  	_ =	shalt  }
0x46: {  	_ =	shalt  }
0x47: {  	_ =	shalt  }
0x48: {  	_ =	shalt  }
0x49: {  	_ =	shalt  }
0x4a: {  	_ =	shalt  }
0x4b: {  	_ =	shalt  }
0x4c: {  	_ =	shalt  }
0x4d: {  	_ =	shalt  }
0x4e: {  	_ =	shalt  }
0x4f: {  	_ =	shalt  }
0x50: {  	_ =	shalt  }
0x51: {  	_ =	shalt  }
0x52: {  	_ =	shalt  }
0x53: {  	_ =	shalt  }
0x54: {  	_ =	shalt  }
0x55: {  	_ =	shalt  }
0x56: {  	_ =	shalt  }
0x57: {  	_ =	shalt  }
0x58: {  	_ =	shalt  }
0x59: {  	_ =	shalt  }
0x5a: {  	_ =	shalt  }
0x5b: {  	_ =	shalt  }
0x5c: {  	_ =	shalt  }
0x5d: {  	_ =	shalt  }
0x5e: {  	_ =	shalt  }
0x5f: {  	_ =	shalt  }
0x60: {  	_ =	shalt  }
0x61: {  	_ =	shalt  }
0x62: {  	_ =	shalt  }
0x63: {  	_ =	shalt  }
0x64: {  	_ =	shalt  }
0x65: {  	_ =	shalt  }
0x66: {  	_ =	shalt  }
0x67: {  	_ =	shalt  }
0x68: {  	_ =	shalt  }
0x69: {  	_ =	shalt  }
0x6a: {  	_ =	shalt  }
0x6b: {  	_ =	shalt  }
0x6c: {  	_ =	shalt  }
0x6d: {  	_ =	shalt  }
0x6e: {  	_ =	shalt  }
0x6f: {  	_ =	shalt  }
0x70: {  	_ =	shalt  }
0x71: {  	_ =	shalt  }
0x72: {  	_ =	shalt  }
0x73: {  	_ =	shalt  }
0x74: {  	_ =	shalt  }
0x75: {  	_ =	shalt  }
0x76: {  	_ =	shalt  }
0x77: {  	_ =	shalt  }
0x78: {  	_ =	shalt  }
0x79: {  	_ =	shalt  }
0x7a: {  	_ =	shalt  }
0x7b: {  	_ =	shalt  }
0x7c: {  	_ =	shalt  }
0x7d: {  	_ =	shalt  }
0x7e: {  	_ =	shalt  }
0x7f: {  	_ =	shalt  }
0x80: {  	_ =	shalt  }
0x81: {  	_ =	shalt  }
0x82: {  	_ =	shalt  }
0x83: {  	_ =	shalt  }
0x84: {  	_ =	shalt  }
0x85: {  	_ =	shalt  }
0x86: {  	_ =	shalt  }
0x87: {  	_ =	shalt  }
.Lfunc_end0:
.L_simem_size_0:
called_computation.1_lowered:
.L_overlay_start_0:
0x88: {  	s2 =	sld [smem:$0x3FD9]  }
0x89: {  	s3 =	sld [smem:$0x3FFE];
	_ =	sdelay $0x1  }
0x8a: {  	s1 =	srdreg.scid  }
0x8b: {  	s0 =	sand.u32 $0x1, s1  }
0x8c: {  	s14 =	sshll.u32 s0, $0xA;
	s2 =	sadd.s32 s3, s2  }
0x8d: {  	s2 =	sadd.s32 s2, s14  }
0x8e: {  	[smem:$0x3FB9] =	sst s2  }
0x8f: {  	_ = 	snop  }
0x90: {  	s2 =	sld [smem:$0x3FD0];
	_ =	sdelay $0x2  }
0x91: {  	s15 =	simm.s32 $0xA;
	s4 =	simm.s32 $0x10  }
0x92: {  	[smem:s4], [sflag:s15] =	dma.local [hbm:s2], $0x1  }
0x93: {  	_ =	swait.eq [sflag:s15], $0x1  }
0x94: {  	[sflag:s15] =	ssyncset.done $0x0  }
0x95: {  	[sflag:s15] =	ssyncadd.s32 $0xFFFFFFFF  }
0x96: {  	s16 =	sld [smem:$0x10];
	(tm) =	ssettm $0x1  }
0x97: {  	s17 =	sld [smem:$0x3FFB];
	_ =	sdelay $0x3  }
0x98: {  	_ =	strace s17  }
0x99: {  	s3 =	sld [smem:$0x3FFC];
	_ =	sdelay $0x3  }
0x9a: {  	_ =	strace s3  }
0x9b: {  	s3 =	sld [smem:$0x3FFD];
	_ =	sdelay $0x3  }
0x9c: {  	_ =	strace s3  }
0x9d: {  	_ =	strace $0x8FFFFFFF  }
0x9e: {  	s18 =	sld [smem:$0x3FDB];
	_ =	sdelay $0x1  }
0x9f: {  	s19 =	simm.s32 $_scs_section_size  }
0xa0: {  	s5 =	simm.s32 $_size__tile_overlayer_lowered;
	s6 =	simm.s32 $_tile_overlayer_lowered  }
0xa1: {  	s22 =	simm.s32 $0x1BFF;
	s21 =	sshll.u32 s6, $0x1;
	s3 =	sadd.s32 s19, s18  }
0xa2: {  	s7 =	simm.s32 $0x0;
	s20 =	sshll.u32 s5, $0x1;
	s5 =	sadd.s32 s21, s3  }
0xa3: {  	[timem:s7], [sflag:s22] =	dma.local [hbm:s5], s20  }
0xa4: {  	_ =	swait.ge [sflag:s22], s20  }
0xa5: {  	s4 =	ssub.s32 $0x0, s20;
	[sflag:s22] =	ssyncset.done $0x0  }
0xa6: {  	[sflag:s22] =	ssyncadd.s32 s4;
	_ =	sdelay $0x1  }
0xa7: {  	s23 =	simm.s32 $0x1B8B  }
0xa8: {  	_ =	swait.ge [sflag:s23], $0x1  }
0xa9: {  	[sflag:s23] =	ssyncset.done $0x0  }
0xaa: {  	s25 =	simm.s32 $0x1B8E;
	s24 =	sld [smem:$0x3FFE];
	[sflag:s23] =	ssyncadd.s32 $0xFFFFFFFF  }
0xab: {  	s26 =	simm.s32 $execute0_lowered;
	[smem:$0x3FD2] =	sst s25  }
0xac: {  	s5 =	sshll.u32 s26, $0x1;
	_ =	strace $0x80000049;
	[dreg:$0x1] =	wrdreg $0xFFFFFFFF  }
0xad: {  	s28 =	simm.s32 $_size_execute0_lowered;
	s3 =	sadd.s32 s3, s5;
	[dreg:$0x0] =	wrdreg $0x0  }
0xae: {  	s5 =	sshll.u32 s28, $0x1;
	[dreg:$0x2] =	wrdreg s3  }
0xaf: {  	[dreg:$0x3] =	wrdreg s5  }
0xb0: {  	[dreg:$0x4] =	wrdreg $0xC0  }
0xb1: {  	_ =	task [dreg:s7], $0x5FFFF  }
0xb2: {  	[dreg:$0x1] =	wrdreg $0xFFFFFFFF  }
0xb3: {  	[dreg:$0x0] =	wrdreg $0x60  }
0xb4: {  	[dreg:$0x2] =	wrdreg s24  }
0xb5: {  	[dreg:$0x3] =	wrdreg s16  }
0xb6: {  	[dreg:$0x4] =	wrdreg $0x9  }
0xb7: {  	_ =	task.clear_ibuf [dreg:s7], $0x5FFFF;
	_ =	strace $0x90000049  }
0xb8: {  	s29 =	simm.s32 $0x9;
	_ =	strace $0x8000004B  }
0xb9: {  	_ =	swait.ge [sflag:s29], $0x1  }
0xba: {  	[sflag:s29] =	ssyncadd.s32 $0xFFFFFFFF  }
0xbb: {  	_ =	strace $0x9000004B  }
0xbc: {  	_ =	sfence  }
0xbd: {  	s30 =	sld [smem:$0x0];
	_ =	sdelay $0x2  }
0xbe: {  	s31 =	sshll.u32 s1, $0xD;
	s1 =	sshrl.u32 s1, $0x2  }
0xbf: {  	s3 =	sand.u32 $0x4000, s31;
	s1 =	sadd.s32 s1, s30  }
0xc0: {  	s0 =	sor.u32 s3, s0;
	s1 =	sshll.u32 s1, $0x11  }
0xc1: {  	s0 =	sor.u32 s1, s0  }
0xc2: {  	s0 =	sadd.s32 $0x8F2B, s0  }
0xc3: {  	[sflag:s0] =	ssyncadd.remote.s32 $0x1  }
0xc4: {  	_ =	sfence.sel $0xFFFF  }
0xc5: {  	[dreg:$0x0] =	wrdreg $0xFFFFFFFF;
	(pc) =	sbr.abs _section_cstart, $3  }
0xc6: {  	[dreg:$0x1] =	wrdreg $0xFFFFFFFF  }
0xc7: {  	_ =	task.clear_ibuf [dreg:s7], $0x2FFFF;
	_ =	strace $0x9FFFFFFF  }
0xc8: {  	(tm) =	ssettm $0x7FFFFFFF  }
0xc9: {  	_ =	shalt  }
tec
execute0_lowered:
.L_overlay_start_1:
0x0: {  	(tag) =	ssettag $0x1  }
0x1: {  	s4 =	rddreg [dreg:$0x0]  }
0x2: {  	s5 =	rddreg [dreg:$0x1];
	s2 =	simm.s32 $0x0;
	s3 =	srdreg.scid  }
0x3: {  	s0 =	stileid.u32;
	s13 =	simm.s32 $0x5400;
	s14 =	simm.s32 $0x1  }
0x4: {  	s15 =	simm.s32 $0x100;
	s16 =	simm.s32 $0x6800;
	s17 =	simm.s32 $0x2  }
0x5: {  	s18 =	simm.s32 $0x180;
	s19 =	simm.s32 $0x7C00;
	s20 =	simm.s32 $0x8  }
0x6: {  	s21 =	simm.s32 $0x5;
	s22 =	simm.s32 $0x0;
	[smem:$0x7FF] =	sst s2  }
0x7: {  	s6 =	sand.u32 $0x1, s3;
	s26 =	sshll.u32 s0, $0x1;
	s10 =	sadd.s32 $0x518600, s4  }
0x8: {  	s3 =	sadd.s32 $0x5C400, s4;
	s11 =	smul.u32 $0x27100, s0;
	_ =	strace $0x8000004A  }
0x9: {  	s7 =	sor.u32 s6, s26;
	s8 =	ssub.s32 $0x2, s6;
	s12 =	smul.u32 $0x13880, s6  }
0xa: {  	s9 =	smul.u32 $0x13880, s7;
	s28 =	sshrl.u32 s8, $0x1;
	s29 =	sshll.u32 s7, $0xB  }
0xb: {  	s30 =	sadd.s32 s11, s10;
	s11 =	simm.s32 $0x4000;
	s8 =	ssub.s32 s8, s28  }
0xc: {  	s4 =	sadd.s32 s5, s29;
	s31 =	sadd.s32 s12, s30;
	s12 =	simm.s32 $0x80  }
0xd: {  	s5 =	sadd.s32 s10, s9;
	s6 =	smax.u32 s8, $0x1;
	s8 =	sadd.s32 $0x500, s31  }
0xe: {  	s9 =	simm.s32 $0x9;
	s10 =	simm.s32 $0x28;
	s7 =	sadd.s32 $0x280, s5  }
.LBB2_1:
0xf: {  	[tilespmem:s2], [sflag:$0x9] =	stream.linear.gather [hbm4b:s4+s2], $0x4000, $0x38;
	[tilespmem:$0x9000] =	vst v63  }
0x10: {  	_ =	swait.ge [sflag:s9], $0x4000  }
0x11: {  	[sflag:s9] =	ssyncset.done $0x0  }
0x12: {  	[sflag:s9] =	ssyncadd.s32 $0xFFFFC000  }
0x13: {  	[tilespmem:s11], [sflag:$0x1] =	stream.indirect.gather [hbm4b:s3+s10], $0x80, s2, s10, $0xb8;
	[tilespmem:$0x9000] =	vst v63  }
0x14: {  	_ = 	snop  }
0x15: {  	[tilespmem:s13], [sflag:$0x2] =	stream.indirect.gather [hbm4b:s3+s10], $0x80, s12, s10, $0xb8;
	[tilespmem:$0x9000] =	vst v63  }
0x16: {  	_ =	swait.ge [sflag:s14], $0x1400  }
0x17: {  	[sflag:s14] =	ssyncset.done $0x0  }
0x18: {  	[sflag:s14] =	ssyncadd.s32 $0xFFFFEC00  }
0x19: {  	[hbm4b:s5+s2] =	stream.linear.scatter [tilespmem:s11], [sflag:$0x5], $0x1400, $0x38;
	[tilespmem:$0x9000] =	vst v63  }
0x1a: {  	_ = 	snop  }
0x1b: {  	[tilespmem:s16], [sflag:$0x3] =	stream.indirect.gather [hbm4b:s3+s10], $0x80, s15, s10, $0xb8;
	[tilespmem:$0x9000] =	vst v63  }
0x1c: {  	_ =	swait.ge [sflag:s17], $0x1400  }
0x1d: {  	s23 =	simm.s32 $0x2;
	[sflag:s17] =	ssyncset.done $0x0  }
0x1e: {  	s23 =	sand.u32 $0x3, s23;
	[sflag:s17] =	ssyncadd.s32 $0xFFFFEC00  }
0x1f: {  	[hbm4b:s7+s2] =	stream.linear.scatter [tilespmem:s13], [sflag:$0x6], $0x1400, $0x38;
	[tilespmem:$0x9000] =	vst v63  }
0x20: {  	s24 =	simm.s32 $0x4;
	s25 =	sadd.s32 $0x1, s23;
	s26 =	smul.u32 $0x5000, s23  }
0x21: {  	[tilespmem:s19], [sflag:$0x4] =	stream.indirect.gather [hbm4b:s3+s10], $0x80, s18, s10, $0xb8;
	[tilespmem:$0x9000] =	vst v63  }
0x22: {  	p0 =	por $0x0, $0x0;
	s28 =	sxor.u32 $0x2, s23;
	_ =	swait.ge [sflag:s25], $0x1400  }
0x23: {  	s23 =	sadd.s32 $0x5, s23;
	s26 =	sshrl.u32 s26, $0x2;
	[sflag:s25] =	ssyncset.done $0x0  }
0x24: {  	s31 =	sor.u32 $0x4000, s26;
	[sflag:s25] =	ssyncadd.s32 $0xFFFFEC00;
	s25 =	sand.u32 @!p0 $0x3, s24  }
0x25: {  	[hbm4b:s8+s2] =	stream.linear.scatter [tilespmem:s31], [sflag:s23], $0x1400, $0x38;
	[tilespmem:$0x9000] =	vst v63  }
0x26: {  	s29 =	sadd.s32 $0x5, s28;
	s24 =	simm.s32 $0x5;
	s26 =	smul.u32 @!p0 $0x5000, s25  }
0x27: {  	s23 =	simm.s32 $0x200;
	s28 =	sadd.s32 @!p0 $0x1, s25;
	_ =	swait.ge [sflag:s29], $0x1400  }
0x28: {  	s25 =	sadd.s32 $0x280, s8;
	[sflag:s29] =	ssyncset.done $0x0;
	s30 =	sshrl.u32 @!p0 s26, $0x2  }
0x29: {  	s26 =	simm.s32 $0x200;
	[sflag:s29] =	ssyncadd.s32 $0xFFFFEC00;
	s29 =	simm.s32 @!p0 $0x28  }
.LBB2_2:
0x2a: {  	s30 =	sor.u32 @!p0 $0x4000, s30  }
0x2b: {  	s23 =	sadd.s32 $0x80, s23;
	s31 =	smov.u32 s24;
	s24 =	sadd.s32 $0x1, s24  }
0x2c: {  	[tilespmem:s30], [sflag:s28] =	stream.indirect.gather @!p0 [hbm4b:s3+s29], $0x80, s26, s29, $0xb8;
	[tilespmem:$0x9000] =	vst v63  }
0x2d: {  	s28 =	sadd.s32 $0xFFFFFFFE, s31;
	p1 =	sne.s32 s24, $0x7F;
	s26 =	smov.u32 s23  }
0x2e: {  	s29 =	sand.u32 $0x3, s28;
	p0 =	sgt.u32 s28, $0x7A  }
0x2f: {  	s30 =	sadd.s32 $0x1, s29;
	s0 =	smul.u32 $0x5000, s29;
	s1 =	sxor.u32 $0x2, s29  }
0x30: {  	s29 =	sadd.s32 $0x5, s29;
	s1 =	sadd.s32 $0x5, s1;
	_ =	swait.ge [sflag:s30], $0x1400  }
0x31: {  	s28 =	sand.u32 @!p0 $0x3, s31;
	s0 =	sshrl.u32 s0, $0x2;
	[sflag:s30] =	ssyncset.done $0x0  }
.Ltmp0:
0x32: {  	s0 =	sor.u32 $0x4000, s0;
	[sflag:s30] =	ssyncadd.s32 $0xFFFFEC00;
	(pc) =	sbr.rel @p1 .LBB2_2-.Ltmp0, $4  }
0x33: {  	[hbm4b:s25+s2] =	stream.linear.scatter [tilespmem:s0], [sflag:s29], $0x1400, $0x38;
	[tilespmem:$0x9000] =	vst v63  }
0x34: {  	s0 =	smul.u32 @!p0 $0x5000, s28;
	s28 =	sadd.s32 @!p0 $0x1, s28;
	_ =	swait.ge [sflag:s1], $0x1400  }
0x35: {  	s25 =	sadd.s32 $0x280, s25;
	[sflag:s1] =	ssyncset.done $0x0  }
0x36: {  	s29 =	simm.s32 @!p0 $0x28;
	s30 =	sshrl.u32 @!p0 s0, $0x2;
	[sflag:s1] =	ssyncadd.s32 $0xFFFFEC00  }
0x37: {  	s0 =	sor.u32 @!p0 $0x4000, s30;
	s22 =	sadd.s32 $0x1, s22  }
0x38: {  	[tilespmem:s0], [sflag:s28] =	stream.indirect.gather @!p0 [hbm4b:s3+s29], $0x80, s26, s29, $0xb8;
	[tilespmem:$0x9000] =	vst v63  }
0x39: {  	p0 =	sne.s32 s22, s6;
	_ =	swait.ge [sflag:s20], $0x1400  }
.Ltmp1:
0x3a: {  	[sflag:s20] =	ssyncset.done $0x0;
	(pc) =	sbr.rel @p0 .LBB2_1-.Ltmp1, $4  }
0x3b: {  	[sflag:s20] =	ssyncadd.s32 $0xFFFFEC00  }
0x3c: {  	_ =	swait.ge [sflag:s21], $0x1400  }
0x3d: {  	[sflag:s21] =	ssyncset.done $0x0  }
0x3e: {  	[sflag:s21] =	ssyncadd.s32 $0xFFFFEC00  }
0x3f: {  	_ =	sfence.sel $0x180000  }
0x40: {  	[bflag:$0x0] =	sbarrier.arrive $0xFFFF  }
0x41: {  	_ =	strace $0x9000004A  }
0x42: {  	s0 =	stileid.u32;
	[bflag:$0x2] =	sbarrier.arrive $0xFFFF  }
0x43: {  	p0 =	sne.s32 s0, $0x0;
	s0 =	rddreg [dreg:$0x2]  }
0x44: {  	s0 =	sadd.s32 @!p0 $0x100000, s0  }
0x45: {  	[sflag:s0] =	ssyncadd.tile.s32 @!p0 $0x1;
	_ =	shalt  }
.Lfunc_end2:
_tile_overlayer_lowered:
.L_overlay_start_2:
0x46: {  	(tag) =	ssettag $0x2  }
0x47: {  	s0 =	rddreg [dreg:$0x0];
	s2 =	stileid.u32  }
0x48: {  	s1 =	rddreg [dreg:$0x1];
	p0 =	sne.s32 s2, $0x0  }
0x49: {  	s3 =	rddreg [dreg:$0x2];
	[bflag:$0x3] =	sbarrier.arrive $0xFFFF;
	s2 =	simm.s32 @!p0 $0x1C09  }
0x4a: {  	[timem:s3], [sflag:s2] =	dma.local @!p0 [hbm:s0], s1  }
0x4b: {  	s0 =	simm.s32 @!p0 $0x9  }
0x4c: {  	_ =	swait.ge @!p0 [sflag:s0], s1  }
0x4d: {  	s1 =	ssub.s32 @!p0 $0x0, s1;
	[sflag:s0] =	ssyncset.done @!p0 $0x0  }
0x4e: {  	[sflag:s0] =	ssyncadd.s32 @!p0 s1  }
0x4f: {  	[bflag:$0x3] =	sbarrier.arrive $0xFFFF  }
0x50: {  	_ =	shalt  }

// kernel: kernel.24.cloned.1.call-start
scs
__scs_entry_jumppad:
0x0: {  	(pc) =	sbr.rel $0x88, $3  }
0x1: {  	(tag) =	ssettag $0x0;
	lr =	simm.s32 $0x1  }
0x2: {  	[smem:$0x3F92] =	sst lr;
	_ =	strace $0xD0000000  }
0x3: {  	_ = 	snop  }
0x4: {  	_ = 	snop  }
0x5: {  	_ = 	snop  }
0x6: {  	_ = 	snop  }
0x7: {  	_ = 	snop  }
__scs_overlays_trampoline_lowered:
0x8: {  	[smem:$0x3FA1] =	sst s0  }
0x9: {  	[smem:$0x3FA2] =	sst s1  }
0xa: {  	[smem:$0x3FA3] =	sst s2  }
0xb: {  	[smem:$0x3FA4] =	sst s3  }
0xc: {  	[smem:$0x3FA5] =	sst s4  }
0xd: {  	[smem:$0x3FA6] =	sst s5  }
0xe: {  	[smem:$0x3FA7] =	sst s6  }
0xf: {  	[smem:$0x3FA8] =	sst s7  }
0x10: {  	[smem:$0x3FA9] =	sst s8  }
0x11: {  	[smem:$0x3FAA] =	sst s9;
	s0 =	simm.s32 @!p0 $0x0  }
0x12: {  	s1 =	sld [smem:$0x3F90];
	s0 =	simm.s32 @p0 $0x1  }
0x13: {  	[smem:$0x3FAB] =	sst s0;
	s0 =	simm.s32 @!p1 $0x0  }
0x14: {  	s2 =	sld [smem:$0x3F8F];
	s0 =	simm.s32 @p1 $0x1  }
0x15: {  	[smem:$0x3FAC] =	sst s0;
	s0 =	simm.s32 @!p2 $0x0  }
0x16: {  	s3 =	sld [smem:$0x3FDB];
	s0 =	simm.s32 @p2 $0x1  }
0x17: {  	s4 =	simm.s32 $0x1BF5;
	[smem:$0x3FAE] =	sst s0  }
0x18: {  	s0 =	sld [smem:$0x3F91];
	_ =	swait.ge [sflag:s4], $0x0  }
0x19: {  	s7 =	sld [smem:$0x3F92]  }
0x1a: {  	s8 =	sadd.s32 $0xFFFFE003, lr  }
0x1b: {  	s9 =	sadd.s32 $0xFFFFFEF7, lr;
	s5 =	simm.s32 $0xFFFFFFFF;
	p2 =	slt.u32 s8, $0xFFFFF086  }
0x1c: {  	p1 =	slt.u32 s9, $0xF7A;
	s5 =	simm.s32 @!p2 $0x0  }
0x1d: {  	s5 =	simm.s32 @p1 $0x1;
	p0 =	seq.s32 s7, s2  }
0x1e: {  	s7 =	smul.u32 @!p0 $0xF7A, s2;
	p2 =	seq.s32 @!p0 s5, $0x0  }
0x1f: {  	s9 =	smul.u32 $0xF7A, s1;
	s8 =	simm.s32 @!p0 $0x1BF5;
	p2 =	por !p2, p0  }
0x20: {  	[sflag:s8] =	ssyncset.s32 @!p0 $0xFFFFF086;
	s6 =	sadd.s32 @!p0 s3, s7;
	s7 =	simm.s32 @!p0 $0x108  }
0x21: {  	s3 =	sadd.s32 s3, s9;
	s6 =	sadd.s32 @!p0 $0x88, s6;
	s7 =	simm.s32 @p2 $0x1082  }
0x22: {  	[simem:s7], [sflag:s8] =	dma.local @!p0 [hbm:s6], $0xF7A  }
0x23: {  	s9 =	sor.u32 $0xD0000000, s2;
	s6 =	simm.s32 $0x108;
	_ =	swait.ge @!p0 [sflag:s8], $0x0  }
0x24: {  	s3 =	sadd.s32 $0x88, s3;
	s6 =	simm.s32 @!p1 $0x1082;
	[sflag:s4] =	ssyncset.s32 $0xFFFFF086  }
0x25: {  	[simem:s6], [sflag:s4] =	dma.local [hbm:s3], $0xF7A  }
0x26: {  	[smem:$0x3F92] =	sst s1;
	(tag) =	ssettag s2;
	_ =	strace s9  }
0x27: {  	s1 =	sld [smem:$0x3FA2]  }
0x28: {  	s2 =	sld [smem:$0x3FA3]  }
0x29: {  	s4 =	sld [smem:$0x3FA5]  }
0x2a: {  	p0 =	seq.s32 s5, $0x0;
	s5 =	sld [smem:$0x3FA6]  }
0x2b: {  	s6 =	sld [smem:$0x3FA7]  }
0x2c: {  	s7 =	sld [smem:$0x3FA8]  }
0x2d: {  	s3 =	simm.s32 $0x108;
	s8 =	sld [smem:$0x3FA9]  }
0x2e: {  	s3 =	simm.s32 @!p0 $0x1082;
	s9 =	sld [smem:$0x3FAA]  }
0x2f: {  	lr =	sadd.s32 s0, s3;
	s0 =	sld [smem:$0x3FA1]  }
0x30: {  	s3 =	sld [smem:$0x3FA4]  }
0x31: {  	[smem:$0x3FAD] =	sst s10  }
0x32: {  	s10 =	sld [smem:$0x3FAB];
	_ =	sdelay $0x3  }
0x33: {  	p0 =	seq.s32 s10, $0x1;
	s10 =	sld [smem:$0x3FAD];
	_ =	sdelay $0x3  }
0x34: {  	[smem:$0x3FAD] =	sst s10  }
0x35: {  	s10 =	sld [smem:$0x3FAC];
	_ =	sdelay $0x3  }
0x36: {  	p1 =	seq.s32 s10, $0x1;
	s10 =	sld [smem:$0x3FAD];
	_ =	sdelay $0x3  }
0x37: {  	[smem:$0x3FAD] =	sst s10  }
0x38: {  	s10 =	sld [smem:$0x3FAE]  }
0x39: {  	_ = 	snop;
	(pc) =	sbr.ind lr, $3  }
0x3a: {  	_ = 	snop  }
0x3b: {  	_ = 	snop  }
0x3c: {  	p2 =	seq.s32 s10, $0x1;
	s10 =	sld [smem:$0x3FAD]  }
0x3d: {  	_ =	shalt  }
0x3e: {  	_ =	shalt  }
0x3f: {  	_ =	shalt  }
0x40: {  	_ =	shalt  }
0x41: {  	_ =	shalt  }
0x42: {  	_ =	shalt  }
0x43: {  	_ =	shalt  }
0x44: {  	_ =	shalt  }
0x45: {  	_ =	shalt  }
0x46: {  	_ =	shalt  }
0x47: {  	_ =	shalt  }
0x48: {  	_ =	shalt  }
0x49: {  	_ =	shalt  }
0x4a: {  	_ =	shalt  }
0x4b: {  	_ =	shalt  }
0x4c: {  	_ =	shalt  }
0x4d: {  	_ =	shalt  }
0x4e: {  	_ =	shalt  }
0x4f: {  	_ =	shalt  }
0x50: {  	_ =	shalt  }
0x51: {  	_ =	shalt  }
0x52: {  	_ =	shalt  }
0x53: {  	_ =	shalt  }
0x54: {  	_ =	shalt  }
0x55: {  	_ =	shalt  }
0x56: {  	_ =	shalt  }
0x57: {  	_ =	shalt  }
0x58: {  	_ =	shalt  }
0x59: {  	_ =	shalt  }
0x5a: {  	_ =	shalt  }
0x5b: {  	_ =	shalt  }
0x5c: {  	_ =	shalt  }
0x5d: {  	_ =	shalt  }
0x5e: {  	_ =	shalt  }
0x5f: {  	_ =	shalt  }
0x60: {  	_ =	shalt  }
0x61: {  	_ =	shalt  }
0x62: {  	_ =	shalt  }
0x63: {  	_ =	shalt  }
0x64: {  	_ =	shalt  }
0x65: {  	_ =	shalt  }
0x66: {  	_ =	shalt  }
0x67: {  	_ =	shalt  }
0x68: {  	_ =	shalt  }
0x69: {  	_ =	shalt  }
0x6a: {  	_ =	shalt  }
0x6b: {  	_ =	shalt  }
0x6c: {  	_ =	shalt  }
0x6d: {  	_ =	shalt  }
0x6e: {  	_ =	shalt  }
0x6f: {  	_ =	shalt  }
0x70: {  	_ =	shalt  }
0x71: {  	_ =	shalt  }
0x72: {  	_ =	shalt  }
0x73: {  	_ =	shalt  }
0x74: {  	_ =	shalt  }
0x75: {  	_ =	shalt  }
0x76: {  	_ =	shalt  }
0x77: {  	_ =	shalt  }
0x78: {  	_ =	shalt  }
0x79: {  	_ =	shalt  }
0x7a: {  	_ =	shalt  }
0x7b: {  	_ =	shalt  }
0x7c: {  	_ =	shalt  }
0x7d: {  	_ =	shalt  }
0x7e: {  	_ =	shalt  }
0x7f: {  	_ =	shalt  }
0x80: {  	_ =	shalt  }
0x81: {  	_ =	shalt  }
0x82: {  	_ =	shalt  }
0x83: {  	_ =	shalt  }
0x84: {  	_ =	shalt  }
0x85: {  	_ =	shalt  }
0x86: {  	_ =	shalt  }
0x87: {  	_ =	shalt  }
.Lfunc_end0:
.L_simem_size_0:
called_computation.2_lowered:
.L_overlay_start_0:
0x88: {  	s2 =	sld [smem:$0x3FD9]  }
0x89: {  	s3 =	sld [smem:$0x3FFE];
	_ =	sdelay $0x1  }
0x8a: {  	s1 =	srdreg.scid  }
0x8b: {  	s0 =	sand.u32 $0x1, s1  }
0x8c: {  	s14 =	sshll.u32 s0, $0xA;
	s2 =	sadd.s32 s3, s2  }
0x8d: {  	s2 =	sadd.s32 s2, s14  }
0x8e: {  	[smem:$0x3FB9] =	sst s2  }
0x8f: {  	_ = 	snop  }
0x90: {  	s2 =	sld [smem:$0x3FD0];
	_ =	sdelay $0x2  }
0x91: {  	s15 =	simm.s32 $0xA;
	s4 =	simm.s32 $0x10  }
0x92: {  	[smem:s4], [sflag:s15] =	dma.local [hbm:s2], $0x1  }
0x93: {  	_ =	swait.eq [sflag:s15], $0x1  }
0x94: {  	[sflag:s15] =	ssyncset.done $0x0  }
0x95: {  	[sflag:s15] =	ssyncadd.s32 $0xFFFFFFFF  }
0x96: {  	s16 =	sld [smem:$0x10];
	(tm) =	ssettm $0x1  }
0x97: {  	s17 =	sld [smem:$0x3FFB];
	_ =	sdelay $0x3  }
0x98: {  	_ =	strace s17  }
0x99: {  	s3 =	sld [smem:$0x3FFC];
	_ =	sdelay $0x3  }
0x9a: {  	_ =	strace s3  }
0x9b: {  	s3 =	sld [smem:$0x3FFD];
	_ =	sdelay $0x3  }
0x9c: {  	_ =	strace s3  }
0x9d: {  	_ =	strace $0x8FFFFFFF  }
0x9e: {  	s18 =	sld [smem:$0x3FDB];
	_ =	sdelay $0x1  }
0x9f: {  	s19 =	simm.s32 $_scs_section_size  }
0xa0: {  	s5 =	simm.s32 $_size__tile_overlayer_lowered;
	s6 =	simm.s32 $_tile_overlayer_lowered  }
0xa1: {  	s22 =	simm.s32 $0x1BFF;
	s21 =	sshll.u32 s6, $0x1;
	s3 =	sadd.s32 s19, s18  }
0xa2: {  	s7 =	simm.s32 $0x0;
	s20 =	sshll.u32 s5, $0x1;
	s5 =	sadd.s32 s21, s3  }
0xa3: {  	[timem:s7], [sflag:s22] =	dma.local [hbm:s5], s20  }
0xa4: {  	_ =	swait.ge [sflag:s22], s20  }
0xa5: {  	s4 =	ssub.s32 $0x0, s20;
	[sflag:s22] =	ssyncset.done $0x0  }
0xa6: {  	[sflag:s22] =	ssyncadd.s32 s4;
	_ =	sdelay $0x1  }
0xa7: {  	s23 =	simm.s32 $0x1B8B  }
0xa8: {  	_ =	swait.ge [sflag:s23], $0x1  }
0xa9: {  	[sflag:s23] =	ssyncset.done $0x0  }
0xaa: {  	s25 =	simm.s32 $0x1B8E;
	s24 =	sld [smem:$0x3FFE];
	[sflag:s23] =	ssyncadd.s32 $0xFFFFFFFF  }
0xab: {  	s26 =	simm.s32 $execute0_lowered;
	[smem:$0x3FD2] =	sst s25  }
0xac: {  	s5 =	sshll.u32 s26, $0x1;
	_ =	strace $0x8000004C;
	[dreg:$0x1] =	wrdreg $0xFFFFFFFF  }
0xad: {  	s28 =	simm.s32 $_size_execute0_lowered;
	s3 =	sadd.s32 s3, s5;
	[dreg:$0x0] =	wrdreg $0x0  }
0xae: {  	s5 =	sshll.u32 s28, $0x1;
	[dreg:$0x2] =	wrdreg s3  }
0xaf: {  	[dreg:$0x3] =	wrdreg s5  }
0xb0: {  	[dreg:$0x4] =	wrdreg $0xC0  }
0xb1: {  	_ =	task [dreg:s7], $0x5FFFF  }
0xb2: {  	[dreg:$0x1] =	wrdreg $0xFFFFFFFF  }
0xb3: {  	[dreg:$0x0] =	wrdreg $0x60  }
0xb4: {  	[dreg:$0x2] =	wrdreg s24  }
0xb5: {  	[dreg:$0x3] =	wrdreg s16  }
0xb6: {  	[dreg:$0x4] =	wrdreg $0x9  }
0xb7: {  	_ =	task.clear_ibuf [dreg:s7], $0x5FFFF;
	_ =	strace $0x9000004C  }
0xb8: {  	s29 =	simm.s32 $0x9;
	_ =	strace $0x8000004E  }
0xb9: {  	_ =	swait.ge [sflag:s29], $0x1  }
0xba: {  	[sflag:s29] =	ssyncadd.s32 $0xFFFFFFFF  }
0xbb: {  	_ =	strace $0x9000004E  }
0xbc: {  	_ =	sfence  }
0xbd: {  	s30 =	sld [smem:$0x0];
	_ =	sdelay $0x2  }
0xbe: {  	s31 =	sshll.u32 s1, $0xD;
	s1 =	sshrl.u32 s1, $0x2  }
0xbf: {  	s3 =	sand.u32 $0x4000, s31;
	s1 =	sadd.s32 s1, s30  }
0xc0: {  	s0 =	sor.u32 s3, s0;
	s1 =	sshll.u32 s1, $0x11  }
0xc1: {  	s0 =	sor.u32 s1, s0  }
0xc2: {  	s0 =	sadd.s32 $0x8F2B, s0  }
0xc3: {  	[sflag:s0] =	ssyncadd.remote.s32 $0x1  }
0xc4: {  	_ =	sfence.sel $0xFFFF  }
0xc5: {  	[dreg:$0x0] =	wrdreg $0xFFFFFFFF;
	(pc) =	sbr.abs _section_cstart, $3  }
0xc6: {  	[dreg:$0x1] =	wrdreg $0xFFFFFFFF  }
0xc7: {  	_ =	task.clear_ibuf [dreg:s7], $0x2FFFF;
	_ =	strace $0x9FFFFFFF  }
0xc8: {  	(tm) =	ssettm $0x7FFFFFFF  }
0xc9: {  	_ =	shalt  }
tec
execute0_lowered:
.L_overlay_start_1:
0x0: {  	(tag) =	ssettag $0x1  }
0x1: {  	s4 =	rddreg [dreg:$0x0]  }
0x2: {  	s5 =	rddreg [dreg:$0x1];
	s2 =	simm.s32 $0x0;
	s3 =	srdreg.scid  }
0x3: {  	s0 =	stileid.u32;
	s13 =	simm.s32 $0x5400;
	s14 =	simm.s32 $0x1  }
0x4: {  	s15 =	simm.s32 $0x100;
	s16 =	simm.s32 $0x6800;
	s17 =	simm.s32 $0x2  }
0x5: {  	s18 =	simm.s32 $0x180;
	s19 =	simm.s32 $0x7C00;
	s20 =	simm.s32 $0x8  }
0x6: {  	s21 =	simm.s32 $0x5;
	s22 =	simm.s32 $0x0;
	[smem:$0x7FF] =	sst s2  }
0x7: {  	s6 =	sand.u32 $0x1, s3;
	s26 =	sshll.u32 s0, $0x1;
	s10 =	sadd.s32 $0x518400, s4  }
0x8: {  	s3 =	sadd.s32 $0x5C000, s4;
	s11 =	smul.u32 $0x27100, s0;
	_ =	strace $0x8000004D  }
0x9: {  	s7 =	sor.u32 s6, s26;
	s8 =	ssub.s32 $0x2, s6;
	s12 =	smul.u32 $0x13880, s6  }
0xa: {  	s9 =	smul.u32 $0x13880, s7;
	s28 =	sshrl.u32 s8, $0x1;
	s29 =	sshll.u32 s7, $0xB  }
0xb: {  	s30 =	sadd.s32 s11, s10;
	s11 =	simm.s32 $0x4000;
	s8 =	ssub.s32 s8, s28  }
0xc: {  	s4 =	sadd.s32 s5, s29;
	s31 =	sadd.s32 s12, s30;
	s12 =	simm.s32 $0x80  }
0xd: {  	s5 =	sadd.s32 s10, s9;
	s6 =	smax.u32 s8, $0x1;
	s8 =	sadd.s32 $0x500, s31  }
0xe: {  	s9 =	simm.s32 $0x9;
	s10 =	simm.s32 $0x28;
	s7 =	sadd.s32 $0x280, s5  }
.LBB2_1:
0xf: {  	[tilespmem:s2], [sflag:$0x9] =	stream.linear.gather [hbm4b:s4+s2], $0x4000, $0x38;
	[tilespmem:$0x9000] =	vst v63  }
0x10: {  	_ =	swait.ge [sflag:s9], $0x4000  }
0x11: {  	[sflag:s9] =	ssyncset.done $0x0  }
0x12: {  	[sflag:s9] =	ssyncadd.s32 $0xFFFFC000  }
0x13: {  	[tilespmem:s11], [sflag:$0x1] =	stream.indirect.gather [hbm4b:s3+s10], $0x80, s2, s10, $0xb8;
	[tilespmem:$0x9000] =	vst v63  }
0x14: {  	_ = 	snop  }
0x15: {  	[tilespmem:s13], [sflag:$0x2] =	stream.indirect.gather [hbm4b:s3+s10], $0x80, s12, s10, $0xb8;
	[tilespmem:$0x9000] =	vst v63  }
0x16: {  	_ =	swait.ge [sflag:s14], $0x1400  }
0x17: {  	[sflag:s14] =	ssyncset.done $0x0  }
0x18: {  	[sflag:s14] =	ssyncadd.s32 $0xFFFFEC00  }
0x19: {  	[hbm4b:s5+s2] =	stream.linear.scatter [tilespmem:s11], [sflag:$0x5], $0x1400, $0x38;
	[tilespmem:$0x9000] =	vst v63  }
0x1a: {  	_ = 	snop  }
0x1b: {  	[tilespmem:s16], [sflag:$0x3] =	stream.indirect.gather [hbm4b:s3+s10], $0x80, s15, s10, $0xb8;
	[tilespmem:$0x9000] =	vst v63  }
0x1c: {  	_ =	swait.ge [sflag:s17], $0x1400  }
0x1d: {  	s23 =	simm.s32 $0x2;
	[sflag:s17] =	ssyncset.done $0x0  }
0x1e: {  	s23 =	sand.u32 $0x3, s23;
	[sflag:s17] =	ssyncadd.s32 $0xFFFFEC00  }
0x1f: {  	[hbm4b:s7+s2] =	stream.linear.scatter [tilespmem:s13], [sflag:$0x6], $0x1400, $0x38;
	[tilespmem:$0x9000] =	vst v63  }
0x20: {  	s24 =	simm.s32 $0x4;
	s25 =	sadd.s32 $0x1, s23;
	s26 =	smul.u32 $0x5000, s23  }
0x21: {  	[tilespmem:s19], [sflag:$0x4] =	stream.indirect.gather [hbm4b:s3+s10], $0x80, s18, s10, $0xb8;
	[tilespmem:$0x9000] =	vst v63  }
0x22: {  	p0 =	por $0x0, $0x0;
	s28 =	sxor.u32 $0x2, s23;
	_ =	swait.ge [sflag:s25], $0x1400  }
0x23: {  	s23 =	sadd.s32 $0x5, s23;
	s26 =	sshrl.u32 s26, $0x2;
	[sflag:s25] =	ssyncset.done $0x0  }
0x24: {  	s31 =	sor.u32 $0x4000, s26;
	[sflag:s25] =	ssyncadd.s32 $0xFFFFEC00;
	s25 =	sand.u32 @!p0 $0x3, s24  }
0x25: {  	[hbm4b:s8+s2] =	stream.linear.scatter [tilespmem:s31], [sflag:s23], $0x1400, $0x38;
	[tilespmem:$0x9000] =	vst v63  }
0x26: {  	s29 =	sadd.s32 $0x5, s28;
	s24 =	simm.s32 $0x5;
	s26 =	smul.u32 @!p0 $0x5000, s25  }
0x27: {  	s23 =	simm.s32 $0x200;
	s28 =	sadd.s32 @!p0 $0x1, s25;
	_ =	swait.ge [sflag:s29], $0x1400  }
0x28: {  	s25 =	sadd.s32 $0x280, s8;
	[sflag:s29] =	ssyncset.done $0x0;
	s30 =	sshrl.u32 @!p0 s26, $0x2  }
0x29: {  	s26 =	simm.s32 $0x200;
	[sflag:s29] =	ssyncadd.s32 $0xFFFFEC00;
	s29 =	simm.s32 @!p0 $0x28  }
.LBB2_2:
0x2a: {  	s30 =	sor.u32 @!p0 $0x4000, s30  }
0x2b: {  	s23 =	sadd.s32 $0x80, s23;
	s31 =	smov.u32 s24;
	s24 =	sadd.s32 $0x1, s24  }
0x2c: {  	[tilespmem:s30], [sflag:s28] =	stream.indirect.gather @!p0 [hbm4b:s3+s29], $0x80, s26, s29, $0xb8;
	[tilespmem:$0x9000] =	vst v63  }
0x2d: {  	s28 =	sadd.s32 $0xFFFFFFFE, s31;
	p1 =	sne.s32 s24, $0x7F;
	s26 =	smov.u32 s23  }
0x2e: {  	s29 =	sand.u32 $0x3, s28;
	p0 =	sgt.u32 s28, $0x7A  }
0x2f: {  	s30 =	sadd.s32 $0x1, s29;
	s0 =	smul.u32 $0x5000, s29;
	s1 =	sxor.u32 $0x2, s29  }
0x30: {  	s29 =	sadd.s32 $0x5, s29;
	s1 =	sadd.s32 $0x5, s1;
	_ =	swait.ge [sflag:s30], $0x1400  }
0x31: {  	s28 =	sand.u32 @!p0 $0x3, s31;
	s0 =	sshrl.u32 s0, $0x2;
	[sflag:s30] =	ssyncset.done $0x0  }
.Ltmp0:
0x32: {  	s0 =	sor.u32 $0x4000, s0;
	[sflag:s30] =	ssyncadd.s32 $0xFFFFEC00;
	(pc) =	sbr.rel @p1 .LBB2_2-.Ltmp0, $4  }
0x33: {  	[hbm4b:s25+s2] =	stream.linear.scatter [tilespmem:s0], [sflag:s29], $0x1400, $0x38;
	[tilespmem:$0x9000] =	vst v63  }
0x34: {  	s0 =	smul.u32 @!p0 $0x5000, s28;
	s28 =	sadd.s32 @!p0 $0x1, s28;
	_ =	swait.ge [sflag:s1], $0x1400  }
0x35: {  	s25 =	sadd.s32 $0x280, s25;
	[sflag:s1] =	ssyncset.done $0x0  }
0x36: {  	s29 =	simm.s32 @!p0 $0x28;
	s30 =	sshrl.u32 @!p0 s0, $0x2;
	[sflag:s1] =	ssyncadd.s32 $0xFFFFEC00  }
0x37: {  	s0 =	sor.u32 @!p0 $0x4000, s30;
	s22 =	sadd.s32 $0x1, s22  }
0x38: {  	[tilespmem:s0], [sflag:s28] =	stream.indirect.gather @!p0 [hbm4b:s3+s29], $0x80, s26, s29, $0xb8;
	[tilespmem:$0x9000] =	vst v63  }
0x39: {  	p0 =	sne.s32 s22, s6;
	_ =	swait.ge [sflag:s20], $0x1400  }
.Ltmp1:
0x3a: {  	[sflag:s20] =	ssyncset.done $0x0;
	(pc) =	sbr.rel @p0 .LBB2_1-.Ltmp1, $4  }
0x3b: {  	[sflag:s20] =	ssyncadd.s32 $0xFFFFEC00  }
0x3c: {  	_ =	swait.ge [sflag:s21], $0x1400  }
0x3d: {  	[sflag:s21] =	ssyncset.done $0x0  }
0x3e: {  	[sflag:s21] =	ssyncadd.s32 $0xFFFFEC00  }
0x3f: {  	_ =	sfence.sel $0x180000  }
0x40: {  	[bflag:$0x0] =	sbarrier.arrive $0xFFFF  }
0x41: {  	_ =	strace $0x9000004D  }
0x42: {  	s0 =	stileid.u32;
	[bflag:$0x2] =	sbarrier.arrive $0xFFFF  }
0x43: {  	p0 =	sne.s32 s0, $0x0;
	s0 =	rddreg [dreg:$0x2]  }
0x44: {  	s0 =	sadd.s32 @!p0 $0x100000, s0  }
0x45: {  	[sflag:s0] =	ssyncadd.tile.s32 @!p0 $0x1;
	_ =	shalt  }
.Lfunc_end2:
_tile_overlayer_lowered:
.L_overlay_start_2:
0x46: {  	(tag) =	ssettag $0x2  }
0x47: {  	s0 =	rddreg [dreg:$0x0];
	s2 =	stileid.u32  }
0x48: {  	s1 =	rddreg [dreg:$0x1];
	p0 =	sne.s32 s2, $0x0  }
0x49: {  	s3 =	rddreg [dreg:$0x2];
	[bflag:$0x3] =	sbarrier.arrive $0xFFFF;
	s2 =	simm.s32 @!p0 $0x1C09  }
0x4a: {  	[timem:s3], [sflag:s2] =	dma.local @!p0 [hbm:s0], s1  }
0x4b: {  	s0 =	simm.s32 @!p0 $0x9  }
0x4c: {  	_ =	swait.ge @!p0 [sflag:s0], s1  }
0x4d: {  	s1 =	ssub.s32 @!p0 $0x0, s1;
	[sflag:s0] =	ssyncset.done @!p0 $0x0  }
0x4e: {  	[sflag:s0] =	ssyncadd.s32 @!p0 s1  }
0x4f: {  	[bflag:$0x3] =	sbarrier.arrive $0xFFFF  }
0x50: {  	_ =	shalt  }

// kernel: kernel.27.cloned.1.call-start
scs
__scs_entry_jumppad:
0x0: {  	(pc) =	sbr.rel $0x88, $3  }
0x1: {  	(tag) =	ssettag $0x0;
	lr =	simm.s32 $0x1  }
0x2: {  	[smem:$0x3F92] =	sst lr;
	_ =	strace $0xD0000000  }
0x3: {  	_ = 	snop  }
0x4: {  	_ = 	snop  }
0x5: {  	_ = 	snop  }
0x6: {  	_ = 	snop  }
0x7: {  	_ = 	snop  }
__scs_overlays_trampoline_lowered:
0x8: {  	[smem:$0x3FA1] =	sst s0  }
0x9: {  	[smem:$0x3FA2] =	sst s1  }
0xa: {  	[smem:$0x3FA3] =	sst s2  }
0xb: {  	[smem:$0x3FA4] =	sst s3  }
0xc: {  	[smem:$0x3FA5] =	sst s4  }
0xd: {  	[smem:$0x3FA6] =	sst s5  }
0xe: {  	[smem:$0x3FA7] =	sst s6  }
0xf: {  	[smem:$0x3FA8] =	sst s7  }
0x10: {  	[smem:$0x3FA9] =	sst s8  }
0x11: {  	[smem:$0x3FAA] =	sst s9;
	s0 =	simm.s32 @!p0 $0x0  }
0x12: {  	s1 =	sld [smem:$0x3F90];
	s0 =	simm.s32 @p0 $0x1  }
0x13: {  	[smem:$0x3FAB] =	sst s0;
	s0 =	simm.s32 @!p1 $0x0  }
0x14: {  	s2 =	sld [smem:$0x3F8F];
	s0 =	simm.s32 @p1 $0x1  }
0x15: {  	[smem:$0x3FAC] =	sst s0;
	s0 =	simm.s32 @!p2 $0x0  }
0x16: {  	s3 =	sld [smem:$0x3FDB];
	s0 =	simm.s32 @p2 $0x1  }
0x17: {  	s4 =	simm.s32 $0x1BF5;
	[smem:$0x3FAE] =	sst s0  }
0x18: {  	s0 =	sld [smem:$0x3F91];
	_ =	swait.ge [sflag:s4], $0x0  }
0x19: {  	s7 =	sld [smem:$0x3F92]  }
0x1a: {  	s8 =	sadd.s32 $0xFFFFE003, lr  }
0x1b: {  	s9 =	sadd.s32 $0xFFFFFEF7, lr;
	s5 =	simm.s32 $0xFFFFFFFF;
	p2 =	slt.u32 s8, $0xFFFFF086  }
0x1c: {  	p1 =	slt.u32 s9, $0xF7A;
	s5 =	simm.s32 @!p2 $0x0  }
0x1d: {  	s5 =	simm.s32 @p1 $0x1;
	p0 =	seq.s32 s7, s2  }
0x1e: {  	s7 =	smul.u32 @!p0 $0xF7A, s2;
	p2 =	seq.s32 @!p0 s5, $0x0  }
0x1f: {  	s9 =	smul.u32 $0xF7A, s1;
	s8 =	simm.s32 @!p0 $0x1BF5;
	p2 =	por !p2, p0  }
0x20: {  	[sflag:s8] =	ssyncset.s32 @!p0 $0xFFFFF086;
	s6 =	sadd.s32 @!p0 s3, s7;
	s7 =	simm.s32 @!p0 $0x108  }
0x21: {  	s3 =	sadd.s32 s3, s9;
	s6 =	sadd.s32 @!p0 $0x88, s6;
	s7 =	simm.s32 @p2 $0x1082  }
0x22: {  	[simem:s7], [sflag:s8] =	dma.local @!p0 [hbm:s6], $0xF7A  }
0x23: {  	s9 =	sor.u32 $0xD0000000, s2;
	s6 =	simm.s32 $0x108;
	_ =	swait.ge @!p0 [sflag:s8], $0x0  }
0x24: {  	s3 =	sadd.s32 $0x88, s3;
	s6 =	simm.s32 @!p1 $0x1082;
	[sflag:s4] =	ssyncset.s32 $0xFFFFF086  }
0x25: {  	[simem:s6], [sflag:s4] =	dma.local [hbm:s3], $0xF7A  }
0x26: {  	[smem:$0x3F92] =	sst s1;
	(tag) =	ssettag s2;
	_ =	strace s9  }
0x27: {  	s1 =	sld [smem:$0x3FA2]  }
0x28: {  	s2 =	sld [smem:$0x3FA3]  }
0x29: {  	s4 =	sld [smem:$0x3FA5]  }
0x2a: {  	p0 =	seq.s32 s5, $0x0;
	s5 =	sld [smem:$0x3FA6]  }
0x2b: {  	s6 =	sld [smem:$0x3FA7]  }
0x2c: {  	s7 =	sld [smem:$0x3FA8]  }
0x2d: {  	s3 =	simm.s32 $0x108;
	s8 =	sld [smem:$0x3FA9]  }
0x2e: {  	s3 =	simm.s32 @!p0 $0x1082;
	s9 =	sld [smem:$0x3FAA]  }
0x2f: {  	lr =	sadd.s32 s0, s3;
	s0 =	sld [smem:$0x3FA1]  }
0x30: {  	s3 =	sld [smem:$0x3FA4]  }
0x31: {  	[smem:$0x3FAD] =	sst s10  }
0x32: {  	s10 =	sld [smem:$0x3FAB];
	_ =	sdelay $0x3  }
0x33: {  	p0 =	seq.s32 s10, $0x1;
	s10 =	sld [smem:$0x3FAD];
	_ =	sdelay $0x3  }
0x34: {  	[smem:$0x3FAD] =	sst s10  }
0x35: {  	s10 =	sld [smem:$0x3FAC];
	_ =	sdelay $0x3  }
0x36: {  	p1 =	seq.s32 s10, $0x1;
	s10 =	sld [smem:$0x3FAD];
	_ =	sdelay $0x3  }
0x37: {  	[smem:$0x3FAD] =	sst s10  }
0x38: {  	s10 =	sld [smem:$0x3FAE]  }
0x39: {  	_ = 	snop;
	(pc) =	sbr.ind lr, $3  }
0x3a: {  	_ = 	snop  }
0x3b: {  	_ = 	snop  }
0x3c: {  	p2 =	seq.s32 s10, $0x1;
	s10 =	sld [smem:$0x3FAD]  }
0x3d: {  	_ =	shalt  }
0x3e: {  	_ =	shalt  }
0x3f: {  	_ =	shalt  }
0x40: {  	_ =	shalt  }
0x41: {  	_ =	shalt  }
0x42: {  	_ =	shalt  }
0x43: {  	_ =	shalt  }
0x44: {  	_ =	shalt  }
0x45: {  	_ =	shalt  }
0x46: {  	_ =	shalt  }
0x47: {  	_ =	shalt  }
0x48: {  	_ =	shalt  }
0x49: {  	_ =	shalt  }
0x4a: {  	_ =	shalt  }
0x4b: {  	_ =	shalt  }
0x4c: {  	_ =	shalt  }
0x4d: {  	_ =	shalt  }
0x4e: {  	_ =	shalt  }
0x4f: {  	_ =	shalt  }
0x50: {  	_ =	shalt  }
0x51: {  	_ =	shalt  }
0x52: {  	_ =	shalt  }
0x53: {  	_ =	shalt  }
0x54: {  	_ =	shalt  }
0x55: {  	_ =	shalt  }
0x56: {  	_ =	shalt  }
0x57: {  	_ =	shalt  }
0x58: {  	_ =	shalt  }
0x59: {  	_ =	shalt  }
0x5a: {  	_ =	shalt  }
0x5b: {  	_ =	shalt  }
0x5c: {  	_ =	shalt  }
0x5d: {  	_ =	shalt  }
0x5e: {  	_ =	shalt  }
0x5f: {  	_ =	shalt  }
0x60: {  	_ =	shalt  }
0x61: {  	_ =	shalt  }
0x62: {  	_ =	shalt  }
0x63: {  	_ =	shalt  }
0x64: {  	_ =	shalt  }
0x65: {  	_ =	shalt  }
0x66: {  	_ =	shalt  }
0x67: {  	_ =	shalt  }
0x68: {  	_ =	shalt  }
0x69: {  	_ =	shalt  }
0x6a: {  	_ =	shalt  }
0x6b: {  	_ =	shalt  }
0x6c: {  	_ =	shalt  }
0x6d: {  	_ =	shalt  }
0x6e: {  	_ =	shalt  }
0x6f: {  	_ =	shalt  }
0x70: {  	_ =	shalt  }
0x71: {  	_ =	shalt  }
0x72: {  	_ =	shalt  }
0x73: {  	_ =	shalt  }
0x74: {  	_ =	shalt  }
0x75: {  	_ =	shalt  }
0x76: {  	_ =	shalt  }
0x77: {  	_ =	shalt  }
0x78: {  	_ =	shalt  }
0x79: {  	_ =	shalt  }
0x7a: {  	_ =	shalt  }
0x7b: {  	_ =	shalt  }
0x7c: {  	_ =	shalt  }
0x7d: {  	_ =	shalt  }
0x7e: {  	_ =	shalt  }
0x7f: {  	_ =	shalt  }
0x80: {  	_ =	shalt  }
0x81: {  	_ =	shalt  }
0x82: {  	_ =	shalt  }
0x83: {  	_ =	shalt  }
0x84: {  	_ =	shalt  }
0x85: {  	_ =	shalt  }
0x86: {  	_ =	shalt  }
0x87: {  	_ =	shalt  }
.Lfunc_end0:
.L_simem_size_0:
called_computation.3_lowered:
.L_overlay_start_0:
0x88: {  	s2 =	sld [smem:$0x3FD9]  }
0x89: {  	s3 =	sld [smem:$0x3FFE];
	_ =	sdelay $0x1  }
0x8a: {  	s1 =	srdreg.scid  }
0x8b: {  	s0 =	sand.u32 $0x1, s1  }
0x8c: {  	s14 =	sshll.u32 s0, $0xA;
	s2 =	sadd.s32 s3, s2  }
0x8d: {  	s2 =	sadd.s32 s2, s14  }
0x8e: {  	[smem:$0x3FB9] =	sst s2  }
0x8f: {  	_ = 	snop  }
0x90: {  	s2 =	sld [smem:$0x3FD0];
	_ =	sdelay $0x2  }
0x91: {  	s15 =	simm.s32 $0xA;
	s4 =	simm.s32 $0x10  }
0x92: {  	[smem:s4], [sflag:s15] =	dma.local [hbm:s2], $0x1  }
0x93: {  	_ =	swait.eq [sflag:s15], $0x1  }
0x94: {  	[sflag:s15] =	ssyncset.done $0x0  }
0x95: {  	[sflag:s15] =	ssyncadd.s32 $0xFFFFFFFF  }
0x96: {  	s16 =	sld [smem:$0x10];
	(tm) =	ssettm $0x1  }
0x97: {  	s17 =	sld [smem:$0x3FFB];
	_ =	sdelay $0x3  }
0x98: {  	_ =	strace s17  }
0x99: {  	s3 =	sld [smem:$0x3FFC];
	_ =	sdelay $0x3  }
0x9a: {  	_ =	strace s3  }
0x9b: {  	s3 =	sld [smem:$0x3FFD];
	_ =	sdelay $0x3  }
0x9c: {  	_ =	strace s3  }
0x9d: {  	_ =	strace $0x8FFFFFFF  }
0x9e: {  	s18 =	sld [smem:$0x3FDB];
	_ =	sdelay $0x1  }
0x9f: {  	s19 =	simm.s32 $_scs_section_size  }
0xa0: {  	s5 =	simm.s32 $_size__tile_overlayer_lowered;
	s6 =	simm.s32 $_tile_overlayer_lowered  }
0xa1: {  	s22 =	simm.s32 $0x1BFF;
	s21 =	sshll.u32 s6, $0x1;
	s3 =	sadd.s32 s19, s18  }
0xa2: {  	s7 =	simm.s32 $0x0;
	s20 =	sshll.u32 s5, $0x1;
	s5 =	sadd.s32 s21, s3  }
0xa3: {  	[timem:s7], [sflag:s22] =	dma.local [hbm:s5], s20  }
0xa4: {  	_ =	swait.ge [sflag:s22], s20  }
0xa5: {  	s4 =	ssub.s32 $0x0, s20;
	[sflag:s22] =	ssyncset.done $0x0  }
0xa6: {  	[sflag:s22] =	ssyncadd.s32 s4;
	_ =	sdelay $0x1  }
0xa7: {  	s23 =	simm.s32 $0x1B8B  }
0xa8: {  	_ =	swait.ge [sflag:s23], $0x1  }
0xa9: {  	[sflag:s23] =	ssyncset.done $0x0  }
0xaa: {  	s25 =	simm.s32 $0x1B8E;
	s24 =	sld [smem:$0x3FFE];
	[sflag:s23] =	ssyncadd.s32 $0xFFFFFFFF  }
0xab: {  	s26 =	simm.s32 $execute0_lowered;
	[smem:$0x3FD2] =	sst s25  }
0xac: {  	s5 =	sshll.u32 s26, $0x1;
	_ =	strace $0x8000004F;
	[dreg:$0x1] =	wrdreg $0xFFFFFFFF  }
0xad: {  	s28 =	simm.s32 $_size_execute0_lowered;
	s3 =	sadd.s32 s3, s5;
	[dreg:$0x0] =	wrdreg $0x0  }
0xae: {  	s5 =	sshll.u32 s28, $0x1;
	[dreg:$0x2] =	wrdreg s3  }
0xaf: {  	[dreg:$0x3] =	wrdreg s5  }
0xb0: {  	[dreg:$0x4] =	wrdreg $0xC0  }
0xb1: {  	_ =	task [dreg:s7], $0x5FFFF  }
0xb2: {  	[dreg:$0x1] =	wrdreg $0xFFFFFFFF  }
0xb3: {  	[dreg:$0x0] =	wrdreg $0x60  }
0xb4: {  	[dreg:$0x2] =	wrdreg s24  }
0xb5: {  	[dreg:$0x3] =	wrdreg s16  }
0xb6: {  	[dreg:$0x4] =	wrdreg $0x9  }
0xb7: {  	_ =	task.clear_ibuf [dreg:s7], $0x5FFFF;
	_ =	strace $0x9000004F  }
0xb8: {  	s29 =	simm.s32 $0x9;
	_ =	strace $0x80000051  }
0xb9: {  	_ =	swait.ge [sflag:s29], $0x1  }
0xba: {  	[sflag:s29] =	ssyncadd.s32 $0xFFFFFFFF  }
0xbb: {  	_ =	strace $0x90000051  }
0xbc: {  	_ =	sfence  }
0xbd: {  	s30 =	sld [smem:$0x0];
	_ =	sdelay $0x2  }
0xbe: {  	s31 =	sshll.u32 s1, $0xD;
	s1 =	sshrl.u32 s1, $0x2  }
0xbf: {  	s3 =	sand.u32 $0x4000, s31;
	s1 =	sadd.s32 s1, s30  }
0xc0: {  	s0 =	sor.u32 s3, s0;
	s1 =	sshll.u32 s1, $0x11  }
0xc1: {  	s0 =	sor.u32 s1, s0  }
0xc2: {  	s0 =	sadd.s32 $0x8F2B, s0  }
0xc3: {  	[sflag:s0] =	ssyncadd.remote.s32 $0x1  }
0xc4: {  	_ =	sfence.sel $0xFFFF  }
0xc5: {  	[dreg:$0x0] =	wrdreg $0xFFFFFFFF;
	(pc) =	sbr.abs _section_cstart, $3  }
0xc6: {  	[dreg:$0x1] =	wrdreg $0xFFFFFFFF  }
0xc7: {  	_ =	task.clear_ibuf [dreg:s7], $0x2FFFF;
	_ =	strace $0x9FFFFFFF  }
0xc8: {  	(tm) =	ssettm $0x7FFFFFFF  }
0xc9: {  	_ =	shalt  }
tec
execute0_lowered:
.L_overlay_start_1:
0x0: {  	(tag) =	ssettag $0x1  }
0x1: {  	s1 =	srdreg.scid;
	s0 =	stileid.u32  }
0x2: {  	s5 =	rddreg [dreg:$0x0];
	s6 =	sand.u32 $0x1, s1;
	s31 =	sshll.u32 s0, $0x1  }
0x3: {  	s9 =	rddreg [dreg:$0x1];
	s2 =	simm.s32 $0x0;
	s10 =	sor.u32 s6, s31  }
0x4: {  	s4 =	simm.s32 $0x9;
	s1 =	rddreg [dreg:$0x2];
	s3 =	sshll.u32 s10, $0x7  }
0x5: {  	s7 =	simm.s32 $0x400;
	[smem:$0x7FF] =	sst s2;
	s3 =	sadd.s32 s3, s5  }
0x6: {  	_ =	strace $0x80000050;
	s11 =	ssub.s32 $0x2, s6;
	s3 =	sadd.s32 $0x9E00, s3  }
0x7: {  	[tilespmem:s2], [sflag:$0x9] =	stream.linear.gather [hbm4b:s3+s2], $0x400, $0x38;
	[tilespmem:$0x10400] =	vst v63  }
0x8: {  	s8 =	simm.s32 $0x1;
	s12 =	sshrl.u32 s11, $0x1;
	_ =	swait.ge [sflag:s4], $0x400  }
0x9: {  	s6 =	simm.s32 $0x80;
	s11 =	ssub.s32 s11, s12;
	[sflag:s4] =	ssyncset.done $0x0  }
0xa: {  	s5 =	sadd.s32 $0xAE00, s5;
	s11 =	smax.u32 s11, $0x1;
	[sflag:s4] =	ssyncadd.s32 $0xFFFFFC00  }
0xb: {  	[tilespmem:s7], [sflag:$0x1] =	stream.indirect.gather [hbm4b:s5+s6], $0x80, s2, s6, $0xb8;
	[tilespmem:$0x10400] =	vst v63  }
0xc: {  	p0 =	sne.s32 s11, $0x1;
	_ =	swait.ge [sflag:s8], $0x4000  }
.Ltmp0:
0xd: {  	s10 =	sshll.u32 s10, $0xB;
	[sflag:s8] =	ssyncset.done $0x0;
	(pc) =	sbr.rel @!p0 .LBB2_2-.Ltmp0, $4  }
0xe: {  	s9 =	sadd.s32 s9, s10;
	s10 =	simm.s32 $0x5;
	[sflag:s8] =	ssyncadd.s32 $0xFFFFC000  }
0xf: {  	[hbm4b:s9+s2] =	stream.linear.scatter [tilespmem:s7], [sflag:$0x5], $0x4000, $0x38;
	[tilespmem:$0x10400] =	vst v63  }
0x10: {  	_ =	swait.ge [sflag:s10], $0x4000  }
0x11: {  	s11 =	sadd.s32 $0xFFFFFFFF, s11;
	[sflag:s10] =	ssyncset.done $0x0  }
.LBB2_1:
0x12: {  	p0 =	sne.s32 s11, $0x1;
	s11 =	sadd.s32 $0xFFFFFFFF, s11;
	[sflag:s10] =	ssyncadd.s32 $0xFFFFC000  }
0x13: {  	[tilespmem:s2], [sflag:$0x9] =	stream.linear.gather [hbm4b:s3+s2], $0x400, $0x38;
	[tilespmem:$0x10400] =	vst v63  }
0x14: {  	_ =	swait.ge [sflag:s4], $0x400  }
0x15: {  	[sflag:s4] =	ssyncset.done $0x0  }
0x16: {  	[sflag:s4] =	ssyncadd.s32 $0xFFFFFC00  }
0x17: {  	[tilespmem:s7], [sflag:$0x1] =	stream.indirect.gather [hbm4b:s5+s6], $0x80, s2, s6, $0xb8;
	[tilespmem:$0x10400] =	vst v63  }
0x18: {  	_ =	swait.ge [sflag:s8], $0x4000  }
.Ltmp1:
0x19: {  	[sflag:s8] =	ssyncset.done $0x0;
	(pc) =	sbr.rel @p0 .LBB2_1-.Ltmp1, $4  }
0x1a: {  	[sflag:s8] =	ssyncadd.s32 $0xFFFFC000  }
0x1b: {  	[hbm4b:s9+s2] =	stream.linear.scatter [tilespmem:s7], [sflag:$0x5], $0x4000, $0x38;
	[tilespmem:$0x10400] =	vst v63  }
0x1c: {  	_ =	swait.ge [sflag:s10], $0x4000  }
0x1d: {  	[sflag:s10] =	ssyncset.done $0x0  }
.LBB2_2:
0x1e: {  	[sflag:s10] =	ssyncadd.s32 $0xFFFFC000  }
0x1f: {  	_ =	sfence.sel $0x180000  }
0x20: {  	[bflag:$0x0] =	sbarrier.arrive $0xFFFF  }
0x21: {  	p0 =	sne.s32 s0, $0x0;
	_ =	strace $0x90000050  }
0x22: {  	s0 =	sadd.s32 @!p0 $0x100000, s1;
	[bflag:$0x2] =	sbarrier.arrive $0xFFFF  }
0x23: {  	[sflag:s0] =	ssyncadd.tile.s32 @!p0 $0x1;
	_ =	shalt  }
.Lfunc_end2:
_tile_overlayer_lowered:
.L_overlay_start_2:
0x24: {  	(tag) =	ssettag $0x2  }
0x25: {  	s0 =	rddreg [dreg:$0x0];
	s2 =	stileid.u32  }
0x26: {  	s1 =	rddreg [dreg:$0x1];
	p0 =	sne.s32 s2, $0x0  }
0x27: {  	s3 =	rddreg [dreg:$0x2];
	[bflag:$0x3] =	sbarrier.arrive $0xFFFF;
	s2 =	simm.s32 @!p0 $0x1C09  }
0x28: {  	[timem:s3], [sflag:s2] =	dma.local @!p0 [hbm:s0], s1  }
0x29: {  	s0 =	simm.s32 @!p0 $0x9  }
0x2a: {  	_ =	swait.ge @!p0 [sflag:s0], s1  }
0x2b: {  	s1 =	ssub.s32 @!p0 $0x0, s1;
	[sflag:s0] =	ssyncset.done @!p0 $0x0  }
0x2c: {  	[sflag:s0] =	ssyncadd.s32 @!p0 s1  }
0x2d: {  	[bflag:$0x3] =	sbarrier.arrive $0xFFFF  }
0x2e: {  	_ =	shalt  }

</sc_bundles>
